<compile_context>
chip_gen: v7x
topology: tpu7x:2x2x1
jax: 0.10.2.dev20260603
libtpu: 0.0.44.dev20260713+nightly
codegen_flags: <defaults>
</compile_context>

<pallas_src>
import functools

import jax
import jax.numpy as jnp
from jax import lax
from jax.experimental import pallas as pl
from jax.experimental.pallas import tpu as pltpu
from jax.experimental.pallas import tpu_sc as plsc

_N = 10000
_E = 320000
_NF = 128
_EF = 16
_MSG = 128
_HID = 300
_NH = 128
_NP = 1
_G = 64

_NC = 2
_NS = 16
_NW = _NC * _NS

_S = 128
_ROWS_PER_TILE = 80
_EPAD = _NW * _ROWS_PER_TILE * _S
_IDX_BLK = 8
_NPAD = 10240
_DEAD_ROW = 10200
_RPT = _NPAD // _NS

_BE = 2560
_BN = 1000


def _bdot(a, b):
  return jax.lax.dot(a.astype(jnp.bfloat16), b.astype(jnp.bfloat16),
                     preferred_element_type=jnp.float32)


def _sc_gather(x, src3, dst3):
  mesh = plsc.VectorSubcoreMesh(core_axis_name="c", subcore_axis_name="s")
  nrows = src3.shape[0]
  epad = nrows * _S
  rpt = nrows // _NW

  @functools.partial(
      pl.kernel, mesh=mesh,
      out_type=(jax.ShapeDtypeStruct((epad, _NF), jnp.float32),
                jax.ShapeDtypeStruct((epad, _NF), jnp.float32)),
      scratch_types=[
          pltpu.VMEM((rpt, _S), jnp.int32),
          pltpu.VMEM((rpt, _S), jnp.int32),
          pltpu.VMEM((_S, _NF), jnp.float32),
          pltpu.VMEM((_S, _NF), jnp.float32),
          pltpu.VMEM((_S, _NF), jnp.float32),
          pltpu.VMEM((_S, _NF), jnp.float32),
          pltpu.SemaphoreType.DMA, pltpu.SemaphoreType.DMA,
          pltpu.SemaphoreType.DMA, pltpu.SemaphoreType.DMA,
          pltpu.SemaphoreType.DMA, pltpu.SemaphoreType.DMA,
          pltpu.SemaphoreType.DMA, pltpu.SemaphoreType.DMA,
      ],
  )
  def k(x_hbm, src_hbm, dst_hbm, xi_hbm, xj_hbm,
        si_v, di_v, ri0, ri1, rj0, rj1,
        sgi0, sgi1, sgj0, sgj1, swi0, swi1, swj0, swj1):
    wid = lax.axis_index("s") * _NC + lax.axis_index("c")
    row0 = wid * rpt
    NR = rpt
    ri = (ri0, ri1)
    rj = (rj0, rj1)
    sgi = (sgi0, sgi1)
    sgj = (sgj0, sgj1)
    swi = (swi0, swi1)
    swj = (swj0, swj1)

    pltpu.sync_copy(dst_hbm.at[pl.ds(row0, NR)], di_v)
    pltpu.sync_copy(src_hbm.at[pl.ds(row0, NR)], si_v)

    pltpu.async_copy(x_hbm.at[di_v.at[0]], ri0, sgi0)
    pltpu.async_copy(x_hbm.at[si_v.at[0]], rj0, sgj0)

    @pl.loop(0, NR, step=2)
    def _(j):
      for b in range(2):
        jj = j + b
        nb = 1 - b

        @pl.when(jj + 1 < NR)
        def _():
          @pl.when(jj >= 1)
          def _():
            eo = (row0 + jj - 1) * _S
            pltpu.make_async_copy(
                ri[nb], xi_hbm.at[pl.ds(eo, _S)], swi[nb]).wait()
            pltpu.make_async_copy(
                rj[nb], xj_hbm.at[pl.ds(eo, _S)], swj[nb]).wait()
          pltpu.async_copy(x_hbm.at[di_v.at[jj + 1]], ri[nb], sgi[nb])
          pltpu.async_copy(x_hbm.at[si_v.at[jj + 1]], rj[nb], sgj[nb])

        pltpu.make_async_copy(x_hbm.at[di_v.at[jj]], ri[b], sgi[b]).wait()
        pltpu.make_async_copy(x_hbm.at[si_v.at[jj]], rj[b], sgj[b]).wait()
        eoff = (row0 + jj) * _S
        pltpu.async_copy(ri[b], xi_hbm.at[pl.ds(eoff, _S)], swi[b])
        pltpu.async_copy(rj[b], xj_hbm.at[pl.ds(eoff, _S)], swj[b])

    eo0 = (row0 + NR - 2) * _S
    eo1 = (row0 + NR - 1) * _S
    pltpu.make_async_copy(ri0, xi_hbm.at[pl.ds(eo0, _S)], swi0).wait()
    pltpu.make_async_copy(rj0, xj_hbm.at[pl.ds(eo0, _S)], swj0).wait()
    pltpu.make_async_copy(ri1, xi_hbm.at[pl.ds(eo1, _S)], swi1).wait()
    pltpu.make_async_copy(rj1, xj_hbm.at[pl.ds(eo1, _S)], swj1).wait()

  return k(x, src3, dst3)


def _sc_scatter_add(msg, dst3, zrows):
  mesh = plsc.VectorSubcoreMesh(core_axis_name="c", subcore_axis_name="s")
  nrows = dst3.shape[0]
  rpt = nrows // _NW

  @functools.partial(
      pl.kernel, mesh=mesh,
      out_type=(jax.ShapeDtypeStruct((_NPAD, _MSG), jnp.float32),
                jax.ShapeDtypeStruct((_NPAD, _MSG), jnp.float32)),
      scratch_types=[
          pltpu.VMEM((_IDX_BLK, _S), jnp.int32),
          pltpu.VMEM((_S, _MSG), jnp.float32),
          pltpu.VMEM_SHARED((_NPAD, _MSG), jnp.float32),
      ],
  )
  def k(msg_hbm, dst_hbm, z_hbm, out0_hbm, out1_hbm,
        di_v, rows_v, acc_sh):
    cid = lax.axis_index("c")
    sid = lax.axis_index("s")
    wid = sid * _NC + cid
    row0 = wid * rpt

    pltpu.sync_copy(z_hbm, acc_sh.at[pl.ds(sid * _RPT, _RPT)])
    plsc.subcore_barrier()

    @pl.loop(0, rpt, step=_IDX_BLK)
    def _(j2):
      pltpu.sync_copy(dst_hbm.at[pl.ds(row0 + j2, _IDX_BLK)], di_v)

      @pl.loop(0, _IDX_BLK)
      def _(j):
        eoff = (row0 + j2 + j) * _S
        pltpu.sync_copy(msg_hbm.at[pl.ds(eoff, _S)], rows_v)
        pltpu.sync_copy(rows_v, acc_sh.at[di_v.at[j]], add=True)

    plsc.subcore_barrier()

    @pl.when(cid == 0)
    def _():
      pltpu.sync_copy(acc_sh.at[pl.ds(sid * _RPT, _RPT)],
                      out0_hbm.at[pl.ds(sid * _RPT, _RPT)])

    @pl.when(cid == 1)
    def _():
      pltpu.sync_copy(acc_sh.at[pl.ds(sid * _RPT, _RPT)],
                      out1_hbm.at[pl.ds(sid * _RPT, _RPT)])

  return k(msg, dst3, zrows)


def _edge_mlp(xi, xj, ea, dep, W1a, W1b, W1c, b1, W2, b2, W3, b3):
  epad = xi.shape[0]
  grid = (epad // _BE,)

  def body(xi_ref, xj_ref, ea_ref, dep_ref, W1a_ref, W1b_ref, W1c_ref, b1_ref,
           W2_ref, b2_ref, W3_ref, b3_ref, out_ref):
    cat = jnp.concatenate([xi_ref[...], xj_ref[...], ea_ref[...]], axis=1)
    W1 = jnp.concatenate([W1a_ref[...], W1b_ref[...], W1c_ref[...]], axis=0)
    h = _bdot(cat, W1) + b1_ref[...]
    h = jnp.maximum(h, 0.0)
    h = jnp.maximum(_bdot(h, W2_ref[...]) + b2_ref[...], 0.0)
    out_ref[...] = _bdot(h, W3_ref[...]) + b3_ref[...]

  full = lambda shape: pl.BlockSpec(shape, lambda i: (0, 0))
  return pl.pallas_call(
      body,
      grid=grid,
      in_specs=[
          pl.BlockSpec((_BE, _NF), lambda i: (i, 0)),
          pl.BlockSpec((_BE, _NF), lambda i: (i, 0)),
          pl.BlockSpec((_BE, _EF), lambda i: (i, 0)),
          pl.BlockSpec((8, _NF), lambda i: (0, 0)),
          full((_NF, _HID)),
          full((_NF, _HID)),
          full((_EF, _HID)),
          full((1, _HID)),
          full((_HID, _HID)),
          full((1, _HID)),
          full((_HID, _MSG)),
          full((1, _MSG)),
      ],
      out_specs=pl.BlockSpec((_BE, _MSG), lambda i: (i, 0)),
      out_shape=jax.ShapeDtypeStruct((epad, _MSG), jnp.float32),
  )(xi, xj, ea, dep, W1a, W1b, W1c, b1, W2, b2, W3, b3)


def _node_pool(x, a0, a1, a2, a3, batch3,
               Wn1a, Wn1b, bn1, Wn2, bn2, Wn3, bn3,
               Wg1, bg1, Wg2, bg2, Wg3, bg3):
  grid = (_N // _BN,)
  nsteps = _N // _BN

  def body(x_ref, a0_ref, a1_ref, a2_ref, a3_ref, b_ref,
           Wn1a_ref, Wn1b_ref, bn1_ref, Wn2_ref, bn2_ref, Wn3_ref, bn3_ref,
           Wg1_ref, bg1_ref, Wg2_ref, bg2_ref, Wg3_ref, bg3_ref,
           out_ref, sums_ref, cnt_ref):
    i = pl.program_id(0)

    @pl.when(i == 0)
    def _():
      sums_ref[...] = jnp.zeros_like(sums_ref)
      cnt_ref[...] = jnp.zeros_like(cnt_ref)

    aggr = (a0_ref[...] + a1_ref[...]) + (a2_ref[...] + a3_ref[...])
    cat = jnp.concatenate([x_ref[...], aggr], axis=1)
    Wn1 = jnp.concatenate([Wn1a_ref[...], Wn1b_ref[...]], axis=0)
    h = _bdot(cat, Wn1) + bn1_ref[...]
    h = jnp.maximum(h, 0.0)
    h = jnp.maximum(_bdot(h, Wn2_ref[...]) + bn2_ref[...], 0.0)
    h = _bdot(h, Wn3_ref[...]) + bn3_ref[...]

    bids = b_ref[0, 0, :]
    gids = lax.broadcasted_iota(jnp.int32, (1, _G), 1)
    oh = (bids[:, None] == gids).astype(jnp.float32)
    dn = (((0,), (0,)), ((), ()))
    h1 = h.astype(jnp.bfloat16).astype(jnp.float32)
    r1 = h - h1
    h2 = r1.astype(jnp.bfloat16).astype(jnp.float32)
    h3 = r1 - h2
    sums_ref[...] += (lax.dot_general(oh, h1, dn)
                      + lax.dot_general(oh, h2, dn)
                      + lax.dot_general(oh, h3, dn))
    ones = jnp.ones((_BN, _MSG), jnp.float32)
    cnt_ref[...] += lax.dot_general(oh, ones, dn)

    @pl.when(i == nsteps - 1)
    def _():
      pooled = sums_ref[...] / jnp.maximum(cnt_ref[...], 1.0)
      g = jnp.maximum(_bdot(pooled, Wg1_ref[...]) + bg1_ref[...], 0.0)
      g = jnp.maximum(_bdot(g, Wg2_ref[...]) + bg2_ref[...], 0.0)
      out_ref[...] = _bdot(g, Wg3_ref[...]) + bg3_ref[...]

  full = lambda shape: pl.BlockSpec(shape, lambda i: tuple(0 for _ in shape))
  return pl.pallas_call(
      body,
      grid=grid,
      in_specs=[
          pl.BlockSpec((_BN, _NF), lambda i: (i, 0)),
          pl.BlockSpec((_BN, _MSG), lambda i: (i, 0)),
          pl.BlockSpec((_BN, _MSG), lambda i: (i, 0)),
          pl.BlockSpec((_BN, _MSG), lambda i: (i, 0)),
          pl.BlockSpec((_BN, _MSG), lambda i: (i, 0)),
          pl.BlockSpec((1, 1, _BN), lambda i: (i, 0, 0)),
          full((_NF, _HID)),
          full((_MSG, _HID)),
          full((1, _HID)),
          full((_HID, _HID)),
          full((1, _HID)),
          full((_HID, _NH)),
          full((1, _NH)),
          full((_NH, _NH)),
          full((1, _NH)),
          full((_NH, _NH)),
          full((1, _NH)),
          full((_NH, _NP)),
          full((1, _NP)),
      ],
      out_specs=pl.BlockSpec((_G, _NP), lambda i: (0, 0)),
      out_shape=jax.ShapeDtypeStruct((_G, _NP), jnp.float32),
      scratch_shapes=[
          pltpu.VMEM((_G, _MSG), jnp.float32),
          pltpu.VMEM((_G, _MSG), jnp.float32),
      ],
  )(x, a0, a1, a2, a3, batch3,
    Wn1a, Wn1b, bn1, Wn2, bn2, Wn3, bn3,
    Wg1, bg1, Wg2, bg2, Wg3, bg3)


def kernel(x, edge_index, edge_attr, batch,
           msg_W1, msg_b1, msg_W2, msg_b2, msg_W3, msg_b3,
           node_W1, node_b1, node_W2, node_b2, node_W3, node_b3,
           glob_W1, glob_b1, glob_W2, glob_b2, glob_W3, glob_b3):
  src = edge_index[0]
  dst = edge_index[1]
  pad = _EPAD - _E
  src3 = jnp.concatenate(
      [src, jnp.zeros((pad,), jnp.int32)]).reshape(_EPAD // _S, _S)
  dst3g = jnp.concatenate(
      [dst, jnp.zeros((pad,), jnp.int32)]).reshape(_EPAD // _S, _S)
  dst3s = jnp.concatenate(
      [dst, jnp.full((pad,), _DEAD_ROW, jnp.int32)]).reshape(_EPAD // _S, _S)
  ea = jnp.concatenate([edge_attr, jnp.zeros((pad, _EF), jnp.float32)], axis=0)

  hr = (_EPAD // _S) // 2
  he = _EPAD // 2
  margs = (msg_W1[:_NF], msg_W1[_NF:2 * _NF], msg_W1[2 * _NF:],
           msg_b1.reshape(1, _HID),
           msg_W2, msg_b2.reshape(1, _HID),
           msg_W3, msg_b3.reshape(1, _MSG))
  zrows = jnp.zeros((_RPT, _MSG), jnp.float32)

  xi0, xj0 = _sc_gather(x, src3[:hr], dst3g[:hr])
  xi1, xj1 = _sc_gather(x, src3[hr:], dst3g[hr:])
  msg0 = _edge_mlp(xi0, xj0, ea[:he], xi1, *margs)
  msg1 = _edge_mlp(xi1, xj1, ea[he:], xi0, *margs)
  a0, a1 = _sc_scatter_add(msg0, dst3s[:hr], zrows)
  a2, a3 = _sc_scatter_add(msg1, dst3s[hr:], zrows)

  out = _node_pool(
      x, a0, a1, a2, a3, batch.reshape(_N // _BN, 1, _BN),
      node_W1[:_NF], node_W1[_NF:], node_b1.reshape(1, _HID),
      node_W2, node_b2.reshape(1, _HID),
      node_W3, node_b3.reshape(1, _NH),
      glob_W1, glob_b1.reshape(1, _NH),
      glob_W2, glob_b2.reshape(1, _NH),
      glob_W3, glob_b3.reshape(1, _NP))
  return out

# --- scband reference (transcript-rebuilt; emitter-appended) ---
"""Pipeline reference for scband-gnpool-mlp-60730837565915 (READ-ONLY COPY).

The authoritative reference and input builder live on the scoring server;
editing this copy changes nothing except your own understanding.
"""

import jax, jax.numpy as jnp
import numpy as np

N = 10000
E = 320000
NF = 128
EF = 16
MSG = 128
HID = 300
NH = 128
NP = 1
G = 64


def _mlp3(h, W1, b1, W2, b2, W3, b3):
    h = jax.nn.relu(h @ W1 + b1)
    h = jax.nn.relu(h @ W2 + b2)
    return h @ W3 + b3


def setup_inputs(seed: int = 0) -> dict:
    key = jax.random.key(seed)
    ks = jax.random.split(key, 24)

    def w(k, shape):
        return jax.random.normal(k, shape, dtype=jnp.float32) / np.sqrt(shape[0])

    inp = {}
    inp["x"] = jax.random.normal(ks[0], (N, NF), dtype=jnp.float32)
    inp["edge_index"] = jax.random.randint(ks[1], (2, E), 0, N, dtype=jnp.int32)
    inp["edge_attr"] = jax.random.normal(ks[2], (E, EF), dtype=jnp.float32)
    inp["batch"] = jnp.sort(jax.random.randint(ks[3], (N,), 0, G, dtype=jnp.int32))
    inp["msg_W1"] = w(ks[4], (2 * NF + EF, HID)); inp["msg_b1"] = jnp.zeros((HID,), jnp.float32)
    inp["msg_W2"] = w(ks[5], (HID, HID)); inp["msg_b2"] = jnp.zeros((HID,), jnp.float32)
    inp["msg_W3"] = w(ks[6], (HID, MSG)); inp["msg_b3"] = jnp.zeros((MSG,), jnp.float32)
    inp["node_W1"] = w(ks[7], (MSG + NF, HID)); inp["node_b1"] = jnp.zeros((HID,), jnp.float32)
    inp["node_W2"] = w(ks[8], (HID, HID)); inp["node_b2"] = jnp.zeros((HID,), jnp.float32)
    inp["node_W3"] = w(ks[9], (HID, NH)); inp["node_b3"] = jnp.zeros((NH,), jnp.float32)
    inp["glob_W1"] = w(ks[10], (NH, NH)); inp["glob_b1"] = jnp.zeros((NH,), jnp.float32)
    inp["glob_W2"] = w(ks[11], (NH, NH)); inp["glob_b2"] = jnp.zeros((NH,), jnp.float32)
    inp["glob_W3"] = w(ks[12], (NH, NP)); inp["glob_b3"] = jnp.zeros((NP,), jnp.float32)
    return inp


def reference(x, edge_index, edge_attr, batch,
              msg_W1, msg_b1, msg_W2, msg_b2, msg_W3, msg_b3,
              node_W1, node_b1, node_W2, node_b2, node_W3, node_b3,
              glob_W1, glob_b1, glob_W2, glob_b2, glob_W3, glob_b3):
    # GNrelu message passing (PyG convention: edge_index[0]=src j, edge_index[1]=dst i)
    src = edge_index[0]
    dst = edge_index[1]
    x_i = jnp.take(x, dst, axis=0)
    x_j = jnp.take(x, src, axis=0)
    tmp = jnp.concatenate([x_i, x_j, edge_attr], axis=1)
    msg = _mlp3(tmp, msg_W1, msg_b1, msg_W2, msg_b2, msg_W3, msg_b3)
    aggr = jax.ops.segment_sum(msg, dst, num_segments=N)  # aggr='add'
    h = _mlp3(jnp.concatenate([x, aggr], axis=1),
              node_W1, node_b1, node_W2, node_b2, node_W3, node_b3)
    # global_mean_pool over batch ids
    sums = jax.ops.segment_sum(h, batch, num_segments=G)
    cnt = jax.ops.segment_sum(jnp.ones((h.shape[0], 1), jnp.float32), batch, num_segments=G)
    pooled = sums / jnp.maximum(cnt, 1.0)
    # dropout(p=0.5) is identity in eval mode
    out = _mlp3(pooled, glob_W1, glob_b1, glob_W2, glob_b2, glob_W3, glob_b3)
    return out

if __name__ == "__main__":
    import jax
    _d = setup_inputs()
    print(jax.jit(kernel)(*tuple(_d.values())))

</pallas_src>

<mosaic_0001>
#map = affine_map<(d0, d1) -> (0, 0)>
module attributes {stable_mosaic.version = 14 : i64} {
  func.func @k(%arg0: i32, %arg1: i32, %arg2: memref<10000x128xf32, #tpu.memory_space<hbm>>, %arg3: memref<1280x128xi32, #tpu.memory_space<hbm>>, %arg4: memref<1280x128xi32, #tpu.memory_space<hbm>>, %arg5: memref<163840x128xf32, #tpu.memory_space<hbm>>, %arg6: memref<163840x128xf32, #tpu.memory_space<hbm>>, %arg7: memref<40x128xi32, #tpu.memory_space<vmem>>, %arg8: memref<40x128xi32, #tpu.memory_space<vmem>>, %arg9: memref<128x128xf32, #tpu.memory_space<vmem>>, %arg10: memref<128x128xf32, #tpu.memory_space<vmem>>, %arg11: memref<128x128xf32, #tpu.memory_space<vmem>>, %arg12: memref<128x128xf32, #tpu.memory_space<vmem>>, %arg13: memref<!tpu.dma_semaphore, #tpu.memory_space<semaphore_mem>>, %arg14: memref<!tpu.dma_semaphore, #tpu.memory_space<semaphore_mem>>, %arg15: memref<!tpu.dma_semaphore, #tpu.memory_space<semaphore_mem>>, %arg16: memref<!tpu.dma_semaphore, #tpu.memory_space<semaphore_mem>>, %arg17: memref<!tpu.dma_semaphore, #tpu.memory_space<semaphore_mem>>, %arg18: memref<!tpu.dma_semaphore, #tpu.memory_space<semaphore_mem>>, %arg19: memref<!tpu.dma_semaphore, #tpu.memory_space<semaphore_mem>>, %arg20: memref<!tpu.dma_semaphore, #tpu.memory_space<semaphore_mem>>) attributes {dimension_semantics = [#tpu.dimension_semantics<core_parallel>, #tpu.dimension_semantics<subcore_parallel>], iteration_bounds = array<i64: 2, 16>, scalar_prefetch = 0 : i64, scratch_operands = 14 : i64, tpu.core_type = #tpu.core_type<sc_vector_subcore>, window_params = [{transform_indices = #map}, {transform_indices = #map}, {transform_indices = #map}, {transform_indices = #map}, {transform_indices = #map}]} {
    %mul3A = arith.constant 2 : i32
    %mul3A_0 = arith.muli %arg1, %mul3A : i32
    %add3A = arith.addi %mul3A_0, %arg0 : i32
    %mul3A_1 = arith.constant 40 : i32
    %mul3A_2 = arith.muli %add3A, %mul3A_1 : i32
    "tpu.region"() ({
      %run_scoped3A = tpu.sem_alloc : memref<!tpu.dma_semaphore, #tpu.memory_space<semaphore_mem>>
      %dma_start3A_46 = arith.constant 0 : i32
      %dma_start3A_47 = tpu.memref_slice %arg4[%mul3A_2, %dma_start3A_46] : memref<1280x128xi32, #tpu.memory_space<hbm>> -> memref<40x128xi32, #tpu.memory_space<hbm>>
      %dma_start3A_48 = arith.constant 0 : i32
      %dma_start3A_49 = tpu.memref_slice %arg4[%mul3A_2, %dma_start3A_48] : memref<1280x128xi32, #tpu.memory_space<hbm>> -> memref<40x128xi32, #tpu.memory_space<hbm>>
      tpu.enqueue_dma source(%dma_start3A_49 : memref<40x128xi32, #tpu.memory_space<hbm>>) target(%arg8 : memref<40x128xi32, #tpu.memory_space<vmem>>) target_semaphore(%run_scoped3A : memref<!tpu.dma_semaphore, #tpu.memory_space<semaphore_mem>>)
      %dma_wait3A_50 = arith.constant 0 : i32
      %dma_wait3A_51 = tpu.memref_slice %arg4[%mul3A_2, %dma_wait3A_50] : memref<1280x128xi32, #tpu.memory_space<hbm>> -> memref<40x128xi32, #tpu.memory_space<hbm>>
      %dma_wait3A_52 = arith.constant 0 : i32
      %dma_wait3A_53 = tpu.memref_slice %arg4[%mul3A_2, %dma_wait3A_52] : memref<1280x128xi32, #tpu.memory_space<hbm>> -> memref<40x128xi32, #tpu.memory_space<hbm>>
      tpu.wait_dma2 semaphore(%run_scoped3A : memref<!tpu.dma_semaphore, #tpu.memory_space<semaphore_mem>>) src(%dma_wait3A_53 : memref<40x128xi32, #tpu.memory_space<hbm>>) dst(%arg8 : memref<40x128xi32, #tpu.memory_space<vmem>>)
      tpu.yield
    }) : () -> ()
    "tpu.region"() ({
      %run_scoped3A = tpu.sem_alloc : memref<!tpu.dma_semaphore, #tpu.memory_space<semaphore_mem>>
      %dma_start3A_46 = arith.constant 0 : i32
      %dma_start3A_47 = tpu.memref_slice %arg3[%mul3A_2, %dma_start3A_46] : memref<1280x128xi32, #tpu.memory_space<hbm>> -> memref<40x128xi32, #tpu.memory_space<hbm>>
      %dma_start3A_48 = arith.constant 0 : i32
      %dma_start3A_49 = tpu.memref_slice %arg3[%mul3A_2, %dma_start3A_48] : memref<1280x128xi32, #tpu.memory_space<hbm>> -> memref<40x128xi32, #tpu.memory_space<hbm>>
      tpu.enqueue_dma source(%dma_start3A_49 : memref<40x128xi32, #tpu.memory_space<hbm>>) target(%arg7 : memref<40x128xi32, #tpu.memory_space<vmem>>) target_semaphore(%run_scoped3A : memref<!tpu.dma_semaphore, #tpu.memory_space<semaphore_mem>>)
      %dma_wait3A_50 = arith.constant 0 : i32
      %dma_wait3A_51 = tpu.memref_slice %arg3[%mul3A_2, %dma_wait3A_50] : memref<1280x128xi32, #tpu.memory_space<hbm>> -> memref<40x128xi32, #tpu.memory_space<hbm>>
      %dma_wait3A_52 = arith.constant 0 : i32
      %dma_wait3A_53 = tpu.memref_slice %arg3[%mul3A_2, %dma_wait3A_52] : memref<1280x128xi32, #tpu.memory_space<hbm>> -> memref<40x128xi32, #tpu.memory_space<hbm>>
      tpu.wait_dma2 semaphore(%run_scoped3A : memref<!tpu.dma_semaphore, #tpu.memory_space<semaphore_mem>>) src(%dma_wait3A_53 : memref<40x128xi32, #tpu.memory_space<hbm>>) dst(%arg7 : memref<40x128xi32, #tpu.memory_space<vmem>>)
      tpu.yield
    }) : () -> ()
    %dma_start3A = arith.constant 0 : i32
    %dma_start3A_3 = arith.constant 0 : i32
    %dma_start3A_4 = tpu.memref_slice %arg8[%dma_start3A, %dma_start3A_3] : memref<40x128xi32, #tpu.memory_space<vmem>> -> memref<1x128xi32, #tpu.memory_space<vmem>>
    %dma_start3A_5 = tpu.memref_squeeze %dma_start3A_4 : memref<1x128xi32, #tpu.memory_space<vmem>> -> memref<128xi32, #tpu.memory_space<vmem>>
    %dma_start3A_6 = arith.constant 0 : i32
    %dma_start3A_7 = arith.constant 0 : i32
    %dma_start3A_8 = tpu.memref_slice %arg2[%dma_start3A_6, %dma_start3A_7] : memref<10000x128xf32, #tpu.memory_space<hbm>> -> memref<10000x128xf32, #tpu.memory_space<hbm>>
    tpu.enqueue_indirect_dma source(%dma_start3A_8 : memref<10000x128xf32, #tpu.memory_space<hbm>>) target(%arg9 : memref<128x128xf32, #tpu.memory_space<vmem>>) offsets(%dma_start3A_5 : memref<128xi32, #tpu.memory_space<vmem>>) semaphore(%arg13 : memref<!tpu.dma_semaphore, #tpu.memory_space<semaphore_mem>>)
    %dma_start3A_9 = arith.constant 0 : i32
    %dma_start3A_10 = arith.constant 0 : i32
    %dma_start3A_11 = tpu.memref_slice %arg7[%dma_start3A_9, %dma_start3A_10] : memref<40x128xi32, #tpu.memory_space<vmem>> -> memref<1x128xi32, #tpu.memory_space<vmem>>
    %dma_start3A_12 = tpu.memref_squeeze %dma_start3A_11 : memref<1x128xi32, #tpu.memory_space<vmem>> -> memref<128xi32, #tpu.memory_space<vmem>>
    %dma_start3A_13 = arith.constant 0 : i32
    %dma_start3A_14 = arith.constant 0 : i32
    %dma_start3A_15 = tpu.memref_slice %arg2[%dma_start3A_13, %dma_start3A_14] : memref<10000x128xf32, #tpu.memory_space<hbm>> -> memref<10000x128xf32, #tpu.memory_space<hbm>>
    tpu.enqueue_indirect_dma source(%dma_start3A_15 : memref<10000x128xf32, #tpu.memory_space<hbm>>) target(%arg11 : memref<128x128xf32, #tpu.memory_space<vmem>>) offsets(%dma_start3A_12 : memref<128xi32, #tpu.memory_space<vmem>>) semaphore(%arg15 : memref<!tpu.dma_semaphore, #tpu.memory_space<semaphore_mem>>)
    %scan3A = arith.constant 0 : i32
    %scan3A_16 = arith.constant 20 : i32
    %scan3A_17 = arith.addi %scan3A, %scan3A_16 : i32
    %scan3A_18 = arith.constant 1 : i32
    scf.for %scan3A_46 = %scan3A to %scan3A_17 step %scan3A_18  : i32 {
      %mul3A_47 = arith.constant 2 : i32
      %mul3A_48 = arith.muli %scan3A_46, %mul3A_47 : i32
      %add3A_49 = arith.constant 0 : i32
      %add3A_50 = arith.addi %add3A_49, %mul3A_48 : i32
      %add3A_51 = arith.constant 0 : i32
      %add3A_52 = arith.addi %add3A_50, %add3A_51 : i32
      %add3A_53 = arith.constant 1 : i32
      %add3A_54 = arith.addi %add3A_52, %add3A_53 : i32
      %lt3A = arith.constant 40 : i32
      %lt3A_55 = arith.cmpi slt, %add3A_54, %lt3A : i32
      %convert_element_type3A = arith.extui %lt3A_55 : i1 to i32
      %cond3A = arith.constant 0 : i32
      %cond3A_56 = arith.cmpi ne, %convert_element_type3A, %cond3A : i32
      scf.if %cond3A_56 {
        %ge3A = arith.constant 1 : i32
        %ge3A_112 = arith.cmpi sge, %add3A_52, %ge3A : i32
        %convert_element_type3A_113 = arith.extui %ge3A_112 : i1 to i32
        %cond3A_114 = arith.constant 0 : i32
        %cond3A_115 = arith.cmpi ne, %convert_element_type3A_113, %cond3A_114 : i32
        scf.if %cond3A_115 {
          %add3A_132 = arith.addi %mul3A_2, %add3A_52 : i32
          %sub3A_133 = arith.constant 1 : i32
          %sub3A_134 = arith.subi %add3A_132, %sub3A_133 : i32
          %mul3A_135 = arith.constant 128 : i32
          %mul3A_136 = arith.muli %sub3A_134, %mul3A_135 : i32
          %dma_wait3A_137 = arith.constant 0 : i32
          %dma_wait3A_138 = tpu.memref_slice %arg5[%mul3A_136, %dma_wait3A_137] : memref<163840x128xf32, #tpu.memory_space<hbm>> -> memref<128x128xf32, #tpu.memory_space<hbm>>
          %dma_wait3A_139 = arith.constant 0 : i32
          %dma_wait3A_140 = tpu.memref_slice %arg5[%mul3A_136, %dma_wait3A_139] : memref<163840x128xf32, #tpu.memory_space<hbm>> -> memref<128x128xf32, #tpu.memory_space<hbm>>
          tpu.wait_dma2 semaphore(%arg18 : memref<!tpu.dma_semaphore, #tpu.memory_space<semaphore_mem>>) src(%arg10 : memref<128x128xf32, #tpu.memory_space<vmem>>) dst(%dma_wait3A_140 : memref<128x128xf32, #tpu.memory_space<hbm>>)
          %dma_wait3A_141 = arith.constant 0 : i32
          %dma_wait3A_142 = tpu.memref_slice %arg6[%mul3A_136, %dma_wait3A_141] : memref<163840x128xf32, #tpu.memory_space<hbm>> -> memref<128x128xf32, #tpu.memory_space<hbm>>
          %dma_wait3A_143 = arith.constant 0 : i32
          %dma_wait3A_144 = tpu.memref_slice %arg6[%mul3A_136, %dma_wait3A_143] : memref<163840x128xf32, #tpu.memory_space<hbm>> -> memref<128x128xf32, #tpu.memory_space<hbm>>
          tpu.wait_dma2 semaphore(%arg20 : memref<!tpu.dma_semaphore, #tpu.memory_space<semaphore_mem>>) src(%arg12 : memref<128x128xf32, #tpu.memory_space<vmem>>) dst(%dma_wait3A_144 : memref<128x128xf32, #tpu.memory_space<hbm>>)
        } else {
        }
        %add3A_116 = arith.constant 1 : i32
        %add3A_117 = arith.addi %add3A_52, %add3A_116 : i32
        %dma_start3A_118 = arith.constant 0 : i32
        %dma_start3A_119 = tpu.memref_slice %arg8[%add3A_117, %dma_start3A_118] : memref<40x128xi32, #tpu.memory_space<vmem>> -> memref<1x128xi32, #tpu.memory_space<vmem>>
        %dma_start3A_120 = tpu.memref_squeeze %dma_start3A_119 : memref<1x128xi32, #tpu.memory_space<vmem>> -> memref<128xi32, #tpu.memory_space<vmem>>
        %dma_start3A_121 = arith.constant 0 : i32
        %dma_start3A_122 = arith.constant 0 : i32
        %dma_start3A_123 = tpu.memref_slice %arg2[%dma_start3A_121, %dma_start3A_122] : memref<10000x128xf32, #tpu.memory_space<hbm>> -> memref<10000x128xf32, #tpu.memory_space<hbm>>
        tpu.enqueue_indirect_dma source(%dma_start3A_123 : memref<10000x128xf32, #tpu.memory_space<hbm>>) target(%arg10 : memref<128x128xf32, #tpu.memory_space<vmem>>) offsets(%dma_start3A_120 : memref<128xi32, #tpu.memory_space<vmem>>) semaphore(%arg14 : memref<!tpu.dma_semaphore, #tpu.memory_space<semaphore_mem>>)
        %add3A_124 = arith.constant 1 : i32
        %add3A_125 = arith.addi %add3A_52, %add3A_124 : i32
        %dma_start3A_126 = arith.constant 0 : i32
        %dma_start3A_127 = tpu.memref_slice %arg7[%add3A_125, %dma_start3A_126] : memref<40x128xi32, #tpu.memory_space<vmem>> -> memref<1x128xi32, #tpu.memory_space<vmem>>
        %dma_start3A_128 = tpu.memref_squeeze %dma_start3A_127 : memref<1x128xi32, #tpu.memory_space<vmem>> -> memref<128xi32, #tpu.memory_space<vmem>>
        %dma_start3A_129 = arith.constant 0 : i32
        %dma_start3A_130 = arith.constant 0 : i32
        %dma_start3A_131 = tpu.memref_slice %arg2[%dma_start3A_129, %dma_start3A_130] : memref<10000x128xf32, #tpu.memory_space<hbm>> -> memref<10000x128xf32, #tpu.memory_space<hbm>>
        tpu.enqueue_indirect_dma source(%dma_start3A_131 : memref<10000x128xf32, #tpu.memory_space<hbm>>) target(%arg12 : memref<128x128xf32, #tpu.memory_space<vmem>>) offsets(%dma_start3A_128 : memref<128xi32, #tpu.memory_space<vmem>>) semaphore(%arg16 : memref<!tpu.dma_semaphore, #tpu.memory_space<semaphore_mem>>)
      } else {
      }
      %dma_wait3A_57 = arith.constant 0 : i32
      %dma_wait3A_58 = tpu.memref_slice %arg8[%add3A_52, %dma_wait3A_57] : memref<40x128xi32, #tpu.memory_space<vmem>> -> memref<1x128xi32, #tpu.memory_space<vmem>>
      %dma_wait3A_59 = tpu.memref_squeeze %dma_wait3A_58 : memref<1x128xi32, #tpu.memory_space<vmem>> -> memref<128xi32, #tpu.memory_space<vmem>>
      %dma_wait3A_60 = arith.constant 0 : i32
      %dma_wait3A_61 = arith.constant 0 : i32
      %dma_wait3A_62 = tpu.memref_slice %arg2[%dma_wait3A_60, %dma_wait3A_61] : memref<10000x128xf32, #tpu.memory_space<hbm>> -> memref<10000x128xf32, #tpu.memory_space<hbm>>
      tpu.wait_indirect_dma semaphore(%arg13 : memref<!tpu.dma_semaphore, #tpu.memory_space<semaphore_mem>>) src(%dma_wait3A_62 : memref<10000x128xf32, #tpu.memory_space<hbm>>) dst(%arg9 : memref<128x128xf32, #tpu.memory_space<vmem>>)
      %dma_wait3A_63 = arith.constant 0 : i32
      %dma_wait3A_64 = tpu.memref_slice %arg7[%add3A_52, %dma_wait3A_63] : memref<40x128xi32, #tpu.memory_space<vmem>> -> memref<1x128xi32, #tpu.memory_space<vmem>>
      %dma_wait3A_65 = tpu.memref_squeeze %dma_wait3A_64 : memref<1x128xi32, #tpu.memory_space<vmem>> -> memref<128xi32, #tpu.memory_space<vmem>>
      %dma_wait3A_66 = arith.constant 0 : i32
      %dma_wait3A_67 = arith.constant 0 : i32
      %dma_wait3A_68 = tpu.memref_slice %arg2[%dma_wait3A_66, %dma_wait3A_67] : memref<10000x128xf32, #tpu.memory_space<hbm>> -> memref<10000x128xf32, #tpu.memory_space<hbm>>
      tpu.wait_indirect_dma semaphore(%arg15 : memref<!tpu.dma_semaphore, #tpu.memory_space<semaphore_mem>>) src(%dma_wait3A_68 : memref<10000x128xf32, #tpu.memory_space<hbm>>) dst(%arg11 : memref<128x128xf32, #tpu.memory_space<vmem>>)
      %add3A_69 = arith.addi %mul3A_2, %add3A_52 : i32
      %mul3A_70 = arith.constant 128 : i32
      %mul3A_71 = arith.muli %add3A_69, %mul3A_70 : i32
      %dma_start3A_72 = arith.constant 0 : i32
      %dma_start3A_73 = tpu.memref_slice %arg5[%mul3A_71, %dma_start3A_72] : memref<163840x128xf32, #tpu.memory_space<hbm>> -> memref<128x128xf32, #tpu.memory_space<hbm>>
      %dma_start3A_74 = arith.constant 0 : i32
      %dma_start3A_75 = tpu.memref_slice %arg5[%mul3A_71, %dma_start3A_74] : memref<163840x128xf32, #tpu.memory_space<hbm>> -> memref<128x128xf32, #tpu.memory_space<hbm>>
      tpu.enqueue_dma source(%arg9 : memref<128x128xf32, #tpu.memory_space<vmem>>) target(%dma_start3A_75 : memref<128x128xf32, #tpu.memory_space<hbm>>) target_semaphore(%arg17 : memref<!tpu.dma_semaphore, #tpu.memory_space<semaphore_mem>>)
      %dma_start3A_76 = arith.constant 0 : i32
      %dma_start3A_77 = tpu.memref_slice %arg6[%mul3A_71, %dma_start3A_76] : memref<163840x128xf32, #tpu.memory_space<hbm>> -> memref<128x128xf32, #tpu.memory_space<hbm>>
      %dma_start3A_78 = arith.constant 0 : i32
      %dma_start3A_79 = tpu.memref_slice %arg6[%mul3A_71, %dma_start3A_78] : memref<163840x128xf32, #tpu.memory_space<hbm>> -> memref<128x128xf32, #tpu.memory_space<hbm>>
      tpu.enqueue_dma source(%arg11 : memref<128x128xf32, #tpu.memory_space<vmem>>) target(%dma_start3A_79 : memref<128x128xf32, #tpu.memory_space<hbm>>) target_semaphore(%arg19 : memref<!tpu.dma_semaphore, #tpu.memory_space<semaphore_mem>>)
      %add3A_80 = arith.constant 1 : i32
      %add3A_81 = arith.addi %add3A_50, %add3A_80 : i32
      %add3A_82 = arith.constant 1 : i32
      %add3A_83 = arith.addi %add3A_81, %add3A_82 : i32
      %lt3A_84 = arith.constant 40 : i32
      %lt3A_85 = arith.cmpi slt, %add3A_83, %lt3A_84 : i32
      %convert_element_type3A_86 = arith.extui %lt3A_85 : i1 to i32
      %cond3A_87 = arith.constant 0 : i32
      %cond3A_88 = arith.cmpi ne, %convert_element_type3A_86, %cond3A_87 : i32
      scf.if %cond3A_88 {
        %ge3A = arith.constant 1 : i32
        %ge3A_112 = arith.cmpi sge, %add3A_81, %ge3A : i32
        %convert_element_type3A_113 = arith.extui %ge3A_112 : i1 to i32
        %cond3A_114 = arith.constant 0 : i32
        %cond3A_115 = arith.cmpi ne, %convert_element_type3A_113, %cond3A_114 : i32
        scf.if %cond3A_115 {
          %add3A_132 = arith.addi %mul3A_2, %add3A_81 : i32
          %sub3A_133 = arith.constant 1 : i32
          %sub3A_134 = arith.subi %add3A_132, %sub3A_133 : i32
          %mul3A_135 = arith.constant 128 : i32
          %mul3A_136 = arith.muli %sub3A_134, %mul3A_135 : i32
          %dma_wait3A_137 = arith.constant 0 : i32
          %dma_wait3A_138 = tpu.memref_slice %arg5[%mul3A_136, %dma_wait3A_137] : memref<163840x128xf32, #tpu.memory_space<hbm>> -> memref<128x128xf32, #tpu.memory_space<hbm>>
          %dma_wait3A_139 = arith.constant 0 : i32
          %dma_wait3A_140 = tpu.memref_slice %arg5[%mul3A_136, %dma_wait3A_139] : memref<163840x128xf32, #tpu.memory_space<hbm>> -> memref<128x128xf32, #tpu.memory_space<hbm>>
          tpu.wait_dma2 semaphore(%arg17 : memref<!tpu.dma_semaphore, #tpu.memory_space<semaphore_mem>>) src(%arg9 : memref<128x128xf32, #tpu.memory_space<vmem>>) dst(%dma_wait3A_140 : memref<128x128xf32, #tpu.memory_space<hbm>>)
          %dma_wait3A_141 = arith.constant 0 : i32
          %dma_wait3A_142 = tpu.memref_slice %arg6[%mul3A_136, %dma_wait3A_141] : memref<163840x128xf32, #tpu.memory_space<hbm>> -> memref<128x128xf32, #tpu.memory_space<hbm>>
          %dma_wait3A_143 = arith.constant 0 : i32
          %dma_wait3A_144 = tpu.memref_slice %arg6[%mul3A_136, %dma_wait3A_143] : memref<163840x128xf32, #tpu.memory_space<hbm>> -> memref<128x128xf32, #tpu.memory_space<hbm>>
          tpu.wait_dma2 semaphore(%arg19 : memref<!tpu.dma_semaphore, #tpu.memory_space<semaphore_mem>>) src(%arg11 : memref<128x128xf32, #tpu.memory_space<vmem>>) dst(%dma_wait3A_144 : memref<128x128xf32, #tpu.memory_space<hbm>>)
        } else {
        }
        %add3A_116 = arith.constant 1 : i32
        %add3A_117 = arith.addi %add3A_81, %add3A_116 : i32
        %dma_start3A_118 = arith.constant 0 : i32
        %dma_start3A_119 = tpu.memref_slice %arg8[%add3A_117, %dma_start3A_118] : memref<40x128xi32, #tpu.memory_space<vmem>> -> memref<1x128xi32, #tpu.memory_space<vmem>>
        %dma_start3A_120 = tpu.memref_squeeze %dma_start3A_119 : memref<1x128xi32, #tpu.memory_space<vmem>> -> memref<128xi32, #tpu.memory_space<vmem>>
        %dma_start3A_121 = arith.constant 0 : i32
        %dma_start3A_122 = arith.constant 0 : i32
        %dma_start3A_123 = tpu.memref_slice %arg2[%dma_start3A_121, %dma_start3A_122] : memref<10000x128xf32, #tpu.memory_space<hbm>> -> memref<10000x128xf32, #tpu.memory_space<hbm>>
        tpu.enqueue_indirect_dma source(%dma_start3A_123 : memref<10000x128xf32, #tpu.memory_space<hbm>>) target(%arg9 : memref<128x128xf32, #tpu.memory_space<vmem>>) offsets(%dma_start3A_120 : memref<128xi32, #tpu.memory_space<vmem>>) semaphore(%arg13 : memref<!tpu.dma_semaphore, #tpu.memory_space<semaphore_mem>>)
        %add3A_124 = arith.constant 1 : i32
        %add3A_125 = arith.addi %add3A_81, %add3A_124 : i32
        %dma_start3A_126 = arith.constant 0 : i32
        %dma_start3A_127 = tpu.memref_slice %arg7[%add3A_125, %dma_start3A_126] : memref<40x128xi32, #tpu.memory_space<vmem>> -> memref<1x128xi32, #tpu.memory_space<vmem>>
        %dma_start3A_128 = tpu.memref_squeeze %dma_start3A_127 : memref<1x128xi32, #tpu.memory_space<vmem>> -> memref<128xi32, #tpu.memory_space<vmem>>
        %dma_start3A_129 = arith.constant 0 : i32
        %dma_start3A_130 = arith.constant 0 : i32
        %dma_start3A_131 = tpu.memref_slice %arg2[%dma_start3A_129, %dma_start3A_130] : memref<10000x128xf32, #tpu.memory_space<hbm>> -> memref<10000x128xf32, #tpu.memory_space<hbm>>
        tpu.enqueue_indirect_dma source(%dma_start3A_131 : memref<10000x128xf32, #tpu.memory_space<hbm>>) target(%arg11 : memref<128x128xf32, #tpu.memory_space<vmem>>) offsets(%dma_start3A_128 : memref<128xi32, #tpu.memory_space<vmem>>) semaphore(%arg15 : memref<!tpu.dma_semaphore, #tpu.memory_space<semaphore_mem>>)
      } else {
      }
      %dma_wait3A_89 = arith.constant 0 : i32
      %dma_wait3A_90 = tpu.memref_slice %arg8[%add3A_81, %dma_wait3A_89] : memref<40x128xi32, #tpu.memory_space<vmem>> -> memref<1x128xi32, #tpu.memory_space<vmem>>
      %dma_wait3A_91 = tpu.memref_squeeze %dma_wait3A_90 : memref<1x128xi32, #tpu.memory_space<vmem>> -> memref<128xi32, #tpu.memory_space<vmem>>
      %dma_wait3A_92 = arith.constant 0 : i32
      %dma_wait3A_93 = arith.constant 0 : i32
      %dma_wait3A_94 = tpu.memref_slice %arg2[%dma_wait3A_92, %dma_wait3A_93] : memref<10000x128xf32, #tpu.memory_space<hbm>> -> memref<10000x128xf32, #tpu.memory_space<hbm>>
      tpu.wait_indirect_dma semaphore(%arg14 : memref<!tpu.dma_semaphore, #tpu.memory_space<semaphore_mem>>) src(%dma_wait3A_94 : memref<10000x128xf32, #tpu.memory_space<hbm>>) dst(%arg10 : memref<128x128xf32, #tpu.memory_space<vmem>>)
      %dma_wait3A_95 = arith.constant 0 : i32
      %dma_wait3A_96 = tpu.memref_slice %arg7[%add3A_81, %dma_wait3A_95] : memref<40x128xi32, #tpu.memory_space<vmem>> -> memref<1x128xi32, #tpu.memory_space<vmem>>
      %dma_wait3A_97 = tpu.memref_squeeze %dma_wait3A_96 : memref<1x128xi32, #tpu.memory_space<vmem>> -> memref<128xi32, #tpu.memory_space<vmem>>
      %dma_wait3A_98 = arith.constant 0 : i32
      %dma_wait3A_99 = arith.constant 0 : i32
      %dma_wait3A_100 = tpu.memref_slice %arg2[%dma_wait3A_98, %dma_wait3A_99] : memref<10000x128xf32, #tpu.memory_space<hbm>> -> memref<10000x128xf32, #tpu.memory_space<hbm>>
      tpu.wait_indirect_dma semaphore(%arg16 : memref<!tpu.dma_semaphore, #tpu.memory_space<semaphore_mem>>) src(%dma_wait3A_100 : memref<10000x128xf32, #tpu.memory_space<hbm>>) dst(%arg12 : memref<128x128xf32, #tpu.memory_space<vmem>>)
      %add3A_101 = arith.addi %mul3A_2, %add3A_81 : i32
      %mul3A_102 = arith.constant 128 : i32
      %mul3A_103 = arith.muli %add3A_101, %mul3A_102 : i32
      %dma_start3A_104 = arith.constant 0 : i32
      %dma_start3A_105 = tpu.memref_slice %arg5[%mul3A_103, %dma_start3A_104] : memref<163840x128xf32, #tpu.memory_space<hbm>> -> memref<128x128xf32, #tpu.memory_space<hbm>>
      %dma_start3A_106 = arith.constant 0 : i32
      %dma_start3A_107 = tpu.memref_slice %arg5[%mul3A_103, %dma_start3A_106] : memref<163840x128xf32, #tpu.memory_space<hbm>> -> memref<128x128xf32, #tpu.memory_space<hbm>>
      tpu.enqueue_dma source(%arg10 : memref<128x128xf32, #tpu.memory_space<vmem>>) target(%dma_start3A_107 : memref<128x128xf32, #tpu.memory_space<hbm>>) target_semaphore(%arg18 : memref<!tpu.dma_semaphore, #tpu.memory_space<semaphore_mem>>)
      %dma_start3A_108 = arith.constant 0 : i32
      %dma_start3A_109 = tpu.memref_slice %arg6[%mul3A_103, %dma_start3A_108] : memref<163840x128xf32, #tpu.memory_space<hbm>> -> memref<128x128xf32, #tpu.memory_space<hbm>>
      %dma_start3A_110 = arith.constant 0 : i32
      %dma_start3A_111 = tpu.memref_slice %arg6[%mul3A_103, %dma_start3A_110] : memref<163840x128xf32, #tpu.memory_space<hbm>> -> memref<128x128xf32, #tpu.memory_space<hbm>>
      tpu.enqueue_dma source(%arg12 : memref<128x128xf32, #tpu.memory_space<vmem>>) target(%dma_start3A_111 : memref<128x128xf32, #tpu.memory_space<hbm>>) target_semaphore(%arg20 : memref<!tpu.dma_semaphore, #tpu.memory_space<semaphore_mem>>)
    }
    %scan3A_19 = arith.constant 20 : i32
    %add3A_20 = arith.constant 40 : i32
    %add3A_21 = arith.addi %mul3A_2, %add3A_20 : i32
    %sub3A = arith.constant 2 : i32
    %sub3A_22 = arith.subi %add3A_21, %sub3A : i32
    %mul3A_23 = arith.constant 128 : i32
    %mul3A_24 = arith.muli %sub3A_22, %mul3A_23 : i32
    %add3A_25 = arith.constant 40 : i32
    %add3A_26 = arith.addi %mul3A_2, %add3A_25 : i32
    %sub3A_27 = arith.constant 1 : i32
    %sub3A_28 = arith.subi %add3A_26, %sub3A_27 : i32
    %mul3A_29 = arith.constant 128 : i32
    %mul3A_30 = arith.muli %sub3A_28, %mul3A_29 : i32
    %dma_wait3A = arith.constant 0 : i32
    %dma_wait3A_31 = tpu.memref_slice %arg5[%mul3A_24, %dma_wait3A] : memref<163840x128xf32, #tpu.memory_space<hbm>> -> memref<128x128xf32, #tpu.memory_space<hbm>>
    %dma_wait3A_32 = arith.constant 0 : i32
    %dma_wait3A_33 = tpu.memref_slice %arg5[%mul3A_24, %dma_wait3A_32] : memref<163840x128xf32, #tpu.memory_space<hbm>> -> memref<128x128xf32, #tpu.memory_space<hbm>>
    tpu.wait_dma2 semaphore(%arg17 : memref<!tpu.dma_semaphore, #tpu.memory_space<semaphore_mem>>) src(%arg9 : memref<128x128xf32, #tpu.memory_space<vmem>>) dst(%dma_wait3A_33 : memref<128x128xf32, #tpu.memory_space<hbm>>)
    %dma_wait3A_34 = arith.constant 0 : i32
    %dma_wait3A_35 = tpu.memref_slice %arg6[%mul3A_24, %dma_wait3A_34] : memref<163840x128xf32, #tpu.memory_space<hbm>> -> memref<128x128xf32, #tpu.memory_space<hbm>>
    %dma_wait3A_36 = arith.constant 0 : i32
    %dma_wait3A_37 = tpu.memref_slice %arg6[%mul3A_24, %dma_wait3A_36] : memref<163840x128xf32, #tpu.memory_space<hbm>> -> memref<128x128xf32, #tpu.memory_space<hbm>>
    tpu.wait_dma2 semaphore(%arg19 : memref<!tpu.dma_semaphore, #tpu.memory_space<semaphore_mem>>) src(%arg11 : memref<128x128xf32, #tpu.memory_space<vmem>>) dst(%dma_wait3A_37 : memref<128x128xf32, #tpu.memory_space<hbm>>)
    %dma_wait3A_38 = arith.constant 0 : i32
    %dma_wait3A_39 = tpu.memref_slice %arg5[%mul3A_30, %dma_wait3A_38] : memref<163840x128xf32, #tpu.memory_space<hbm>> -> memref<128x128xf32, #tpu.memory_space<hbm>>
    %dma_wait3A_40 = arith.constant 0 : i32
    %dma_wait3A_41 = tpu.memref_slice %arg5[%mul3A_30, %dma_wait3A_40] : memref<163840x128xf32, #tpu.memory_space<hbm>> -> memref<128x128xf32, #tpu.memory_space<hbm>>
    tpu.wait_dma2 semaphore(%arg18 : memref<!tpu.dma_semaphore, #tpu.memory_space<semaphore_mem>>) src(%arg10 : memref<128x128xf32, #tpu.memory_space<vmem>>) dst(%dma_wait3A_41 : memref<128x128xf32, #tpu.memory_space<hbm>>)
    %dma_wait3A_42 = arith.constant 0 : i32
    %dma_wait3A_43 = tpu.memref_slice %arg6[%mul3A_30, %dma_wait3A_42] : memref<163840x128xf32, #tpu.memory_space<hbm>> -> memref<128x128xf32, #tpu.memory_space<hbm>>
    %dma_wait3A_44 = arith.constant 0 : i32
    %dma_wait3A_45 = tpu.memref_slice %arg6[%mul3A_30, %dma_wait3A_44] : memref<163840x128xf32, #tpu.memory_space<hbm>> -> memref<128x128xf32, #tpu.memory_space<hbm>>
    tpu.wait_dma2 semaphore(%arg20 : memref<!tpu.dma_semaphore, #tpu.memory_space<semaphore_mem>>) src(%arg12 : memref<128x128xf32, #tpu.memory_space<vmem>>) dst(%dma_wait3A_45 : memref<128x128xf32, #tpu.memory_space<hbm>>)
    return
  }
}

#map = affine_map<(d0, d1) -> (0, 0)>
module attributes {stable_mosaic.version = 14 : i64} {
  func.func @k(%arg0: i32, %arg1: i32, %arg2: memref<163840x128xf32, #tpu.memory_space<hbm>>, %arg3: memref<1280x128xi32, #tpu.memory_space<hbm>>, %arg4: memref<640x128xf32, #tpu.memory_space<hbm>>, %arg5: memref<10240x128xf32, #tpu.memory_space<hbm>>, %arg6: memref<10240x128xf32, #tpu.memory_space<hbm>>, %arg7: memref<8x128xi32, #tpu.memory_space<vmem>>, %arg8: memref<128x128xf32, #tpu.memory_space<vmem>>, %arg9: memref<10240x128xf32, #tpu.memory_space<vmem_shared>>) attributes {dimension_semantics = [#tpu.dimension_semantics<core_parallel>, #tpu.dimension_semantics<subcore_parallel>], iteration_bounds = array<i64: 2, 16>, scalar_prefetch = 0 : i64, scratch_operands = 3 : i64, tpu.core_type = #tpu.core_type<sc_vector_subcore>, window_params = [{transform_indices = #map}, {transform_indices = #map}, {transform_indices = #map}, {transform_indices = #map}, {transform_indices = #map}]} {
    %mul3A = arith.constant 2 : i32
    %mul3A_0 = arith.muli %arg1, %mul3A : i32
    %add3A = arith.addi %mul3A_0, %arg0 : i32
    %mul3A_1 = arith.constant 40 : i32
    %mul3A_2 = arith.muli %add3A, %mul3A_1 : i32
    %mul3A_3 = arith.constant 640 : i32
    %mul3A_4 = arith.muli %arg1, %mul3A_3 : i32
    "tpu.region"() ({
      %run_scoped3A = tpu.sem_alloc : memref<!tpu.dma_semaphore, #tpu.memory_space<semaphore_mem>>
      %dma_start3A = arith.constant 0 : i32
      %dma_start3A_17 = tpu.memref_slice %arg9[%mul3A_4, %dma_start3A] : memref<10240x128xf32, #tpu.memory_space<vmem_shared>> -> memref<640x128xf32, #tpu.memory_space<vmem_shared>>
      tpu.enqueue_dma source(%arg4 : memref<640x128xf32, #tpu.memory_space<hbm>>) target(%dma_start3A_17 : memref<640x128xf32, #tpu.memory_space<vmem_shared>>) target_semaphore(%run_scoped3A : memref<!tpu.dma_semaphore, #tpu.memory_space<semaphore_mem>>)
      %dma_wait3A = arith.constant 0 : i32
      %dma_wait3A_18 = tpu.memref_slice %arg9[%mul3A_4, %dma_wait3A] : memref<10240x128xf32, #tpu.memory_space<vmem_shared>> -> memref<640x128xf32, #tpu.memory_space<vmem_shared>>
      tpu.wait_dma2 semaphore(%run_scoped3A : memref<!tpu.dma_semaphore, #tpu.memory_space<semaphore_mem>>) src(%arg4 : memref<640x128xf32, #tpu.memory_space<hbm>>) dst(%dma_wait3A_18 : memref<640x128xf32, #tpu.memory_space<vmem_shared>>)
      tpu.yield
    }) : () -> ()
    %barrier3A = arith.constant 0 : index
    tpu.barrier barrier_id(%barrier3A)
    %scan3A = arith.constant 0 : i32
    %scan3A_5 = arith.constant 5 : i32
    %scan3A_6 = arith.addi %scan3A, %scan3A_5 : i32
    %scan3A_7 = arith.constant 1 : i32
    scf.for %scan3A_17 = %scan3A to %scan3A_6 step %scan3A_7  : i32 {
      %mul3A_18 = arith.constant 8 : i32
      %mul3A_19 = arith.muli %scan3A_17, %mul3A_18 : i32
      %add3A_20 = arith.constant 0 : i32
      %add3A_21 = arith.addi %add3A_20, %mul3A_19 : i32
      %add3A_22 = arith.addi %mul3A_2, %add3A_21 : i32
      "tpu.region"() ({
        %run_scoped3A = tpu.sem_alloc : memref<!tpu.dma_semaphore, #tpu.memory_space<semaphore_mem>>
        %dma_start3A = arith.constant 0 : i32
        %dma_start3A_28 = tpu.memref_slice %arg3[%add3A_22, %dma_start3A] : memref<1280x128xi32, #tpu.memory_space<hbm>> -> memref<8x128xi32, #tpu.memory_space<hbm>>
        %dma_start3A_29 = arith.constant 0 : i32
        %dma_start3A_30 = tpu.memref_slice %arg3[%add3A_22, %dma_start3A_29] : memref<1280x128xi32, #tpu.memory_space<hbm>> -> memref<8x128xi32, #tpu.memory_space<hbm>>
        tpu.enqueue_dma source(%dma_start3A_30 : memref<8x128xi32, #tpu.memory_space<hbm>>) target(%arg7 : memref<8x128xi32, #tpu.memory_space<vmem>>) target_semaphore(%run_scoped3A : memref<!tpu.dma_semaphore, #tpu.memory_space<semaphore_mem>>)
        %dma_wait3A = arith.constant 0 : i32
        %dma_wait3A_31 = tpu.memref_slice %arg3[%add3A_22, %dma_wait3A] : memref<1280x128xi32, #tpu.memory_space<hbm>> -> memref<8x128xi32, #tpu.memory_space<hbm>>
        %dma_wait3A_32 = arith.constant 0 : i32
        %dma_wait3A_33 = tpu.memref_slice %arg3[%add3A_22, %dma_wait3A_32] : memref<1280x128xi32, #tpu.memory_space<hbm>> -> memref<8x128xi32, #tpu.memory_space<hbm>>
        tpu.wait_dma2 semaphore(%run_scoped3A : memref<!tpu.dma_semaphore, #tpu.memory_space<semaphore_mem>>) src(%dma_wait3A_33 : memref<8x128xi32, #tpu.memory_space<hbm>>) dst(%arg7 : memref<8x128xi32, #tpu.memory_space<vmem>>)
        tpu.yield
      }) : () -> ()
      %scan3A_23 = arith.constant 0 : i32
      %scan3A_24 = arith.constant 8 : i32
      %scan3A_25 = arith.addi %scan3A_23, %scan3A_24 : i32
      %scan3A_26 = arith.constant 1 : i32
      scf.for %scan3A_28 = %scan3A_23 to %scan3A_25 step %scan3A_26  : i32 {
        %mul3A_29 = arith.constant 1 : i32
        %mul3A_30 = arith.muli %scan3A_28, %mul3A_29 : i32
        %add3A_31 = arith.constant 0 : i32
        %add3A_32 = arith.addi %add3A_31, %mul3A_30 : i32
        %add3A_33 = arith.addi %mul3A_2, %add3A_21 : i32
        %add3A_34 = arith.addi %add3A_33, %add3A_32 : i32
        %mul3A_35 = arith.constant 128 : i32
        %mul3A_36 = arith.muli %add3A_34, %mul3A_35 : i32
        "tpu.region"() ({
          %run_scoped3A = tpu.sem_alloc : memref<!tpu.dma_semaphore, #tpu.memory_space<semaphore_mem>>
          %dma_start3A = arith.constant 0 : i32
          %dma_start3A_37 = tpu.memref_slice %arg2[%mul3A_36, %dma_start3A] : memref<163840x128xf32, #tpu.memory_space<hbm>> -> memref<128x128xf32, #tpu.memory_space<hbm>>
          %dma_start3A_38 = arith.constant 0 : i32
          %dma_start3A_39 = tpu.memref_slice %arg2[%mul3A_36, %dma_start3A_38] : memref<163840x128xf32, #tpu.memory_space<hbm>> -> memref<128x128xf32, #tpu.memory_space<hbm>>
          tpu.enqueue_dma source(%dma_start3A_39 : memref<128x128xf32, #tpu.memory_space<hbm>>) target(%arg8 : memref<128x128xf32, #tpu.memory_space<vmem>>) target_semaphore(%run_scoped3A : memref<!tpu.dma_semaphore, #tpu.memory_space<semaphore_mem>>)
          %dma_wait3A = arith.constant 0 : i32
          %dma_wait3A_40 = tpu.memref_slice %arg2[%mul3A_36, %dma_wait3A] : memref<163840x128xf32, #tpu.memory_space<hbm>> -> memref<128x128xf32, #tpu.memory_space<hbm>>
          %dma_wait3A_41 = arith.constant 0 : i32
          %dma_wait3A_42 = tpu.memref_slice %arg2[%mul3A_36, %dma_wait3A_41] : memref<163840x128xf32, #tpu.memory_space<hbm>> -> memref<128x128xf32, #tpu.memory_space<hbm>>
          tpu.wait_dma2 semaphore(%run_scoped3A : memref<!tpu.dma_semaphore, #tpu.memory_space<semaphore_mem>>) src(%dma_wait3A_42 : memref<128x128xf32, #tpu.memory_space<hbm>>) dst(%arg8 : memref<128x128xf32, #tpu.memory_space<vmem>>)
          tpu.yield
        }) : () -> ()
        "tpu.region"() ({
          %run_scoped3A = tpu.sem_alloc : memref<!tpu.dma_semaphore, #tpu.memory_space<semaphore_mem>>
          %dma_start3A = arith.constant 0 : i32
          %dma_start3A_37 = tpu.memref_slice %arg7[%add3A_32, %dma_start3A] : memref<8x128xi32, #tpu.memory_space<vmem>> -> memref<1x128xi32, #tpu.memory_space<vmem>>
          %dma_start3A_38 = tpu.memref_squeeze %dma_start3A_37 : memref<1x128xi32, #tpu.memory_space<vmem>> -> memref<128xi32, #tpu.memory_space<vmem>>
          %dma_start3A_39 = arith.constant 0 : i32
          %dma_start3A_40 = arith.constant 0 : i32
          %dma_start3A_41 = tpu.memref_slice %arg9[%dma_start3A_39, %dma_start3A_40] : memref<10240x128xf32, #tpu.memory_space<vmem_shared>> -> memref<10240x128xf32, #tpu.memory_space<vmem_shared>>
          tpu.enqueue_indirect_dma source(%arg8 : memref<128x128xf32, #tpu.memory_space<vmem>>) target(%dma_start3A_41 : memref<10240x128xf32, #tpu.memory_space<vmem_shared>>) offsets(%dma_start3A_38 : memref<128xi32, #tpu.memory_space<vmem>>) semaphore(%run_scoped3A : memref<!tpu.dma_semaphore, #tpu.memory_space<semaphore_mem>>) {add = true}
          %dma_wait3A = arith.constant 0 : i32
          %dma_wait3A_42 = tpu.memref_slice %arg7[%add3A_32, %dma_wait3A] : memref<8x128xi32, #tpu.memory_space<vmem>> -> memref<1x128xi32, #tpu.memory_space<vmem>>
          %dma_wait3A_43 = tpu.memref_squeeze %dma_wait3A_42 : memref<1x128xi32, #tpu.memory_space<vmem>> -> memref<128xi32, #tpu.memory_space<vmem>>
          %dma_wait3A_44 = arith.constant 0 : i32
          %dma_wait3A_45 = arith.constant 0 : i32
          %dma_wait3A_46 = tpu.memref_slice %arg9[%dma_wait3A_44, %dma_wait3A_45] : memref<10240x128xf32, #tpu.memory_space<vmem_shared>> -> memref<10240x128xf32, #tpu.memory_space<vmem_shared>>
          tpu.wait_indirect_dma semaphore(%run_scoped3A : memref<!tpu.dma_semaphore, #tpu.memory_space<semaphore_mem>>) src(%arg8 : memref<128x128xf32, #tpu.memory_space<vmem>>) dst(%dma_wait3A_46 : memref<10240x128xf32, #tpu.memory_space<vmem_shared>>)
          tpu.yield
        }) : () -> ()
      }
      %scan3A_27 = arith.constant 8 : i32
    }
    %scan3A_8 = arith.constant 5 : i32
    %barrier3A_9 = arith.constant 0 : index
    tpu.barrier barrier_id(%barrier3A_9)
    %eq3A = arith.constant 0 : i32
    %eq3A_10 = arith.cmpi eq, %arg0, %eq3A : i32
    %convert_element_type3A = arith.extui %eq3A_10 : i1 to i32
    %cond3A = arith.constant 0 : i32
    %cond3A_11 = arith.cmpi ne, %convert_element_type3A, %cond3A : i32
    scf.if %cond3A_11 {
      %mul3A_17 = arith.constant 640 : i32
      %mul3A_18 = arith.muli %arg1, %mul3A_17 : i32
      %mul3A_19 = arith.constant 640 : i32
      %mul3A_20 = arith.muli %arg1, %mul3A_19 : i32
      "tpu.region"() ({
        %run_scoped3A = tpu.sem_alloc : memref<!tpu.dma_semaphore, #tpu.memory_space<semaphore_mem>>
        %dma_start3A = arith.constant 0 : i32
        %dma_start3A_21 = tpu.memref_slice %arg5[%mul3A_20, %dma_start3A] : memref<10240x128xf32, #tpu.memory_space<hbm>> -> memref<640x128xf32, #tpu.memory_space<hbm>>
        %dma_start3A_22 = arith.constant 0 : i32
        %dma_start3A_23 = tpu.memref_slice %arg9[%mul3A_18, %dma_start3A_22] : memref<10240x128xf32, #tpu.memory_space<vmem_shared>> -> memref<640x128xf32, #tpu.memory_space<vmem_shared>>
        tpu.enqueue_dma source(%dma_start3A_23 : memref<640x128xf32, #tpu.memory_space<vmem_shared>>) target(%dma_start3A_21 : memref<640x128xf32, #tpu.memory_space<hbm>>) target_semaphore(%run_scoped3A : memref<!tpu.dma_semaphore, #tpu.memory_space<semaphore_mem>>)
        %dma_wait3A = arith.constant 0 : i32
        %dma_wait3A_24 = tpu.memref_slice %arg5[%mul3A_20, %dma_wait3A] : memref<10240x128xf32, #tpu.memory_space<hbm>> -> memref<640x128xf32, #tpu.memory_space<hbm>>
        %dma_wait3A_25 = arith.constant 0 : i32
        %dma_wait3A_26 = tpu.memref_slice %arg9[%mul3A_18, %dma_wait3A_25] : memref<10240x128xf32, #tpu.memory_space<vmem_shared>> -> memref<640x128xf32, #tpu.memory_space<vmem_shared>>
        tpu.wait_dma2 semaphore(%run_scoped3A : memref<!tpu.dma_semaphore, #tpu.memory_space<semaphore_mem>>) src(%dma_wait3A_26 : memref<640x128xf32, #tpu.memory_space<vmem_shared>>) dst(%dma_wait3A_24 : memref<640x128xf32, #tpu.memory_space<hbm>>)
        tpu.yield
      }) : () -> ()
    } else {
    }
    %eq3A_12 = arith.constant 1 : i32
    %eq3A_13 = arith.cmpi eq, %arg0, %eq3A_12 : i32
    %convert_element_type3A_14 = arith.extui %eq3A_13 : i1 to i32
    %cond3A_15 = arith.constant 0 : i32
    %cond3A_16 = arith.cmpi ne, %convert_element_type3A_14, %cond3A_15 : i32
    scf.if %cond3A_16 {
      %mul3A_17 = arith.constant 640 : i32
      %mul3A_18 = arith.muli %arg1, %mul3A_17 : i32
      %mul3A_19 = arith.constant 640 : i32
      %mul3A_20 = arith.muli %arg1, %mul3A_19 : i32
      "tpu.region"() ({
        %run_scoped3A = tpu.sem_alloc : memref<!tpu.dma_semaphore, #tpu.memory_space<semaphore_mem>>
        %dma_start3A = arith.constant 0 : i32
        %dma_start3A_21 = tpu.memref_slice %arg6[%mul3A_20, %dma_start3A] : memref<10240x128xf32, #tpu.memory_space<hbm>> -> memref<640x128xf32, #tpu.memory_space<hbm>>
        %dma_start3A_22 = arith.constant 0 : i32
        %dma_start3A_23 = tpu.memref_slice %arg9[%mul3A_18, %dma_start3A_22] : memref<10240x128xf32, #tpu.memory_space<vmem_shared>> -> memref<640x128xf32, #tpu.memory_space<vmem_shared>>
        tpu.enqueue_dma source(%dma_start3A_23 : memref<640x128xf32, #tpu.memory_space<vmem_shared>>) target(%dma_start3A_21 : memref<640x128xf32, #tpu.memory_space<hbm>>) target_semaphore(%run_scoped3A : memref<!tpu.dma_semaphore, #tpu.memory_space<semaphore_mem>>)
        %dma_wait3A = arith.constant 0 : i32
        %dma_wait3A_24 = tpu.memref_slice %arg6[%mul3A_20, %dma_wait3A] : memref<10240x128xf32, #tpu.memory_space<hbm>> -> memref<640x128xf32, #tpu.memory_space<hbm>>
        %dma_wait3A_25 = arith.constant 0 : i32
        %dma_wait3A_26 = tpu.memref_slice %arg9[%mul3A_18, %dma_wait3A_25] : memref<10240x128xf32, #tpu.memory_space<vmem_shared>> -> memref<640x128xf32, #tpu.memory_space<vmem_shared>>
        tpu.wait_dma2 semaphore(%run_scoped3A : memref<!tpu.dma_semaphore, #tpu.memory_space<semaphore_mem>>) src(%dma_wait3A_26 : memref<640x128xf32, #tpu.memory_space<vmem_shared>>) dst(%dma_wait3A_24 : memref<640x128xf32, #tpu.memory_space<hbm>>)
        tpu.yield
      }) : () -> ()
    } else {
    }
    return
  }
}

#map = affine_map<(d0, d1) -> (0, 0)>
module attributes {stable_mosaic.version = 14 : i64} {
  func.func @k(%arg0: i32, %arg1: i32, %arg2: memref<10000x128xf32, #tpu.memory_space<hbm>>, %arg3: memref<1280x128xi32, #tpu.memory_space<hbm>>, %arg4: memref<1280x128xi32, #tpu.memory_space<hbm>>, %arg5: memref<163840x128xf32, #tpu.memory_space<hbm>>, %arg6: memref<163840x128xf32, #tpu.memory_space<hbm>>, %arg7: memref<40x128xi32, #tpu.memory_space<vmem>>, %arg8: memref<40x128xi32, #tpu.memory_space<vmem>>, %arg9: memref<128x128xf32, #tpu.memory_space<vmem>>, %arg10: memref<128x128xf32, #tpu.memory_space<vmem>>, %arg11: memref<128x128xf32, #tpu.memory_space<vmem>>, %arg12: memref<128x128xf32, #tpu.memory_space<vmem>>, %arg13: memref<!tpu.dma_semaphore, #tpu.memory_space<semaphore_mem>>, %arg14: memref<!tpu.dma_semaphore, #tpu.memory_space<semaphore_mem>>, %arg15: memref<!tpu.dma_semaphore, #tpu.memory_space<semaphore_mem>>, %arg16: memref<!tpu.dma_semaphore, #tpu.memory_space<semaphore_mem>>, %arg17: memref<!tpu.dma_semaphore, #tpu.memory_space<semaphore_mem>>, %arg18: memref<!tpu.dma_semaphore, #tpu.memory_space<semaphore_mem>>, %arg19: memref<!tpu.dma_semaphore, #tpu.memory_space<semaphore_mem>>, %arg20: memref<!tpu.dma_semaphore, #tpu.memory_space<semaphore_mem>>) attributes {dimension_semantics = [#tpu.dimension_semantics<core_parallel>, #tpu.dimension_semantics<subcore_parallel>], iteration_bounds = array<i64: 2, 16>, scalar_prefetch = 0 : i64, scratch_operands = 14 : i64, tpu.core_type = #tpu.core_type<sc_vector_subcore>, window_params = [{transform_indices = #map}, {transform_indices = #map}, {transform_indices = #map}, {transform_indices = #map}, {transform_indices = #map}]} {
    %mul3A = arith.constant 2 : i32
    %mul3A_0 = arith.muli %arg1, %mul3A : i32
    %add3A = arith.addi %mul3A_0, %arg0 : i32
    %mul3A_1 = arith.constant 40 : i32
    %mul3A_2 = arith.muli %add3A, %mul3A_1 : i32
    "tpu.region"() ({
      %run_scoped3A = tpu.sem_alloc : memref<!tpu.dma_semaphore, #tpu.memory_space<semaphore_mem>>
      %dma_start3A_46 = arith.constant 0 : i32
      %dma_start3A_47 = tpu.memref_slice %arg4[%mul3A_2, %dma_start3A_46] : memref<1280x128xi32, #tpu.memory_space<hbm>> -> memref<40x128xi32, #tpu.memory_space<hbm>>
      %dma_start3A_48 = arith.constant 0 : i32
      %dma_start3A_49 = tpu.memref_slice %arg4[%mul3A_2, %dma_start3A_48] : memref<1280x128xi32, #tpu.memory_space<hbm>> -> memref<40x128xi32, #tpu.memory_space<hbm>>
      tpu.enqueue_dma source(%dma_start3A_49 : memref<40x128xi32, #tpu.memory_space<hbm>>) target(%arg8 : memref<40x128xi32, #tpu.memory_space<vmem>>) target_semaphore(%run_scoped3A : memref<!tpu.dma_semaphore, #tpu.memory_space<semaphore_mem>>)
      %dma_wait3A_50 = arith.constant 0 : i32
      %dma_wait3A_51 = tpu.memref_slice %arg4[%mul3A_2, %dma_wait3A_50] : memref<1280x128xi32, #tpu.memory_space<hbm>> -> memref<40x128xi32, #tpu.memory_space<hbm>>
      %dma_wait3A_52 = arith.constant 0 : i32
      %dma_wait3A_53 = tpu.memref_slice %arg4[%mul3A_2, %dma_wait3A_52] : memref<1280x128xi32, #tpu.memory_space<hbm>> -> memref<40x128xi32, #tpu.memory_space<hbm>>
      tpu.wait_dma2 semaphore(%run_scoped3A : memref<!tpu.dma_semaphore, #tpu.memory_space<semaphore_mem>>) src(%dma_wait3A_53 : memref<40x128xi32, #tpu.memory_space<hbm>>) dst(%arg8 : memref<40x128xi32, #tpu.memory_space<vmem>>)
      tpu.yield
    }) : () -> ()
    "tpu.region"() ({
      %run_scoped3A = tpu.sem_alloc : memref<!tpu.dma_semaphore, #tpu.memory_space<semaphore_mem>>
      %dma_start3A_46 = arith.constant 0 : i32
      %dma_start3A_47 = tpu.memref_slice %arg3[%mul3A_2, %dma_start3A_46] : memref<1280x128xi32, #tpu.memory_space<hbm>> -> memref<40x128xi32, #tpu.memory_space<hbm>>
      %dma_start3A_48 = arith.constant 0 : i32
      %dma_start3A_49 = tpu.memref_slice %arg3[%mul3A_2, %dma_start3A_48] : memref<1280x128xi32, #tpu.memory_space<hbm>> -> memref<40x128xi32, #tpu.memory_space<hbm>>
      tpu.enqueue_dma source(%dma_start3A_49 : memref<40x128xi32, #tpu.memory_space<hbm>>) target(%arg7 : memref<40x128xi32, #tpu.memory_space<vmem>>) target_semaphore(%run_scoped3A : memref<!tpu.dma_semaphore, #tpu.memory_space<semaphore_mem>>)
      %dma_wait3A_50 = arith.constant 0 : i32
      %dma_wait3A_51 = tpu.memref_slice %arg3[%mul3A_2, %dma_wait3A_50] : memref<1280x128xi32, #tpu.memory_space<hbm>> -> memref<40x128xi32, #tpu.memory_space<hbm>>
      %dma_wait3A_52 = arith.constant 0 : i32
      %dma_wait3A_53 = tpu.memref_slice %arg3[%mul3A_2, %dma_wait3A_52] : memref<1280x128xi32, #tpu.memory_space<hbm>> -> memref<40x128xi32, #tpu.memory_space<hbm>>
      tpu.wait_dma2 semaphore(%run_scoped3A : memref<!tpu.dma_semaphore, #tpu.memory_space<semaphore_mem>>) src(%dma_wait3A_53 : memref<40x128xi32, #tpu.memory_space<hbm>>) dst(%arg7 : memref<40x128xi32, #tpu.memory_space<vmem>>)
      tpu.yield
    }) : () -> ()
    %dma_start3A = arith.constant 0 : i32
    %dma_start3A_3 = arith.constant 0 : i32
    %dma_start3A_4 = tpu.memref_slice %arg8[%dma_start3A, %dma_start3A_3] : memref<40x128xi32, #tpu.memory_space<vmem>> -> memref<1x128xi32, #tpu.memory_space<vmem>>
    %dma_start3A_5 = tpu.memref_squeeze %dma_start3A_4 : memref<1x128xi32, #tpu.memory_space<vmem>> -> memref<128xi32, #tpu.memory_space<vmem>>
    %dma_start3A_6 = arith.constant 0 : i32
    %dma_start3A_7 = arith.constant 0 : i32
    %dma_start3A_8 = tpu.memref_slice %arg2[%dma_start3A_6, %dma_start3A_7] : memref<10000x128xf32, #tpu.memory_space<hbm>> -> memref<10000x128xf32, #tpu.memory_space<hbm>>
    tpu.enqueue_indirect_dma source(%dma_start3A_8 : memref<10000x128xf32, #tpu.memory_space<hbm>>) target(%arg9 : memref<128x128xf32, #tpu.memory_space<vmem>>) offsets(%dma_start3A_5 : memref<128xi32, #tpu.memory_space<vmem>>) semaphore(%arg13 : memref<!tpu.dma_semaphore, #tpu.memory_space<semaphore_mem>>)
    %dma_start3A_9 = arith.constant 0 : i32
    %dma_start3A_10 = arith.constant 0 : i32
    %dma_start3A_11 = tpu.memref_slice %arg7[%dma_start3A_9, %dma_start3A_10] : memref<40x128xi32, #tpu.memory_space<vmem>> -> memref<1x128xi32, #tpu.memory_space<vmem>>
    %dma_start3A_12 = tpu.memref_squeeze %dma_start3A_11 : memref<1x128xi32, #tpu.memory_space<vmem>> -> memref<128xi32, #tpu.memory_space<vmem>>
    %dma_start3A_13 = arith.constant 0 : i32
    %dma_start3A_14 = arith.constant 0 : i32
    %dma_start3A_15 = tpu.memref_slice %arg2[%dma_start3A_13, %dma_start3A_14] : memref<10000x128xf32, #tpu.memory_space<hbm>> -> memref<10000x128xf32, #tpu.memory_space<hbm>>
    tpu.enqueue_indirect_dma source(%dma_start3A_15 : memref<10000x128xf32, #tpu.memory_space<hbm>>) target(%arg11 : memref<128x128xf32, #tpu.memory_space<vmem>>) offsets(%dma_start3A_12 : memref<128xi32, #tpu.memory_space<vmem>>) semaphore(%arg15 : memref<!tpu.dma_semaphore, #tpu.memory_space<semaphore_mem>>)
    %scan3A = arith.constant 0 : i32
    %scan3A_16 = arith.constant 20 : i32
    %scan3A_17 = arith.addi %scan3A, %scan3A_16 : i32
    %scan3A_18 = arith.constant 1 : i32
    scf.for %scan3A_46 = %scan3A to %scan3A_17 step %scan3A_18  : i32 {
      %mul3A_47 = arith.constant 2 : i32
      %mul3A_48 = arith.muli %scan3A_46, %mul3A_47 : i32
      %add3A_49 = arith.constant 0 : i32
      %add3A_50 = arith.addi %add3A_49, %mul3A_48 : i32
      %add3A_51 = arith.constant 0 : i32
      %add3A_52 = arith.addi %add3A_50, %add3A_51 : i32
      %add3A_53 = arith.constant 1 : i32
      %add3A_54 = arith.addi %add3A_52, %add3A_53 : i32
      %lt3A = arith.constant 40 : i32
      %lt3A_55 = arith.cmpi slt, %add3A_54, %lt3A : i32
      %convert_element_type3A = arith.extui %lt3A_55 : i1 to i32
      %cond3A = arith.constant 0 : i32
      %cond3A_56 = arith.cmpi ne, %convert_element_type3A, %cond3A : i32
      scf.if %cond3A_56 {
        %ge3A = arith.constant 1 : i32
        %ge3A_112 = arith.cmpi sge, %add3A_52, %ge3A : i32
        %convert_element_type3A_113 = arith.extui %ge3A_112 : i1 to i32
        %cond3A_114 = arith.constant 0 : i32
        %cond3A_115 = arith.cmpi ne, %convert_element_type3A_113, %cond3A_114 : i32
        scf.if %cond3A_115 {
          %add3A_132 = arith.addi %mul3A_2, %add3A_52 : i32
          %sub3A_133 = arith.constant 1 : i32
          %sub3A_134 = arith.subi %add3A_132, %sub3A_133 : i32
          %mul3A_135 = arith.constant 128 : i32
          %mul3A_136 = arith.muli %sub3A_134, %mul3A_135 : i32
          %dma_wait3A_137 = arith.constant 0 : i32
          %dma_wait3A_138 = tpu.memref_slice %arg5[%mul3A_136, %dma_wait3A_137] : memref<163840x128xf32, #tpu.memory_space<hbm>> -> memref<128x128xf32, #tpu.memory_space<hbm>>
          %dma_wait3A_139 = arith.constant 0 : i32
          %dma_wait3A_140 = tpu.memref_slice %arg5[%mul3A_136, %dma_wait3A_139] : memref<163840x128xf32, #tpu.memory_space<hbm>> -> memref<128x128xf32, #tpu.memory_space<hbm>>
          tpu.wait_dma2 semaphore(%arg18 : memref<!tpu.dma_semaphore, #tpu.memory_space<semaphore_mem>>) src(%arg10 : memref<128x128xf32, #tpu.memory_space<vmem>>) dst(%dma_wait3A_140 : memref<128x128xf32, #tpu.memory_space<hbm>>)
          %dma_wait3A_141 = arith.constant 0 : i32
          %dma_wait3A_142 = tpu.memref_slice %arg6[%mul3A_136, %dma_wait3A_141] : memref<163840x128xf32, #tpu.memory_space<hbm>> -> memref<128x128xf32, #tpu.memory_space<hbm>>
          %dma_wait3A_143 = arith.constant 0 : i32
          %dma_wait3A_144 = tpu.memref_slice %arg6[%mul3A_136, %dma_wait3A_143] : memref<163840x128xf32, #tpu.memory_space<hbm>> -> memref<128x128xf32, #tpu.memory_space<hbm>>
          tpu.wait_dma2 semaphore(%arg20 : memref<!tpu.dma_semaphore, #tpu.memory_space<semaphore_mem>>) src(%arg12 : memref<128x128xf32, #tpu.memory_space<vmem>>) dst(%dma_wait3A_144 : memref<128x128xf32, #tpu.memory_space<hbm>>)
        } else {
        }
        %add3A_116 = arith.constant 1 : i32
        %add3A_117 = arith.addi %add3A_52, %add3A_116 : i32
        %dma_start3A_118 = arith.constant 0 : i32
        %dma_start3A_119 = tpu.memref_slice %arg8[%add3A_117, %dma_start3A_118] : memref<40x128xi32, #tpu.memory_space<vmem>> -> memref<1x128xi32, #tpu.memory_space<vmem>>
        %dma_start3A_120 = tpu.memref_squeeze %dma_start3A_119 : memref<1x128xi32, #tpu.memory_space<vmem>> -> memref<128xi32, #tpu.memory_space<vmem>>
        %dma_start3A_121 = arith.constant 0 : i32
        %dma_start3A_122 = arith.constant 0 : i32
        %dma_start3A_123 = tpu.memref_slice %arg2[%dma_start3A_121, %dma_start3A_122] : memref<10000x128xf32, #tpu.memory_space<hbm>> -> memref<10000x128xf32, #tpu.memory_space<hbm>>
        tpu.enqueue_indirect_dma source(%dma_start3A_123 : memref<10000x128xf32, #tpu.memory_space<hbm>>) target(%arg10 : memref<128x128xf32, #tpu.memory_space<vmem>>) offsets(%dma_start3A_120 : memref<128xi32, #tpu.memory_space<vmem>>) semaphore(%arg14 : memref<!tpu.dma_semaphore, #tpu.memory_space<semaphore_mem>>)
        %add3A_124 = arith.constant 1 : i32
        %add3A_125 = arith.addi %add3A_52, %add3A_124 : i32
        %dma_start3A_126 = arith.constant 0 : i32
        %dma_start3A_127 = tpu.memref_slice %arg7[%add3A_125, %dma_start3A_126] : memref<40x128xi32, #tpu.memory_space<vmem>> -> memref<1x128xi32, #tpu.memory_space<vmem>>
        %dma_start3A_128 = tpu.memref_squeeze %dma_start3A_127 : memref<1x128xi32, #tpu.memory_space<vmem>> -> memref<128xi32, #tpu.memory_space<vmem>>
        %dma_start3A_129 = arith.constant 0 : i32
        %dma_start3A_130 = arith.constant 0 : i32
        %dma_start3A_131 = tpu.memref_slice %arg2[%dma_start3A_129, %dma_start3A_130] : memref<10000x128xf32, #tpu.memory_space<hbm>> -> memref<10000x128xf32, #tpu.memory_space<hbm>>
        tpu.enqueue_indirect_dma source(%dma_start3A_131 : memref<10000x128xf32, #tpu.memory_space<hbm>>) target(%arg12 : memref<128x128xf32, #tpu.memory_space<vmem>>) offsets(%dma_start3A_128 : memref<128xi32, #tpu.memory_space<vmem>>) semaphore(%arg16 : memref<!tpu.dma_semaphore, #tpu.memory_space<semaphore_mem>>)
      } else {
      }
      %dma_wait3A_57 = arith.constant 0 : i32
      %dma_wait3A_58 = tpu.memref_slice %arg8[%add3A_52, %dma_wait3A_57] : memref<40x128xi32, #tpu.memory_space<vmem>> -> memref<1x128xi32, #tpu.memory_space<vmem>>
      %dma_wait3A_59 = tpu.memref_squeeze %dma_wait3A_58 : memref<1x128xi32, #tpu.memory_space<vmem>> -> memref<128xi32, #tpu.memory_space<vmem>>
      %dma_wait3A_60 = arith.constant 0 : i32
      %dma_wait3A_61 = arith.constant 0 : i32
      %dma_wait3A_62 = tpu.memref_slice %arg2[%dma_wait3A_60, %dma_wait3A_61] : memref<10000x128xf32, #tpu.memory_space<hbm>> -> memref<10000x128xf32, #tpu.memory_space<hbm>>
      tpu.wait_indirect_dma semaphore(%arg13 : memref<!tpu.dma_semaphore, #tpu.memory_space<semaphore_mem>>) src(%dma_wait3A_62 : memref<10000x128xf32, #tpu.memory_space<hbm>>) dst(%arg9 : memref<128x128xf32, #tpu.memory_space<vmem>>)
      %dma_wait3A_63 = arith.constant 0 : i32
      %dma_wait3A_64 = tpu.memref_slice %arg7[%add3A_52, %dma_wait3A_63] : memref<40x128xi32, #tpu.memory_space<vmem>> -> memref<1x128xi32, #tpu.memory_space<vmem>>
      %dma_wait3A_65 = tpu.memref_squeeze %dma_wait3A_64 : memref<1x128xi32, #tpu.memory_space<vmem>> -> memref<128xi32, #tpu.memory_space<vmem>>
      %dma_wait3A_66 = arith.constant 0 : i32
      %dma_wait3A_67 = arith.constant 0 : i32
      %dma_wait3A_68 = tpu.memref_slice %arg2[%dma_wait3A_66, %dma_wait3A_67] : memref<10000x128xf32, #tpu.memory_space<hbm>> -> memref<10000x128xf32, #tpu.memory_space<hbm>>
      tpu.wait_indirect_dma semaphore(%arg15 : memref<!tpu.dma_semaphore, #tpu.memory_space<semaphore_mem>>) src(%dma_wait3A_68 : memref<10000x128xf32, #tpu.memory_space<hbm>>) dst(%arg11 : memref<128x128xf32, #tpu.memory_space<vmem>>)
      %add3A_69 = arith.addi %mul3A_2, %add3A_52 : i32
      %mul3A_70 = arith.constant 128 : i32
      %mul3A_71 = arith.muli %add3A_69, %mul3A_70 : i32
      %dma_start3A_72 = arith.constant 0 : i32
      %dma_start3A_73 = tpu.memref_slice %arg5[%mul3A_71, %dma_start3A_72] : memref<163840x128xf32, #tpu.memory_space<hbm>> -> memref<128x128xf32, #tpu.memory_space<hbm>>
      %dma_start3A_74 = arith.constant 0 : i32
      %dma_start3A_75 = tpu.memref_slice %arg5[%mul3A_71, %dma_start3A_74] : memref<163840x128xf32, #tpu.memory_space<hbm>> -> memref<128x128xf32, #tpu.memory_space<hbm>>
      tpu.enqueue_dma source(%arg9 : memref<128x128xf32, #tpu.memory_space<vmem>>) target(%dma_start3A_75 : memref<128x128xf32, #tpu.memory_space<hbm>>) target_semaphore(%arg17 : memref<!tpu.dma_semaphore, #tpu.memory_space<semaphore_mem>>)
      %dma_start3A_76 = arith.constant 0 : i32
      %dma_start3A_77 = tpu.memref_slice %arg6[%mul3A_71, %dma_start3A_76] : memref<163840x128xf32, #tpu.memory_space<hbm>> -> memref<128x128xf32, #tpu.memory_space<hbm>>
      %dma_start3A_78 = arith.constant 0 : i32
      %dma_start3A_79 = tpu.memref_slice %arg6[%mul3A_71, %dma_start3A_78] : memref<163840x128xf32, #tpu.memory_space<hbm>> -> memref<128x128xf32, #tpu.memory_space<hbm>>
      tpu.enqueue_dma source(%arg11 : memref<128x128xf32, #tpu.memory_space<vmem>>) target(%dma_start3A_79 : memref<128x128xf32, #tpu.memory_space<hbm>>) target_semaphore(%arg19 : memref<!tpu.dma_semaphore, #tpu.memory_space<semaphore_mem>>)
      %add3A_80 = arith.constant 1 : i32
      %add3A_81 = arith.addi %add3A_50, %add3A_80 : i32
      %add3A_82 = arith.constant 1 : i32
      %add3A_83 = arith.addi %add3A_81, %add3A_82 : i32
      %lt3A_84 = arith.constant 40 : i32
      %lt3A_85 = arith.cmpi slt, %add3A_83, %lt3A_84 : i32
      %convert_element_type3A_86 = arith.extui %lt3A_85 : i1 to i32
      %cond3A_87 = arith.constant 0 : i32
      %cond3A_88 = arith.cmpi ne, %convert_element_type3A_86, %cond3A_87 : i32
      scf.if %cond3A_88 {
        %ge3A = arith.constant 1 : i32
        %ge3A_112 = arith.cmpi sge, %add3A_81, %ge3A : i32
        %convert_element_type3A_113 = arith.extui %ge3A_112 : i1 to i32
        %cond3A_114 = arith.constant 0 : i32
        %cond3A_115 = arith.cmpi ne, %convert_element_type3A_113, %cond3A_114 : i32
        scf.if %cond3A_115 {
          %add3A_132 = arith.addi %mul3A_2, %add3A_81 : i32
          %sub3A_133 = arith.constant 1 : i32
          %sub3A_134 = arith.subi %add3A_132, %sub3A_133 : i32
          %mul3A_135 = arith.constant 128 : i32
          %mul3A_136 = arith.muli %sub3A_134, %mul3A_135 : i32
          %dma_wait3A_137 = arith.constant 0 : i32
          %dma_wait3A_138 = tpu.memref_slice %arg5[%mul3A_136, %dma_wait3A_137] : memref<163840x128xf32, #tpu.memory_space<hbm>> -> memref<128x128xf32, #tpu.memory_space<hbm>>
          %dma_wait3A_139 = arith.constant 0 : i32
          %dma_wait3A_140 = tpu.memref_slice %arg5[%mul3A_136, %dma_wait3A_139] : memref<163840x128xf32, #tpu.memory_space<hbm>> -> memref<128x128xf32, #tpu.memory_space<hbm>>
          tpu.wait_dma2 semaphore(%arg17 : memref<!tpu.dma_semaphore, #tpu.memory_space<semaphore_mem>>) src(%arg9 : memref<128x128xf32, #tpu.memory_space<vmem>>) dst(%dma_wait3A_140 : memref<128x128xf32, #tpu.memory_space<hbm>>)
          %dma_wait3A_141 = arith.constant 0 : i32
          %dma_wait3A_142 = tpu.memref_slice %arg6[%mul3A_136, %dma_wait3A_141] : memref<163840x128xf32, #tpu.memory_space<hbm>> -> memref<128x128xf32, #tpu.memory_space<hbm>>
          %dma_wait3A_143 = arith.constant 0 : i32
          %dma_wait3A_144 = tpu.memref_slice %arg6[%mul3A_136, %dma_wait3A_143] : memref<163840x128xf32, #tpu.memory_space<hbm>> -> memref<128x128xf32, #tpu.memory_space<hbm>>
          tpu.wait_dma2 semaphore(%arg19 : memref<!tpu.dma_semaphore, #tpu.memory_space<semaphore_mem>>) src(%arg11 : memref<128x128xf32, #tpu.memory_space<vmem>>) dst(%dma_wait3A_144 : memref<128x128xf32, #tpu.memory_space<hbm>>)
        } else {
        }
        %add3A_116 = arith.constant 1 : i32
        %add3A_117 = arith.addi %add3A_81, %add3A_116 : i32
        %dma_start3A_118 = arith.constant 0 : i32
        %dma_start3A_119 = tpu.memref_slice %arg8[%add3A_117, %dma_start3A_118] : memref<40x128xi32, #tpu.memory_space<vmem>> -> memref<1x128xi32, #tpu.memory_space<vmem>>
        %dma_start3A_120 = tpu.memref_squeeze %dma_start3A_119 : memref<1x128xi32, #tpu.memory_space<vmem>> -> memref<128xi32, #tpu.memory_space<vmem>>
        %dma_start3A_121 = arith.constant 0 : i32
        %dma_start3A_122 = arith.constant 0 : i32
        %dma_start3A_123 = tpu.memref_slice %arg2[%dma_start3A_121, %dma_start3A_122] : memref<10000x128xf32, #tpu.memory_space<hbm>> -> memref<10000x128xf32, #tpu.memory_space<hbm>>
        tpu.enqueue_indirect_dma source(%dma_start3A_123 : memref<10000x128xf32, #tpu.memory_space<hbm>>) target(%arg9 : memref<128x128xf32, #tpu.memory_space<vmem>>) offsets(%dma_start3A_120 : memref<128xi32, #tpu.memory_space<vmem>>) semaphore(%arg13 : memref<!tpu.dma_semaphore, #tpu.memory_space<semaphore_mem>>)
        %add3A_124 = arith.constant 1 : i32
        %add3A_125 = arith.addi %add3A_81, %add3A_124 : i32
        %dma_start3A_126 = arith.constant 0 : i32
        %dma_start3A_127 = tpu.memref_slice %arg7[%add3A_125, %dma_start3A_126] : memref<40x128xi32, #tpu.memory_space<vmem>> -> memref<1x128xi32, #tpu.memory_space<vmem>>
        %dma_start3A_128 = tpu.memref_squeeze %dma_start3A_127 : memref<1x128xi32, #tpu.memory_space<vmem>> -> memref<128xi32, #tpu.memory_space<vmem>>
        %dma_start3A_129 = arith.constant 0 : i32
        %dma_start3A_130 = arith.constant 0 : i32
        %dma_start3A_131 = tpu.memref_slice %arg2[%dma_start3A_129, %dma_start3A_130] : memref<10000x128xf32, #tpu.memory_space<hbm>> -> memref<10000x128xf32, #tpu.memory_space<hbm>>
        tpu.enqueue_indirect_dma source(%dma_start3A_131 : memref<10000x128xf32, #tpu.memory_space<hbm>>) target(%arg11 : memref<128x128xf32, #tpu.memory_space<vmem>>) offsets(%dma_start3A_128 : memref<128xi32, #tpu.memory_space<vmem>>) semaphore(%arg15 : memref<!tpu.dma_semaphore, #tpu.memory_space<semaphore_mem>>)
      } else {
      }
      %dma_wait3A_89 = arith.constant 0 : i32
      %dma_wait3A_90 = tpu.memref_slice %arg8[%add3A_81, %dma_wait3A_89] : memref<40x128xi32, #tpu.memory_space<vmem>> -> memref<1x128xi32, #tpu.memory_space<vmem>>
      %dma_wait3A_91 = tpu.memref_squeeze %dma_wait3A_90 : memref<1x128xi32, #tpu.memory_space<vmem>> -> memref<128xi32, #tpu.memory_space<vmem>>
      %dma_wait3A_92 = arith.constant 0 : i32
      %dma_wait3A_93 = arith.constant 0 : i32
      %dma_wait3A_94 = tpu.memref_slice %arg2[%dma_wait3A_92, %dma_wait3A_93] : memref<10000x128xf32, #tpu.memory_space<hbm>> -> memref<10000x128xf32, #tpu.memory_space<hbm>>
      tpu.wait_indirect_dma semaphore(%arg14 : memref<!tpu.dma_semaphore, #tpu.memory_space<semaphore_mem>>) src(%dma_wait3A_94 : memref<10000x128xf32, #tpu.memory_space<hbm>>) dst(%arg10 : memref<128x128xf32, #tpu.memory_space<vmem>>)
      %dma_wait3A_95 = arith.constant 0 : i32
      %dma_wait3A_96 = tpu.memref_slice %arg7[%add3A_81, %dma_wait3A_95] : memref<40x128xi32, #tpu.memory_space<vmem>> -> memref<1x128xi32, #tpu.memory_space<vmem>>
      %dma_wait3A_97 = tpu.memref_squeeze %dma_wait3A_96 : memref<1x128xi32, #tpu.memory_space<vmem>> -> memref<128xi32, #tpu.memory_space<vmem>>
      %dma_wait3A_98 = arith.constant 0 : i32
      %dma_wait3A_99 = arith.constant 0 : i32
      %dma_wait3A_100 = tpu.memref_slice %arg2[%dma_wait3A_98, %dma_wait3A_99] : memref<10000x128xf32, #tpu.memory_space<hbm>> -> memref<10000x128xf32, #tpu.memory_space<hbm>>
      tpu.wait_indirect_dma semaphore(%arg16 : memref<!tpu.dma_semaphore, #tpu.memory_space<semaphore_mem>>) src(%dma_wait3A_100 : memref<10000x128xf32, #tpu.memory_space<hbm>>) dst(%arg12 : memref<128x128xf32, #tpu.memory_space<vmem>>)
      %add3A_101 = arith.addi %mul3A_2, %add3A_81 : i32
      %mul3A_102 = arith.constant 128 : i32
      %mul3A_103 = arith.muli %add3A_101, %mul3A_102 : i32
      %dma_start3A_104 = arith.constant 0 : i32
      %dma_start3A_105 = tpu.memref_slice %arg5[%mul3A_103, %dma_start3A_104] : memref<163840x128xf32, #tpu.memory_space<hbm>> -> memref<128x128xf32, #tpu.memory_space<hbm>>
      %dma_start3A_106 = arith.constant 0 : i32
      %dma_start3A_107 = tpu.memref_slice %arg5[%mul3A_103, %dma_start3A_106] : memref<163840x128xf32, #tpu.memory_space<hbm>> -> memref<128x128xf32, #tpu.memory_space<hbm>>
      tpu.enqueue_dma source(%arg10 : memref<128x128xf32, #tpu.memory_space<vmem>>) target(%dma_start3A_107 : memref<128x128xf32, #tpu.memory_space<hbm>>) target_semaphore(%arg18 : memref<!tpu.dma_semaphore, #tpu.memory_space<semaphore_mem>>)
      %dma_start3A_108 = arith.constant 0 : i32
      %dma_start3A_109 = tpu.memref_slice %arg6[%mul3A_103, %dma_start3A_108] : memref<163840x128xf32, #tpu.memory_space<hbm>> -> memref<128x128xf32, #tpu.memory_space<hbm>>
      %dma_start3A_110 = arith.constant 0 : i32
      %dma_start3A_111 = tpu.memref_slice %arg6[%mul3A_103, %dma_start3A_110] : memref<163840x128xf32, #tpu.memory_space<hbm>> -> memref<128x128xf32, #tpu.memory_space<hbm>>
      tpu.enqueue_dma source(%arg12 : memref<128x128xf32, #tpu.memory_space<vmem>>) target(%dma_start3A_111 : memref<128x128xf32, #tpu.memory_space<hbm>>) target_semaphore(%arg20 : memref<!tpu.dma_semaphore, #tpu.memory_space<semaphore_mem>>)
    }
    %scan3A_19 = arith.constant 20 : i32
    %add3A_20 = arith.constant 40 : i32
    %add3A_21 = arith.addi %mul3A_2, %add3A_20 : i32
    %sub3A = arith.constant 2 : i32
    %sub3A_22 = arith.subi %add3A_21, %sub3A : i32
    %mul3A_23 = arith.constant 128 : i32
    %mul3A_24 = arith.muli %sub3A_22, %mul3A_23 : i32
    %add3A_25 = arith.constant 40 : i32
    %add3A_26 = arith.addi %mul3A_2, %add3A_25 : i32
    %sub3A_27 = arith.constant 1 : i32
    %sub3A_28 = arith.subi %add3A_26, %sub3A_27 : i32
    %mul3A_29 = arith.constant 128 : i32
    %mul3A_30 = arith.muli %sub3A_28, %mul3A_29 : i32
    %dma_wait3A = arith.constant 0 : i32
    %dma_wait3A_31 = tpu.memref_slice %arg5[%mul3A_24, %dma_wait3A] : memref<163840x128xf32, #tpu.memory_space<hbm>> -> memref<128x128xf32, #tpu.memory_space<hbm>>
    %dma_wait3A_32 = arith.constant 0 : i32
    %dma_wait3A_33 = tpu.memref_slice %arg5[%mul3A_24, %dma_wait3A_32] : memref<163840x128xf32, #tpu.memory_space<hbm>> -> memref<128x128xf32, #tpu.memory_space<hbm>>
    tpu.wait_dma2 semaphore(%arg17 : memref<!tpu.dma_semaphore, #tpu.memory_space<semaphore_mem>>) src(%arg9 : memref<128x128xf32, #tpu.memory_space<vmem>>) dst(%dma_wait3A_33 : memref<128x128xf32, #tpu.memory_space<hbm>>)
    %dma_wait3A_34 = arith.constant 0 : i32
    %dma_wait3A_35 = tpu.memref_slice %arg6[%mul3A_24, %dma_wait3A_34] : memref<163840x128xf32, #tpu.memory_space<hbm>> -> memref<128x128xf32, #tpu.memory_space<hbm>>
    %dma_wait3A_36 = arith.constant 0 : i32
    %dma_wait3A_37 = tpu.memref_slice %arg6[%mul3A_24, %dma_wait3A_36] : memref<163840x128xf32, #tpu.memory_space<hbm>> -> memref<128x128xf32, #tpu.memory_space<hbm>>
    tpu.wait_dma2 semaphore(%arg19 : memref<!tpu.dma_semaphore, #tpu.memory_space<semaphore_mem>>) src(%arg11 : memref<128x128xf32, #tpu.memory_space<vmem>>) dst(%dma_wait3A_37 : memref<128x128xf32, #tpu.memory_space<hbm>>)
    %dma_wait3A_38 = arith.constant 0 : i32
    %dma_wait3A_39 = tpu.memref_slice %arg5[%mul3A_30, %dma_wait3A_38] : memref<163840x128xf32, #tpu.memory_space<hbm>> -> memref<128x128xf32, #tpu.memory_space<hbm>>
    %dma_wait3A_40 = arith.constant 0 : i32
    %dma_wait3A_41 = tpu.memref_slice %arg5[%mul3A_30, %dma_wait3A_40] : memref<163840x128xf32, #tpu.memory_space<hbm>> -> memref<128x128xf32, #tpu.memory_space<hbm>>
    tpu.wait_dma2 semaphore(%arg18 : memref<!tpu.dma_semaphore, #tpu.memory_space<semaphore_mem>>) src(%arg10 : memref<128x128xf32, #tpu.memory_space<vmem>>) dst(%dma_wait3A_41 : memref<128x128xf32, #tpu.memory_space<hbm>>)
    %dma_wait3A_42 = arith.constant 0 : i32
    %dma_wait3A_43 = tpu.memref_slice %arg6[%mul3A_30, %dma_wait3A_42] : memref<163840x128xf32, #tpu.memory_space<hbm>> -> memref<128x128xf32, #tpu.memory_space<hbm>>
    %dma_wait3A_44 = arith.constant 0 : i32
    %dma_wait3A_45 = tpu.memref_slice %arg6[%mul3A_30, %dma_wait3A_44] : memref<163840x128xf32, #tpu.memory_space<hbm>> -> memref<128x128xf32, #tpu.memory_space<hbm>>
    tpu.wait_dma2 semaphore(%arg20 : memref<!tpu.dma_semaphore, #tpu.memory_space<semaphore_mem>>) src(%arg12 : memref<128x128xf32, #tpu.memory_space<vmem>>) dst(%dma_wait3A_45 : memref<128x128xf32, #tpu.memory_space<hbm>>)
    return
  }
}

#map = affine_map<(d0, d1) -> (0, 0)>
module attributes {stable_mosaic.version = 14 : i64} {
  func.func @k(%arg0: i32, %arg1: i32, %arg2: memref<163840x128xf32, #tpu.memory_space<hbm>>, %arg3: memref<1280x128xi32, #tpu.memory_space<hbm>>, %arg4: memref<640x128xf32, #tpu.memory_space<hbm>>, %arg5: memref<10240x128xf32, #tpu.memory_space<hbm>>, %arg6: memref<10240x128xf32, #tpu.memory_space<hbm>>, %arg7: memref<8x128xi32, #tpu.memory_space<vmem>>, %arg8: memref<128x128xf32, #tpu.memory_space<vmem>>, %arg9: memref<10240x128xf32, #tpu.memory_space<vmem_shared>>) attributes {dimension_semantics = [#tpu.dimension_semantics<core_parallel>, #tpu.dimension_semantics<subcore_parallel>], iteration_bounds = array<i64: 2, 16>, scalar_prefetch = 0 : i64, scratch_operands = 3 : i64, tpu.core_type = #tpu.core_type<sc_vector_subcore>, window_params = [{transform_indices = #map}, {transform_indices = #map}, {transform_indices = #map}, {transform_indices = #map}, {transform_indices = #map}]} {
    %mul3A = arith.constant 2 : i32
    %mul3A_0 = arith.muli %arg1, %mul3A : i32
    %add3A = arith.addi %mul3A_0, %arg0 : i32
    %mul3A_1 = arith.constant 40 : i32
    %mul3A_2 = arith.muli %add3A, %mul3A_1 : i32
    %mul3A_3 = arith.constant 640 : i32
    %mul3A_4 = arith.muli %arg1, %mul3A_3 : i32
    "tpu.region"() ({
      %run_scoped3A = tpu.sem_alloc : memref<!tpu.dma_semaphore, #tpu.memory_space<semaphore_mem>>
      %dma_start3A = arith.constant 0 : i32
      %dma_start3A_17 = tpu.memref_slice %arg9[%mul3A_4, %dma_start3A] : memref<10240x128xf32, #tpu.memory_space<vmem_shared>> -> memref<640x128xf32, #tpu.memory_space<vmem_shared>>
      tpu.enqueue_dma source(%arg4 : memref<640x128xf32, #tpu.memory_space<hbm>>) target(%dma_start3A_17 : memref<640x128xf32, #tpu.memory_space<vmem_shared>>) target_semaphore(%run_scoped3A : memref<!tpu.dma_semaphore, #tpu.memory_space<semaphore_mem>>)
      %dma_wait3A = arith.constant 0 : i32
      %dma_wait3A_18 = tpu.memref_slice %arg9[%mul3A_4, %dma_wait3A] : memref<10240x128xf32, #tpu.memory_space<vmem_shared>> -> memref<640x128xf32, #tpu.memory_space<vmem_shared>>
      tpu.wait_dma2 semaphore(%run_scoped3A : memref<!tpu.dma_semaphore, #tpu.memory_space<semaphore_mem>>) src(%arg4 : memref<640x128xf32, #tpu.memory_space<hbm>>) dst(%dma_wait3A_18 : memref<640x128xf32, #tpu.memory_space<vmem_shared>>)
      tpu.yield
    }) : () -> ()
    %barrier3A = arith.constant 0 : index
    tpu.barrier barrier_id(%barrier3A)
    %scan3A = arith.constant 0 : i32
    %scan3A_5 = arith.constant 5 : i32
    %scan3A_6 = arith.addi %scan3A, %scan3A_5 : i32
    %scan3A_7 = arith.constant 1 : i32
    scf.for %scan3A_17 = %scan3A to %scan3A_6 step %scan3A_7  : i32 {
      %mul3A_18 = arith.constant 8 : i32
      %mul3A_19 = arith.muli %scan3A_17, %mul3A_18 : i32
      %add3A_20 = arith.constant 0 : i32
      %add3A_21 = arith.addi %add3A_20, %mul3A_19 : i32
      %add3A_22 = arith.addi %mul3A_2, %add3A_21 : i32
      "tpu.region"() ({
        %run_scoped3A = tpu.sem_alloc : memref<!tpu.dma_semaphore, #tpu.memory_space<semaphore_mem>>
        %dma_start3A = arith.constant 0 : i32
        %dma_start3A_28 = tpu.memref_slice %arg3[%add3A_22, %dma_start3A] : memref<1280x128xi32, #tpu.memory_space<hbm>> -> memref<8x128xi32, #tpu.memory_space<hbm>>
        %dma_start3A_29 = arith.constant 0 : i32
        %dma_start3A_30 = tpu.memref_slice %arg3[%add3A_22, %dma_start3A_29] : memref<1280x128xi32, #tpu.memory_space<hbm>> -> memref<8x128xi32, #tpu.memory_space<hbm>>
        tpu.enqueue_dma source(%dma_start3A_30 : memref<8x128xi32, #tpu.memory_space<hbm>>) target(%arg7 : memref<8x128xi32, #tpu.memory_space<vmem>>) target_semaphore(%run_scoped3A : memref<!tpu.dma_semaphore, #tpu.memory_space<semaphore_mem>>)
        %dma_wait3A = arith.constant 0 : i32
        %dma_wait3A_31 = tpu.memref_slice %arg3[%add3A_22, %dma_wait3A] : memref<1280x128xi32, #tpu.memory_space<hbm>> -> memref<8x128xi32, #tpu.memory_space<hbm>>
        %dma_wait3A_32 = arith.constant 0 : i32
        %dma_wait3A_33 = tpu.memref_slice %arg3[%add3A_22, %dma_wait3A_32] : memref<1280x128xi32, #tpu.memory_space<hbm>> -> memref<8x128xi32, #tpu.memory_space<hbm>>
        tpu.wait_dma2 semaphore(%run_scoped3A : memref<!tpu.dma_semaphore, #tpu.memory_space<semaphore_mem>>) src(%dma_wait3A_33 : memref<8x128xi32, #tpu.memory_space<hbm>>) dst(%arg7 : memref<8x128xi32, #tpu.memory_space<vmem>>)
        tpu.yield
      }) : () -> ()
      %scan3A_23 = arith.constant 0 : i32
      %scan3A_24 = arith.constant 8 : i32
      %scan3A_25 = arith.addi %scan3A_23, %scan3A_24 : i32
      %scan3A_26 = arith.constant 1 : i32
      scf.for %scan3A_28 = %scan3A_23 to %scan3A_25 step %scan3A_26  : i32 {
        %mul3A_29 = arith.constant 1 : i32
        %mul3A_30 = arith.muli %scan3A_28, %mul3A_29 : i32
        %add3A_31 = arith.constant 0 : i32
        %add3A_32 = arith.addi %add3A_31, %mul3A_30 : i32
        %add3A_33 = arith.addi %mul3A_2, %add3A_21 : i32
        %add3A_34 = arith.addi %add3A_33, %add3A_32 : i32
        %mul3A_35 = arith.constant 128 : i32
        %mul3A_36 = arith.muli %add3A_34, %mul3A_35 : i32
        "tpu.region"() ({
          %run_scoped3A = tpu.sem_alloc : memref<!tpu.dma_semaphore, #tpu.memory_space<semaphore_mem>>
          %dma_start3A = arith.constant 0 : i32
          %dma_start3A_37 = tpu.memref_slice %arg2[%mul3A_36, %dma_start3A] : memref<163840x128xf32, #tpu.memory_space<hbm>> -> memref<128x128xf32, #tpu.memory_space<hbm>>
          %dma_start3A_38 = arith.constant 0 : i32
          %dma_start3A_39 = tpu.memref_slice %arg2[%mul3A_36, %dma_start3A_38] : memref<163840x128xf32, #tpu.memory_space<hbm>> -> memref<128x128xf32, #tpu.memory_space<hbm>>
          tpu.enqueue_dma source(%dma_start3A_39 : memref<128x128xf32, #tpu.memory_space<hbm>>) target(%arg8 : memref<128x128xf32, #tpu.memory_space<vmem>>) target_semaphore(%run_scoped3A : memref<!tpu.dma_semaphore, #tpu.memory_space<semaphore_mem>>)
          %dma_wait3A = arith.constant 0 : i32
          %dma_wait3A_40 = tpu.memref_slice %arg2[%mul3A_36, %dma_wait3A] : memref<163840x128xf32, #tpu.memory_space<hbm>> -> memref<128x128xf32, #tpu.memory_space<hbm>>
          %dma_wait3A_41 = arith.constant 0 : i32
          %dma_wait3A_42 = tpu.memref_slice %arg2[%mul3A_36, %dma_wait3A_41] : memref<163840x128xf32, #tpu.memory_space<hbm>> -> memref<128x128xf32, #tpu.memory_space<hbm>>
          tpu.wait_dma2 semaphore(%run_scoped3A : memref<!tpu.dma_semaphore, #tpu.memory_space<semaphore_mem>>) src(%dma_wait3A_42 : memref<128x128xf32, #tpu.memory_space<hbm>>) dst(%arg8 : memref<128x128xf32, #tpu.memory_space<vmem>>)
          tpu.yield
        }) : () -> ()
        "tpu.region"() ({
          %run_scoped3A = tpu.sem_alloc : memref<!tpu.dma_semaphore, #tpu.memory_space<semaphore_mem>>
          %dma_start3A = arith.constant 0 : i32
          %dma_start3A_37 = tpu.memref_slice %arg7[%add3A_32, %dma_start3A] : memref<8x128xi32, #tpu.memory_space<vmem>> -> memref<1x128xi32, #tpu.memory_space<vmem>>
          %dma_start3A_38 = tpu.memref_squeeze %dma_start3A_37 : memref<1x128xi32, #tpu.memory_space<vmem>> -> memref<128xi32, #tpu.memory_space<vmem>>
          %dma_start3A_39 = arith.constant 0 : i32
          %dma_start3A_40 = arith.constant 0 : i32
          %dma_start3A_41 = tpu.memref_slice %arg9[%dma_start3A_39, %dma_start3A_40] : memref<10240x128xf32, #tpu.memory_space<vmem_shared>> -> memref<10240x128xf32, #tpu.memory_space<vmem_shared>>
          tpu.enqueue_indirect_dma source(%arg8 : memref<128x128xf32, #tpu.memory_space<vmem>>) target(%dma_start3A_41 : memref<10240x128xf32, #tpu.memory_space<vmem_shared>>) offsets(%dma_start3A_38 : memref<128xi32, #tpu.memory_space<vmem>>) semaphore(%run_scoped3A : memref<!tpu.dma_semaphore, #tpu.memory_space<semaphore_mem>>) {add = true}
          %dma_wait3A = arith.constant 0 : i32
          %dma_wait3A_42 = tpu.memref_slice %arg7[%add3A_32, %dma_wait3A] : memref<8x128xi32, #tpu.memory_space<vmem>> -> memref<1x128xi32, #tpu.memory_space<vmem>>
          %dma_wait3A_43 = tpu.memref_squeeze %dma_wait3A_42 : memref<1x128xi32, #tpu.memory_space<vmem>> -> memref<128xi32, #tpu.memory_space<vmem>>
          %dma_wait3A_44 = arith.constant 0 : i32
          %dma_wait3A_45 = arith.constant 0 : i32
          %dma_wait3A_46 = tpu.memref_slice %arg9[%dma_wait3A_44, %dma_wait3A_45] : memref<10240x128xf32, #tpu.memory_space<vmem_shared>> -> memref<10240x128xf32, #tpu.memory_space<vmem_shared>>
          tpu.wait_indirect_dma semaphore(%run_scoped3A : memref<!tpu.dma_semaphore, #tpu.memory_space<semaphore_mem>>) src(%arg8 : memref<128x128xf32, #tpu.memory_space<vmem>>) dst(%dma_wait3A_46 : memref<10240x128xf32, #tpu.memory_space<vmem_shared>>)
          tpu.yield
        }) : () -> ()
      }
      %scan3A_27 = arith.constant 8 : i32
    }
    %scan3A_8 = arith.constant 5 : i32
    %barrier3A_9 = arith.constant 0 : index
    tpu.barrier barrier_id(%barrier3A_9)
    %eq3A = arith.constant 0 : i32
    %eq3A_10 = arith.cmpi eq, %arg0, %eq3A : i32
    %convert_element_type3A = arith.extui %eq3A_10 : i1 to i32
    %cond3A = arith.constant 0 : i32
    %cond3A_11 = arith.cmpi ne, %convert_element_type3A, %cond3A : i32
    scf.if %cond3A_11 {
      %mul3A_17 = arith.constant 640 : i32
      %mul3A_18 = arith.muli %arg1, %mul3A_17 : i32
      %mul3A_19 = arith.constant 640 : i32
      %mul3A_20 = arith.muli %arg1, %mul3A_19 : i32
      "tpu.region"() ({
        %run_scoped3A = tpu.sem_alloc : memref<!tpu.dma_semaphore, #tpu.memory_space<semaphore_mem>>
        %dma_start3A = arith.constant 0 : i32
        %dma_start3A_21 = tpu.memref_slice %arg5[%mul3A_20, %dma_start3A] : memref<10240x128xf32, #tpu.memory_space<hbm>> -> memref<640x128xf32, #tpu.memory_space<hbm>>
        %dma_start3A_22 = arith.constant 0 : i32
        %dma_start3A_23 = tpu.memref_slice %arg9[%mul3A_18, %dma_start3A_22] : memref<10240x128xf32, #tpu.memory_space<vmem_shared>> -> memref<640x128xf32, #tpu.memory_space<vmem_shared>>
        tpu.enqueue_dma source(%dma_start3A_23 : memref<640x128xf32, #tpu.memory_space<vmem_shared>>) target(%dma_start3A_21 : memref<640x128xf32, #tpu.memory_space<hbm>>) target_semaphore(%run_scoped3A : memref<!tpu.dma_semaphore, #tpu.memory_space<semaphore_mem>>)
        %dma_wait3A = arith.constant 0 : i32
        %dma_wait3A_24 = tpu.memref_slice %arg5[%mul3A_20, %dma_wait3A] : memref<10240x128xf32, #tpu.memory_space<hbm>> -> memref<640x128xf32, #tpu.memory_space<hbm>>
        %dma_wait3A_25 = arith.constant 0 : i32
        %dma_wait3A_26 = tpu.memref_slice %arg9[%mul3A_18, %dma_wait3A_25] : memref<10240x128xf32, #tpu.memory_space<vmem_shared>> -> memref<640x128xf32, #tpu.memory_space<vmem_shared>>
        tpu.wait_dma2 semaphore(%run_scoped3A : memref<!tpu.dma_semaphore, #tpu.memory_space<semaphore_mem>>) src(%dma_wait3A_26 : memref<640x128xf32, #tpu.memory_space<vmem_shared>>) dst(%dma_wait3A_24 : memref<640x128xf32, #tpu.memory_space<hbm>>)
        tpu.yield
      }) : () -> ()
    } else {
    }
    %eq3A_12 = arith.constant 1 : i32
    %eq3A_13 = arith.cmpi eq, %arg0, %eq3A_12 : i32
    %convert_element_type3A_14 = arith.extui %eq3A_13 : i1 to i32
    %cond3A_15 = arith.constant 0 : i32
    %cond3A_16 = arith.cmpi ne, %convert_element_type3A_14, %cond3A_15 : i32
    scf.if %cond3A_16 {
      %mul3A_17 = arith.constant 640 : i32
      %mul3A_18 = arith.muli %arg1, %mul3A_17 : i32
      %mul3A_19 = arith.constant 640 : i32
      %mul3A_20 = arith.muli %arg1, %mul3A_19 : i32
      "tpu.region"() ({
        %run_scoped3A = tpu.sem_alloc : memref<!tpu.dma_semaphore, #tpu.memory_space<semaphore_mem>>
        %dma_start3A = arith.constant 0 : i32
        %dma_start3A_21 = tpu.memref_slice %arg6[%mul3A_20, %dma_start3A] : memref<10240x128xf32, #tpu.memory_space<hbm>> -> memref<640x128xf32, #tpu.memory_space<hbm>>
        %dma_start3A_22 = arith.constant 0 : i32
        %dma_start3A_23 = tpu.memref_slice %arg9[%mul3A_18, %dma_start3A_22] : memref<10240x128xf32, #tpu.memory_space<vmem_shared>> -> memref<640x128xf32, #tpu.memory_space<vmem_shared>>
        tpu.enqueue_dma source(%dma_start3A_23 : memref<640x128xf32, #tpu.memory_space<vmem_shared>>) target(%dma_start3A_21 : memref<640x128xf32, #tpu.memory_space<hbm>>) target_semaphore(%run_scoped3A : memref<!tpu.dma_semaphore, #tpu.memory_space<semaphore_mem>>)
        %dma_wait3A = arith.constant 0 : i32
        %dma_wait3A_24 = tpu.memref_slice %arg6[%mul3A_20, %dma_wait3A] : memref<10240x128xf32, #tpu.memory_space<hbm>> -> memref<640x128xf32, #tpu.memory_space<hbm>>
        %dma_wait3A_25 = arith.constant 0 : i32
        %dma_wait3A_26 = tpu.memref_slice %arg9[%mul3A_18, %dma_wait3A_25] : memref<10240x128xf32, #tpu.memory_space<vmem_shared>> -> memref<640x128xf32, #tpu.memory_space<vmem_shared>>
        tpu.wait_dma2 semaphore(%run_scoped3A : memref<!tpu.dma_semaphore, #tpu.memory_space<semaphore_mem>>) src(%dma_wait3A_26 : memref<640x128xf32, #tpu.memory_space<vmem_shared>>) dst(%dma_wait3A_24 : memref<640x128xf32, #tpu.memory_space<hbm>>)
        tpu.yield
      }) : () -> ()
    } else {
    }
    return
  }
}

module attributes {stable_mosaic.version = 14 : i64} {
  func.func @body(%arg0: i32, %arg1: memref<2560x128xf32, #tpu.memory_space<vmem>>, %arg2: memref<2560x128xf32, #tpu.memory_space<vmem>>, %arg3: memref<2560x16xf32, #tpu.memory_space<vmem>>, %arg4: memref<8x128xf32, #tpu.memory_space<vmem>>, %arg5: memref<128x300xf32, #tpu.memory_space<vmem>>, %arg6: memref<128x300xf32, #tpu.memory_space<vmem>>, %arg7: memref<16x300xf32, #tpu.memory_space<vmem>>, %arg8: memref<1x300xf32, #tpu.memory_space<vmem>>, %arg9: memref<300x300xf32, #tpu.memory_space<vmem>>, %arg10: memref<1x300xf32, #tpu.memory_space<vmem>>, %arg11: memref<300x128xf32, #tpu.memory_space<vmem>>, %arg12: memref<1x128xf32, #tpu.memory_space<vmem>>, %arg13: memref<2560x128xf32, #tpu.memory_space<vmem>>) attributes {dimension_semantics = [#tpu.dimension_semantics<arbitrary>], iteration_bounds = array<i64: 64>, scalar_prefetch = 0 : i64, scratch_operands = 0 : i64, tpu.core_type = #tpu.core_type<tc>, window_params = [{transform_indices = @transform_0, window_bounds = array<i64: 2560, 128>}, {transform_indices = @transform_1, window_bounds = array<i64: 2560, 128>}, {transform_indices = @transform_2, window_bounds = array<i64: 2560, 16>}, {transform_indices = @transform_3, window_bounds = array<i64: 8, 128>}, {pipeline_mode = #tpu.pipeline_mode<synchronous>, transform_indices = @transform_4, window_bounds = array<i64: 128, 300>}, {pipeline_mode = #tpu.pipeline_mode<synchronous>, transform_indices = @transform_5, window_bounds = array<i64: 128, 300>}, {pipeline_mode = #tpu.pipeline_mode<synchronous>, transform_indices = @transform_6, window_bounds = array<i64: 16, 300>}, {pipeline_mode = #tpu.pipeline_mode<synchronous>, transform_indices = @transform_7, window_bounds = array<i64: 1, 300>}, {pipeline_mode = #tpu.pipeline_mode<synchronous>, transform_indices = @transform_8, window_bounds = array<i64: 300, 300>}, {pipeline_mode = #tpu.pipeline_mode<synchronous>, transform_indices = @transform_9, window_bounds = array<i64: 1, 300>}, {pipeline_mode = #tpu.pipeline_mode<synchronous>, transform_indices = @transform_10, window_bounds = array<i64: 300, 128>}, {pipeline_mode = #tpu.pipeline_mode<synchronous>, transform_indices = @transform_11, window_bounds = array<i64: 1, 128>}, {transform_indices = @transform_12, window_bounds = array<i64: 2560, 128>}]} {
    %get3A = arith.constant 0 : index
    %get3A_0 = arith.constant 0 : index
    %get3A_1 = vector.load %arg1[%get3A, %get3A_0] : memref<2560x128xf32, #tpu.memory_space<vmem>>, vector<2560x128xf32>
    %get3A_2 = arith.constant 0 : index
    %get3A_3 = arith.constant 0 : index
    %get3A_4 = vector.load %arg2[%get3A_2, %get3A_3] : memref<2560x128xf32, #tpu.memory_space<vmem>>, vector<2560x128xf32>
    %get3A_5 = arith.constant 0 : index
    %get3A_6 = arith.constant 0 : index
    %get3A_7 = vector.load %arg3[%get3A_5, %get3A_6] : memref<2560x16xf32, #tpu.memory_space<vmem>>, vector<2560x16xf32>
    %concatenate3A = tpu.concatenate %get3A_1, %get3A_4, %get3A_7 in 1 : vector<2560x128xf32>, vector<2560x128xf32>, vector<2560x16xf32> -> vector<2560x272xf32>
    %get3A_8 = arith.constant 0 : index
    %get3A_9 = arith.constant 0 : index
    %get3A_10 = vector.load %arg5[%get3A_8, %get3A_9] : memref<128x300xf32, #tpu.memory_space<vmem>>, vector<128x300xf32>
    %get3A_11 = arith.constant 0 : index
    %get3A_12 = arith.constant 0 : index
    %get3A_13 = vector.load %arg6[%get3A_11, %get3A_12] : memref<128x300xf32, #tpu.memory_space<vmem>>, vector<128x300xf32>
    %get3A_14 = arith.constant 0 : index
    %get3A_15 = arith.constant 0 : index
    %get3A_16 = vector.load %arg7[%get3A_14, %get3A_15] : memref<16x300xf32, #tpu.memory_space<vmem>>, vector<16x300xf32>
    %concatenate3A_17 = tpu.concatenate %get3A_10, %get3A_13, %get3A_16 in 0 : vector<128x300xf32>, vector<128x300xf32>, vector<16x300xf32> -> vector<272x300xf32>
    %convert_element_type3A = arith.truncf %concatenate3A : vector<2560x272xf32> to vector<2560x272xbf16>
    %convert_element_type3A_18 = arith.truncf %concatenate3A_17 : vector<272x300xf32> to vector<272x300xbf16>
    %dot_general3A = arith.constant dense<0.000000e+00> : vector<2560x300xf32>
    %dot_general3A_19 = tpu.matmul %convert_element_type3A, %convert_element_type3A_18, %dot_general3A {dimension_numbers = #tpu.dot_dimension_numbers<[1], [0], [0], [1], [0, 0, 1, 1], [], []>, transpose_lhs_hint = false} : vector<2560x272xbf16>, vector<272x300xbf16>, vector<2560x300xf32> -> vector<2560x300xf32>
    %get3A_20 = arith.constant 0 : index
    %get3A_21 = arith.constant 0 : index
    %get3A_22 = vector.load %arg8[%get3A_20, %get3A_21] : memref<1x300xf32, #tpu.memory_space<vmem>>, vector<1x300xf32>
    %add3A = vector.broadcast %get3A_22 : vector<1x300xf32> to vector<2560x300xf32>
    %add3A_23 = arith.addf %dot_general3A_19, %add3A : vector<2560x300xf32>
    %max3A = arith.constant 0.000000e+00 : f32
    %max3A_24 = vector.broadcast %max3A : f32 to vector<2560x300xf32>
    %max3A_25 = arith.maximumf %add3A_23, %max3A_24 : vector<2560x300xf32>
    %get3A_26 = arith.constant 0 : index
    %get3A_27 = arith.constant 0 : index
    %get3A_28 = vector.load %arg9[%get3A_26, %get3A_27] : memref<300x300xf32, #tpu.memory_space<vmem>>, vector<300x300xf32>
    %convert_element_type3A_29 = arith.truncf %max3A_25 : vector<2560x300xf32> to vector<2560x300xbf16>
    %convert_element_type3A_30 = arith.truncf %get3A_28 : vector<300x300xf32> to vector<300x300xbf16>
    %dot_general3A_31 = arith.constant dense<0.000000e+00> : vector<2560x300xf32>
    %dot_general3A_32 = tpu.matmul %convert_element_type3A_29, %convert_element_type3A_30, %dot_general3A_31 {dimension_numbers = #tpu.dot_dimension_numbers<[1], [0], [0], [1], [0, 0, 1, 1], [], []>, transpose_lhs_hint = false} : vector<2560x300xbf16>, vector<300x300xbf16>, vector<2560x300xf32> -> vector<2560x300xf32>
    %get3A_33 = arith.constant 0 : index
    %get3A_34 = arith.constant 0 : index
    %get3A_35 = vector.load %arg10[%get3A_33, %get3A_34] : memref<1x300xf32, #tpu.memory_space<vmem>>, vector<1x300xf32>
    %add3A_36 = vector.broadcast %get3A_35 : vector<1x300xf32> to vector<2560x300xf32>
    %add3A_37 = arith.addf %dot_general3A_32, %add3A_36 : vector<2560x300xf32>
    %max3A_38 = arith.constant 0.000000e+00 : f32
    %max3A_39 = vector.broadcast %max3A_38 : f32 to vector<2560x300xf32>
    %max3A_40 = arith.maximumf %add3A_37, %max3A_39 : vector<2560x300xf32>
    %get3A_41 = arith.constant 0 : index
    %get3A_42 = arith.constant 0 : index
    %get3A_43 = vector.load %arg11[%get3A_41, %get3A_42] : memref<300x128xf32, #tpu.memory_space<vmem>>, vector<300x128xf32>
    %convert_element_type3A_44 = arith.truncf %max3A_40 : vector<2560x300xf32> to vector<2560x300xbf16>
    %convert_element_type3A_45 = arith.truncf %get3A_43 : vector<300x128xf32> to vector<300x128xbf16>
    %dot_general3A_46 = arith.constant dense<0.000000e+00> : vector<2560x128xf32>
    %dot_general3A_47 = tpu.matmul %convert_element_type3A_44, %convert_element_type3A_45, %dot_general3A_46 {dimension_numbers = #tpu.dot_dimension_numbers<[1], [0], [0], [1], [0, 0, 1, 1], [], []>, transpose_lhs_hint = false} : vector<2560x300xbf16>, vector<300x128xbf16>, vector<2560x128xf32> -> vector<2560x128xf32>
    %get3A_48 = arith.constant 0 : index
    %get3A_49 = arith.constant 0 : index
    %get3A_50 = vector.load %arg12[%get3A_48, %get3A_49] : memref<1x128xf32, #tpu.memory_space<vmem>>, vector<1x128xf32>
    %add3A_51 = vector.broadcast %get3A_50 : vector<1x128xf32> to vector<2560x128xf32>
    %add3A_52 = arith.addf %dot_general3A_47, %add3A_51 : vector<2560x128xf32>
    %swap3A = arith.constant 0 : index
    %swap3A_53 = arith.constant 0 : index
    %swap3A_54 = vector.load %arg13[%swap3A, %swap3A_53] : memref<2560x128xf32, #tpu.memory_space<vmem>>, vector<2560x128xf32>
    tpu.vector_store %arg13[%swap3A, %swap3A_53], %add3A_52 {strides = array<i32>} : memref<2560x128xf32, #tpu.memory_space<vmem>>, vector<2560x128xf32>,
    return
  }
  func.func @transform_0(%arg0: i32) -> (i32, i32) {
    %c0_i32 = arith.constant 0 : i32
    %c0_i32_0 = arith.constant 0 : i32
    return %arg0, %c0_i32 : i32, i32
  }
  func.func @transform_1(%arg0: i32) -> (i32, i32) {
    %c0_i32 = arith.constant 0 : i32
    %c0_i32_0 = arith.constant 0 : i32
    return %arg0, %c0_i32 : i32, i32
  }
  func.func @transform_2(%arg0: i32) -> (i32, i32) {
    %c0_i32 = arith.constant 0 : i32
    %c0_i32_0 = arith.constant 0 : i32
    return %arg0, %c0_i32 : i32, i32
  }
  func.func @transform_3(%arg0: i32) -> (i32, i32) {
    %c0_i32 = arith.constant 0 : i32
    %c0_i32_0 = arith.constant 0 : i32
    %c0_i32_1 = arith.constant 0 : i32
    return %c0_i32, %c0_i32_0 : i32, i32
  }
  func.func @transform_4(%arg0: i32) -> (i32, i32) {
    %c0_i32 = arith.constant 0 : i32
    %c0_i32_0 = arith.constant 0 : i32
    %c0_i32_1 = arith.constant 0 : i32
    return %c0_i32, %c0_i32_0 : i32, i32
  }
  func.func @transform_5(%arg0: i32) -> (i32, i32) {
    %c0_i32 = arith.constant 0 : i32
    %c0_i32_0 = arith.constant 0 : i32
    %c0_i32_1 = arith.constant 0 : i32
    return %c0_i32, %c0_i32_0 : i32, i32
  }
  func.func @transform_6(%arg0: i32) -> (i32, i32) {
    %c0_i32 = arith.constant 0 : i32
    %c0_i32_0 = arith.constant 0 : i32
    %c0_i32_1 = arith.constant 0 : i32
    return %c0_i32, %c0_i32_0 : i32, i32
  }
  func.func @transform_7(%arg0: i32) -> (i32, i32) {
    %c0_i32 = arith.constant 0 : i32
    %c0_i32_0 = arith.constant 0 : i32
    %c0_i32_1 = arith.constant 0 : i32
    return %c0_i32, %c0_i32_0 : i32, i32
  }
  func.func @transform_8(%arg0: i32) -> (i32, i32) {
    %c0_i32 = arith.constant 0 : i32
    %c0_i32_0 = arith.constant 0 : i32
    %c0_i32_1 = arith.constant 0 : i32
    return %c0_i32, %c0_i32_0 : i32, i32
  }
  func.func @transform_9(%arg0: i32) -> (i32, i32) {
    %c0_i32 = arith.constant 0 : i32
    %c0_i32_0 = arith.constant 0 : i32
    %c0_i32_1 = arith.constant 0 : i32
    return %c0_i32, %c0_i32_0 : i32, i32
  }
  func.func @transform_10(%arg0: i32) -> (i32, i32) {
    %c0_i32 = arith.constant 0 : i32
    %c0_i32_0 = arith.constant 0 : i32
    %c0_i32_1 = arith.constant 0 : i32
    return %c0_i32, %c0_i32_0 : i32, i32
  }
  func.func @transform_11(%arg0: i32) -> (i32, i32) {
    %c0_i32 = arith.constant 0 : i32
    %c0_i32_0 = arith.constant 0 : i32
    %c0_i32_1 = arith.constant 0 : i32
    return %c0_i32, %c0_i32_0 : i32, i32
  }
  func.func @transform_12(%arg0: i32) -> (i32, i32) {
    %c0_i32 = arith.constant 0 : i32
    %c0_i32_0 = arith.constant 0 : i32
    return %arg0, %c0_i32 : i32, i32
  }
}

module attributes {stable_mosaic.version = 14 : i64} {
  func.func @body(%arg0: i32, %arg1: memref<1000x128xf32, #tpu.memory_space<vmem>>, %arg2: memref<1000x128xf32, #tpu.memory_space<vmem>>, %arg3: memref<1000x128xf32, #tpu.memory_space<vmem>>, %arg4: memref<1000x128xf32, #tpu.memory_space<vmem>>, %arg5: memref<1000x128xf32, #tpu.memory_space<vmem>>, %arg6: memref<1x1x1000xi32, #tpu.memory_space<vmem>>, %arg7: memref<128x300xf32, #tpu.memory_space<vmem>>, %arg8: memref<128x300xf32, #tpu.memory_space<vmem>>, %arg9: memref<1x300xf32, #tpu.memory_space<vmem>>, %arg10: memref<300x300xf32, #tpu.memory_space<vmem>>, %arg11: memref<1x300xf32, #tpu.memory_space<vmem>>, %arg12: memref<300x128xf32, #tpu.memory_space<vmem>>, %arg13: memref<1x128xf32, #tpu.memory_space<vmem>>, %arg14: memref<128x128xf32, #tpu.memory_space<vmem>>, %arg15: memref<1x128xf32, #tpu.memory_space<vmem>>, %arg16: memref<128x128xf32, #tpu.memory_space<vmem>>, %arg17: memref<1x128xf32, #tpu.memory_space<vmem>>, %arg18: memref<128x1xf32, #tpu.memory_space<vmem>>, %arg19: memref<1x1xf32, #tpu.memory_space<vmem>>, %arg20: memref<64x1xf32, #tpu.memory_space<vmem>>, %arg21: memref<64x128xf32, #tpu.memory_space<vmem>>, %arg22: memref<64x128xf32, #tpu.memory_space<vmem>>) attributes {dimension_semantics = [#tpu.dimension_semantics<arbitrary>], iteration_bounds = array<i64: 10>, scalar_prefetch = 0 : i64, scratch_operands = 2 : i64, tpu.core_type = #tpu.core_type<tc>, window_params = [{transform_indices = @transform_0, window_bounds = array<i64: 1000, 128>}, {transform_indices = @transform_1, window_bounds = array<i64: 1000, 128>}, {transform_indices = @transform_2, window_bounds = array<i64: 1000, 128>}, {transform_indices = @transform_3, window_bounds = array<i64: 1000, 128>}, {transform_indices = @transform_4, window_bounds = array<i64: 1000, 128>}, {transform_indices = @transform_5, window_bounds = array<i64: 1, 1, 1000>}, {pipeline_mode = #tpu.pipeline_mode<synchronous>, transform_indices = @transform_6, window_bounds = array<i64: 128, 300>}, {pipeline_mode = #tpu.pipeline_mode<synchronous>, transform_indices = @transform_7, window_bounds = array<i64: 128, 300>}, {pipeline_mode = #tpu.pipeline_mode<synchronous>, transform_indices = @transform_8, window_bounds = array<i64: 1, 300>}, {pipeline_mode = #tpu.pipeline_mode<synchronous>, transform_indices = @transform_9, window_bounds = array<i64: 300, 300>}, {pipeline_mode = #tpu.pipeline_mode<synchronous>, transform_indices = @transform_10, window_bounds = array<i64: 1, 300>}, {pipeline_mode = #tpu.pipeline_mode<synchronous>, transform_indices = @transform_11, window_bounds = array<i64: 300, 128>}, {pipeline_mode = #tpu.pipeline_mode<synchronous>, transform_indices = @transform_12, window_bounds = array<i64: 1, 128>}, {pipeline_mode = #tpu.pipeline_mode<synchronous>, transform_indices = @transform_13, window_bounds = array<i64: 128, 128>}, {pipeline_mode = #tpu.pipeline_mode<synchronous>, transform_indices = @transform_14, window_bounds = array<i64: 1, 128>}, {pipeline_mode = #tpu.pipeline_mode<synchronous>, transform_indices = @transform_15, window_bounds = array<i64: 128, 128>}, {pipeline_mode = #tpu.pipeline_mode<synchronous>, transform_indices = @transform_16, window_bounds = array<i64: 1, 128>}, {pipeline_mode = #tpu.pipeline_mode<synchronous>, transform_indices = @transform_17, window_bounds = array<i64: 128, 1>}, {pipeline_mode = #tpu.pipeline_mode<synchronous>, transform_indices = @transform_18, window_bounds = array<i64: 1, 1>}, {pipeline_mode = #tpu.pipeline_mode<synchronous>, transform_indices = @transform_19, window_bounds = array<i64: 64, 1>}]} {
    %eq3A = arith.constant 0 : i32
    %eq3A_0 = arith.cmpi eq, %arg0, %eq3A : i32
    %convert_element_type3A = arith.extui %eq3A_0 : i1 to i32
    %cond3A = arith.constant 0 : i32
    %cond3A_1 = arith.cmpi ne, %convert_element_type3A, %cond3A : i32
    scf.if %cond3A_1 {
      %broadcast_in_dim3A_107 = arith.constant 0.000000e+00 : f32
      %broadcast_in_dim3A_108 = vector.broadcast %broadcast_in_dim3A_107 : f32 to vector<64x128xf32>
      %swap3A_109 = arith.constant 0 : index
      %swap3A_110 = arith.constant 0 : index
      %swap3A_111 = vector.load %arg21[%swap3A_109, %swap3A_110] : memref<64x128xf32, #tpu.memory_space<vmem>>, vector<64x128xf32>
      tpu.vector_store %arg21[%swap3A_109, %swap3A_110], %broadcast_in_dim3A_108 {strides = array<i32>} : memref<64x128xf32, #tpu.memory_space<vmem>>, vector<64x128xf32>,
      %broadcast_in_dim3A_112 = arith.constant 0.000000e+00 : f32
      %broadcast_in_dim3A_113 = vector.broadcast %broadcast_in_dim3A_112 : f32 to vector<64x128xf32>
      %swap3A_114 = arith.constant 0 : index
      %swap3A_115 = arith.constant 0 : index
      %swap3A_116 = vector.load %arg22[%swap3A_114, %swap3A_115] : memref<64x128xf32, #tpu.memory_space<vmem>>, vector<64x128xf32>
      tpu.vector_store %arg22[%swap3A_114, %swap3A_115], %broadcast_in_dim3A_113 {strides = array<i32>} : memref<64x128xf32, #tpu.memory_space<vmem>>, vector<64x128xf32>,
    } else {
    }
    %get3A = arith.constant 0 : index
    %get3A_2 = arith.constant 0 : index
    %get3A_3 = vector.load %arg2[%get3A, %get3A_2] : memref<1000x128xf32, #tpu.memory_space<vmem>>, vector<1000x128xf32>
    %get3A_4 = arith.constant 0 : index
    %get3A_5 = arith.constant 0 : index
    %get3A_6 = vector.load %arg3[%get3A_4, %get3A_5] : memref<1000x128xf32, #tpu.memory_space<vmem>>, vector<1000x128xf32>
    %add3A = arith.addf %get3A_3, %get3A_6 : vector<1000x128xf32>
    %get3A_7 = arith.constant 0 : index
    %get3A_8 = arith.constant 0 : index
    %get3A_9 = vector.load %arg4[%get3A_7, %get3A_8] : memref<1000x128xf32, #tpu.memory_space<vmem>>, vector<1000x128xf32>
    %get3A_10 = arith.constant 0 : index
    %get3A_11 = arith.constant 0 : index
    %get3A_12 = vector.load %arg5[%get3A_10, %get3A_11] : memref<1000x128xf32, #tpu.memory_space<vmem>>, vector<1000x128xf32>
    %add3A_13 = arith.addf %get3A_9, %get3A_12 : vector<1000x128xf32>
    %add3A_14 = arith.addf %add3A, %add3A_13 : vector<1000x128xf32>
    %get3A_15 = arith.constant 0 : index
    %get3A_16 = arith.constant 0 : index
    %get3A_17 = vector.load %arg1[%get3A_15, %get3A_16] : memref<1000x128xf32, #tpu.memory_space<vmem>>, vector<1000x128xf32>
    %concatenate3A = tpu.concatenate %get3A_17, %add3A_14 in 1 : vector<1000x128xf32>, vector<1000x128xf32> -> vector<1000x256xf32>
    %get3A_18 = arith.constant 0 : index
    %get3A_19 = arith.constant 0 : index
    %get3A_20 = vector.load %arg7[%get3A_18, %get3A_19] : memref<128x300xf32, #tpu.memory_space<vmem>>, vector<128x300xf32>
    %get3A_21 = arith.constant 0 : index
    %get3A_22 = arith.constant 0 : index
    %get3A_23 = vector.load %arg8[%get3A_21, %get3A_22] : memref<128x300xf32, #tpu.memory_space<vmem>>, vector<128x300xf32>
    %concatenate3A_24 = tpu.concatenate %get3A_20, %get3A_23 in 0 : vector<128x300xf32>, vector<128x300xf32> -> vector<256x300xf32>
    %convert_element_type3A_25 = arith.truncf %concatenate3A : vector<1000x256xf32> to vector<1000x256xbf16>
    %convert_element_type3A_26 = arith.truncf %concatenate3A_24 : vector<256x300xf32> to vector<256x300xbf16>
    %dot_general3A = arith.constant dense<0.000000e+00> : vector<1000x300xf32>
    %dot_general3A_27 = tpu.matmul %convert_element_type3A_25, %convert_element_type3A_26, %dot_general3A {dimension_numbers = #tpu.dot_dimension_numbers<[1], [0], [0], [1], [0, 0, 1, 1], [], []>, transpose_lhs_hint = false} : vector<1000x256xbf16>, vector<256x300xbf16>, vector<1000x300xf32> -> vector<1000x300xf32>
    %get3A_28 = arith.constant 0 : index
    %get3A_29 = arith.constant 0 : index
    %get3A_30 = vector.load %arg9[%get3A_28, %get3A_29] : memref<1x300xf32, #tpu.memory_space<vmem>>, vector<1x300xf32>
    %add3A_31 = vector.broadcast %get3A_30 : vector<1x300xf32> to vector<1000x300xf32>
    %add3A_32 = arith.addf %dot_general3A_27, %add3A_31 : vector<1000x300xf32>
    %max3A = arith.constant 0.000000e+00 : f32
    %max3A_33 = vector.broadcast %max3A : f32 to vector<1000x300xf32>
    %max3A_34 = arith.maximumf %add3A_32, %max3A_33 : vector<1000x300xf32>
    %get3A_35 = arith.constant 0 : index
    %get3A_36 = arith.constant 0 : index
    %get3A_37 = vector.load %arg10[%get3A_35, %get3A_36] : memref<300x300xf32, #tpu.memory_space<vmem>>, vector<300x300xf32>
    %convert_element_type3A_38 = arith.truncf %max3A_34 : vector<1000x300xf32> to vector<1000x300xbf16>
    %convert_element_type3A_39 = arith.truncf %get3A_37 : vector<300x300xf32> to vector<300x300xbf16>
    %dot_general3A_40 = arith.constant dense<0.000000e+00> : vector<1000x300xf32>
    %dot_general3A_41 = tpu.matmul %convert_element_type3A_38, %convert_element_type3A_39, %dot_general3A_40 {dimension_numbers = #tpu.dot_dimension_numbers<[1], [0], [0], [1], [0, 0, 1, 1], [], []>, transpose_lhs_hint = false} : vector<1000x300xbf16>, vector<300x300xbf16>, vector<1000x300xf32> -> vector<1000x300xf32>
    %get3A_42 = arith.constant 0 : index
    %get3A_43 = arith.constant 0 : index
    %get3A_44 = vector.load %arg11[%get3A_42, %get3A_43] : memref<1x300xf32, #tpu.memory_space<vmem>>, vector<1x300xf32>
    %add3A_45 = vector.broadcast %get3A_44 : vector<1x300xf32> to vector<1000x300xf32>
    %add3A_46 = arith.addf %dot_general3A_41, %add3A_45 : vector<1000x300xf32>
    %max3A_47 = arith.constant 0.000000e+00 : f32
    %max3A_48 = vector.broadcast %max3A_47 : f32 to vector<1000x300xf32>
    %max3A_49 = arith.maximumf %add3A_46, %max3A_48 : vector<1000x300xf32>
    %get3A_50 = arith.constant 0 : index
    %get3A_51 = arith.constant 0 : index
    %get3A_52 = vector.load %arg12[%get3A_50, %get3A_51] : memref<300x128xf32, #tpu.memory_space<vmem>>, vector<300x128xf32>
    %convert_element_type3A_53 = arith.truncf %max3A_49 : vector<1000x300xf32> to vector<1000x300xbf16>
    %convert_element_type3A_54 = arith.truncf %get3A_52 : vector<300x128xf32> to vector<300x128xbf16>
    %dot_general3A_55 = arith.constant dense<0.000000e+00> : vector<1000x128xf32>
    %dot_general3A_56 = tpu.matmul %convert_element_type3A_53, %convert_element_type3A_54, %dot_general3A_55 {dimension_numbers = #tpu.dot_dimension_numbers<[1], [0], [0], [1], [0, 0, 1, 1], [], []>, transpose_lhs_hint = false} : vector<1000x300xbf16>, vector<300x128xbf16>, vector<1000x128xf32> -> vector<1000x128xf32>
    %get3A_57 = arith.constant 0 : index
    %get3A_58 = arith.constant 0 : index
    %get3A_59 = vector.load %arg13[%get3A_57, %get3A_58] : memref<1x128xf32, #tpu.memory_space<vmem>>, vector<1x128xf32>
    %add3A_60 = vector.broadcast %get3A_59 : vector<1x128xf32> to vector<1000x128xf32>
    %add3A_61 = arith.addf %dot_general3A_56, %add3A_60 : vector<1000x128xf32>
    %get3A_62 = arith.constant 0 : index
    %get3A_63 = arith.constant 0 : index
    %get3A_64 = arith.constant 0 : index
    %get3A_65 = vector.load %arg6[%get3A_62, %get3A_63, %get3A_64] : memref<1x1x1000xi32, #tpu.memory_space<vmem>>, vector<1x1x1000xi32>
    %get3A_66 = vector.shape_cast %get3A_65 : vector<1x1x1000xi32> to vector<1000xi32>
    %iota3A = tpu.iota {dimensions = array<i32: 1>} : vector<1x64xi32>
    %broadcast_in_dim3A = vector.shape_cast %get3A_66 : vector<1000xi32> to vector<1000x1xi32>
    %eq3A_67 = vector.broadcast %broadcast_in_dim3A : vector<1000x1xi32> to vector<1000x64xi32>
    %eq3A_68 = vector.broadcast %iota3A : vector<1x64xi32> to vector<1000x64xi32>
    %eq3A_69 = arith.cmpi eq, %eq3A_67, %eq3A_68 : vector<1000x64xi32>
    %convert_element_type3A_70 = arith.extui %eq3A_69 : vector<1000x64xi1> to vector<1000x64xi32>
    %convert_element_type3A_71 = arith.sitofp %convert_element_type3A_70 : vector<1000x64xi32> to vector<1000x64xf32>
    %convert_element_type3A_72 = arith.truncf %add3A_61 : vector<1000x128xf32> to vector<1000x128xbf16>
    %convert_element_type3A_73 = arith.extf %convert_element_type3A_72 : vector<1000x128xbf16> to vector<1000x128xf32>
    %sub3A = arith.subf %add3A_61, %convert_element_type3A_73 : vector<1000x128xf32>
    %convert_element_type3A_74 = arith.truncf %sub3A : vector<1000x128xf32> to vector<1000x128xbf16>
    %convert_element_type3A_75 = arith.extf %convert_element_type3A_74 : vector<1000x128xbf16> to vector<1000x128xf32>
    %sub3A_76 = arith.subf %sub3A, %convert_element_type3A_75 : vector<1000x128xf32>
    %get3A_77 = arith.constant 0 : index
    %get3A_78 = arith.constant 0 : index
    %get3A_79 = vector.load %arg21[%get3A_77, %get3A_78] : memref<64x128xf32, #tpu.memory_space<vmem>>, vector<64x128xf32>
    %dot_general3A_80 = arith.constant dense<0.000000e+00> : vector<64x128xf32>
    %dot_general3A_81 = tpu.matmul %convert_element_type3A_71, %convert_element_type3A_73, %dot_general3A_80 {dimension_numbers = #tpu.dot_dimension_numbers<[0], [0], [1], [1], [0, 1, 1, 1], [], []>, transpose_lhs_hint = false} : vector<1000x64xf32>, vector<1000x128xf32>, vector<64x128xf32> -> vector<64x128xf32>
    %dot_general3A_82 = arith.constant dense<0.000000e+00> : vector<64x128xf32>
    %dot_general3A_83 = tpu.matmul %convert_element_type3A_71, %convert_element_type3A_75, %dot_general3A_82 {dimension_numbers = #tpu.dot_dimension_numbers<[0], [0], [1], [1], [0, 1, 1, 1], [], []>, transpose_lhs_hint = false} : vector<1000x64xf32>, vector<1000x128xf32>, vector<64x128xf32> -> vector<64x128xf32>
    %add3A_84 = arith.addf %dot_general3A_81, %dot_general3A_83 : vector<64x128xf32>
    %dot_general3A_85 = arith.constant dense<0.000000e+00> : vector<64x128xf32>
    %dot_general3A_86 = tpu.matmul %convert_element_type3A_71, %sub3A_76, %dot_general3A_85 {dimension_numbers = #tpu.dot_dimension_numbers<[0], [0], [1], [1], [0, 1, 1, 1], [], []>, transpose_lhs_hint = false} : vector<1000x64xf32>, vector<1000x128xf32>, vector<64x128xf32> -> vector<64x128xf32>
    %add3A_87 = arith.addf %add3A_84, %dot_general3A_86 : vector<64x128xf32>
    %add3A_88 = arith.addf %get3A_79, %add3A_87 : vector<64x128xf32>
    %swap3A = arith.constant 0 : index
    %swap3A_89 = arith.constant 0 : index
    %swap3A_90 = vector.load %arg21[%swap3A, %swap3A_89] : memref<64x128xf32, #tpu.memory_space<vmem>>, vector<64x128xf32>
    tpu.vector_store %arg21[%swap3A, %swap3A_89], %add3A_88 {strides = array<i32>} : memref<64x128xf32, #tpu.memory_space<vmem>>, vector<64x128xf32>,
    %broadcast_in_dim3A_91 = arith.constant 1.000000e+00 : f32
    %broadcast_in_dim3A_92 = vector.broadcast %broadcast_in_dim3A_91 : f32 to vector<1000x128xf32>
    %get3A_93 = arith.constant 0 : index
    %get3A_94 = arith.constant 0 : index
    %get3A_95 = vector.load %arg22[%get3A_93, %get3A_94] : memref<64x128xf32, #tpu.memory_space<vmem>>, vector<64x128xf32>
    %dot_general3A_96 = arith.constant dense<0.000000e+00> : vector<64x128xf32>
    %dot_general3A_97 = tpu.matmul %convert_element_type3A_71, %broadcast_in_dim3A_92, %dot_general3A_96 {dimension_numbers = #tpu.dot_dimension_numbers<[0], [0], [1], [1], [0, 1, 1, 1], [], []>, transpose_lhs_hint = false} : vector<1000x64xf32>, vector<1000x128xf32>, vector<64x128xf32> -> vector<64x128xf32>
    %add3A_98 = arith.addf %get3A_95, %dot_general3A_97 : vector<64x128xf32>
    %swap3A_99 = arith.constant 0 : index
    %swap3A_100 = arith.constant 0 : index
    %swap3A_101 = vector.load %arg22[%swap3A_99, %swap3A_100] : memref<64x128xf32, #tpu.memory_space<vmem>>, vector<64x128xf32>
    tpu.vector_store %arg22[%swap3A_99, %swap3A_100], %add3A_98 {strides = array<i32>} : memref<64x128xf32, #tpu.memory_space<vmem>>, vector<64x128xf32>,
    %eq3A_102 = arith.constant 9 : i32
    %eq3A_103 = arith.cmpi eq, %arg0, %eq3A_102 : i32
    %convert_element_type3A_104 = arith.extui %eq3A_103 : i1 to i32
    %cond3A_105 = arith.constant 0 : i32
    %cond3A_106 = arith.cmpi ne, %convert_element_type3A_104, %cond3A_105 : i32
    scf.if %cond3A_106 {
      %get3A_107 = arith.constant 0 : index
      %get3A_108 = arith.constant 0 : index
      %get3A_109 = vector.load %arg21[%get3A_107, %get3A_108] : memref<64x128xf32, #tpu.memory_space<vmem>>, vector<64x128xf32>
      %get3A_110 = arith.constant 0 : index
      %get3A_111 = arith.constant 0 : index
      %get3A_112 = vector.load %arg22[%get3A_110, %get3A_111] : memref<64x128xf32, #tpu.memory_space<vmem>>, vector<64x128xf32>
      %max3A_113 = arith.constant 1.000000e+00 : f32
      %max3A_114 = vector.broadcast %max3A_113 : f32 to vector<64x128xf32>
      %max3A_115 = arith.maximumf %get3A_112, %max3A_114 : vector<64x128xf32>
      %div3A = arith.divf %get3A_109, %max3A_115 : vector<64x128xf32>
      %get3A_116 = arith.constant 0 : index
      %get3A_117 = arith.constant 0 : index
      %get3A_118 = vector.load %arg14[%get3A_116, %get3A_117] : memref<128x128xf32, #tpu.memory_space<vmem>>, vector<128x128xf32>
      %convert_element_type3A_119 = arith.truncf %div3A : vector<64x128xf32> to vector<64x128xbf16>
      %convert_element_type3A_120 = arith.truncf %get3A_118 : vector<128x128xf32> to vector<128x128xbf16>
      %dot_general3A_121 = arith.constant dense<0.000000e+00> : vector<64x128xf32>
      %dot_general3A_122 = tpu.matmul %convert_element_type3A_119, %convert_element_type3A_120, %dot_general3A_121 {dimension_numbers = #tpu.dot_dimension_numbers<[1], [0], [0], [1], [0, 0, 1, 1], [], []>, transpose_lhs_hint = false} : vector<64x128xbf16>, vector<128x128xbf16>, vector<64x128xf32> -> vector<64x128xf32>
      %get3A_123 = arith.constant 0 : index
      %get3A_124 = arith.constant 0 : index
      %get3A_125 = vector.load %arg15[%get3A_123, %get3A_124] : memref<1x128xf32, #tpu.memory_space<vmem>>, vector<1x128xf32>
      %add3A_126 = vector.broadcast %get3A_125 : vector<1x128xf32> to vector<64x128xf32>
      %add3A_127 = arith.addf %dot_general3A_122, %add3A_126 : vector<64x128xf32>
      %max3A_128 = arith.constant 0.000000e+00 : f32
      %max3A_129 = vector.broadcast %max3A_128 : f32 to vector<64x128xf32>
      %max3A_130 = arith.maximumf %add3A_127, %max3A_129 : vector<64x128xf32>
      %get3A_131 = arith.constant 0 : index
      %get3A_132 = arith.constant 0 : index
      %get3A_133 = vector.load %arg16[%get3A_131, %get3A_132] : memref<128x128xf32, #tpu.memory_space<vmem>>, vector<128x128xf32>
      %convert_element_type3A_134 = arith.truncf %max3A_130 : vector<64x128xf32> to vector<64x128xbf16>
      %convert_element_type3A_135 = arith.truncf %get3A_133 : vector<128x128xf32> to vector<128x128xbf16>
      %dot_general3A_136 = arith.constant dense<0.000000e+00> : vector<64x128xf32>
      %dot_general3A_137 = tpu.matmul %convert_element_type3A_134, %convert_element_type3A_135, %dot_general3A_136 {dimension_numbers = #tpu.dot_dimension_numbers<[1], [0], [0], [1], [0, 0, 1, 1], [], []>, transpose_lhs_hint = false} : vector<64x128xbf16>, vector<128x128xbf16>, vector<64x128xf32> -> vector<64x128xf32>
      %get3A_138 = arith.constant 0 : index
      %get3A_139 = arith.constant 0 : index
      %get3A_140 = vector.load %arg17[%get3A_138, %get3A_139] : memref<1x128xf32, #tpu.memory_space<vmem>>, vector<1x128xf32>
      %add3A_141 = vector.broadcast %get3A_140 : vector<1x128xf32> to vector<64x128xf32>
      %add3A_142 = arith.addf %dot_general3A_137, %add3A_141 : vector<64x128xf32>
      %max3A_143 = arith.constant 0.000000e+00 : f32
      %max3A_144 = vector.broadcast %max3A_143 : f32 to vector<64x128xf32>
      %max3A_145 = arith.maximumf %add3A_142, %max3A_144 : vector<64x128xf32>
      %get3A_146 = arith.constant 0 : index
      %get3A_147 = arith.constant 0 : index
      %get3A_148 = vector.load %arg18[%get3A_146, %get3A_147] : memref<128x1xf32, #tpu.memory_space<vmem>>, vector<128x1xf32>
      %convert_element_type3A_149 = arith.truncf %max3A_145 : vector<64x128xf32> to vector<64x128xbf16>
      %convert_element_type3A_150 = arith.truncf %get3A_148 : vector<128x1xf32> to vector<128x1xbf16>
      %dot_general3A_151 = arith.constant dense<0.000000e+00> : vector<64x1xf32>
      %dot_general3A_152 = tpu.matmul %convert_element_type3A_149, %convert_element_type3A_150, %dot_general3A_151 {dimension_numbers = #tpu.dot_dimension_numbers<[1], [0], [0], [1], [0, 0, 1, 1], [], []>, transpose_lhs_hint = false} : vector<64x128xbf16>, vector<128x1xbf16>, vector<64x1xf32> -> vector<64x1xf32>
      %get3A_153 = arith.constant 0 : index
      %get3A_154 = arith.constant 0 : index
      %get3A_155 = vector.load %arg19[%get3A_153, %get3A_154] : memref<1x1xf32, #tpu.memory_space<vmem>>, vector<1x1xf32>
      %add3A_156 = vector.broadcast %get3A_155 : vector<1x1xf32> to vector<64x1xf32>
      %add3A_157 = arith.addf %dot_general3A_152, %add3A_156 : vector<64x1xf32>
      %swap3A_158 = arith.constant 0 : index
      %swap3A_159 = arith.constant 0 : index
      %swap3A_160 = vector.load %arg20[%swap3A_158, %swap3A_159] : memref<64x1xf32, #tpu.memory_space<vmem>>, vector<64x1xf32>
      tpu.vector_store %arg20[%swap3A_158, %swap3A_159], %add3A_157 {strides = array<i32>} : memref<64x1xf32, #tpu.memory_space<vmem>>, vector<64x1xf32>,
    } else {
    }
    return
  }
  func.func @transform_0(%arg0: i32) -> (i32, i32) {
    %c0_i32 = arith.constant 0 : i32
    %c0_i32_0 = arith.constant 0 : i32
    return %arg0, %c0_i32 : i32, i32
  }
  func.func @transform_1(%arg0: i32) -> (i32, i32) {
    %c0_i32 = arith.constant 0 : i32
    %c0_i32_0 = arith.constant 0 : i32
    return %arg0, %c0_i32 : i32, i32
  }
  func.func @transform_2(%arg0: i32) -> (i32, i32) {
    %c0_i32 = arith.constant 0 : i32
    %c0_i32_0 = arith.constant 0 : i32
    return %arg0, %c0_i32 : i32, i32
  }
  func.func @transform_3(%arg0: i32) -> (i32, i32) {
    %c0_i32 = arith.constant 0 : i32
    %c0_i32_0 = arith.constant 0 : i32
    return %arg0, %c0_i32 : i32, i32
  }
  func.func @transform_4(%arg0: i32) -> (i32, i32) {
    %c0_i32 = arith.constant 0 : i32
    %c0_i32_0 = arith.constant 0 : i32
    return %arg0, %c0_i32 : i32, i32
  }
  func.func @transform_5(%arg0: i32) -> (i32, i32, i32) {
    %c0_i32 = arith.constant 0 : i32
    %c0_i32_0 = arith.constant 0 : i32
    %c0_i32_1 = arith.constant 0 : i32
    return %arg0, %c0_i32, %c0_i32_0 : i32, i32, i32
  }
  func.func @transform_6(%arg0: i32) -> (i32, i32) {
    %c0_i32 = arith.constant 0 : i32
    %c0_i32_0 = arith.constant 0 : i32
    %c0_i32_1 = arith.constant 0 : i32
    return %c0_i32, %c0_i32_0 : i32, i32
  }
  func.func @transform_7(%arg0: i32) -> (i32, i32) {
    %c0_i32 = arith.constant 0 : i32
    %c0_i32_0 = arith.constant 0 : i32
    %c0_i32_1 = arith.constant 0 : i32
    return %c0_i32, %c0_i32_0 : i32, i32
  }
  func.func @transform_8(%arg0: i32) -> (i32, i32) {
    %c0_i32 = arith.constant 0 : i32
    %c0_i32_0 = arith.constant 0 : i32
    %c0_i32_1 = arith.constant 0 : i32
    return %c0_i32, %c0_i32_0 : i32, i32
  }
  func.func @transform_9(%arg0: i32) -> (i32, i32) {
    %c0_i32 = arith.constant 0 : i32
    %c0_i32_0 = arith.constant 0 : i32
    %c0_i32_1 = arith.constant 0 : i32
    return %c0_i32, %c0_i32_0 : i32, i32
  }
  func.func @transform_10(%arg0: i32) -> (i32, i32) {
    %c0_i32 = arith.constant 0 : i32
    %c0_i32_0 = arith.constant 0 : i32
    %c0_i32_1 = arith.constant 0 : i32
    return %c0_i32, %c0_i32_0 : i32, i32
  }
  func.func @transform_11(%arg0: i32) -> (i32, i32) {
    %c0_i32 = arith.constant 0 : i32
    %c0_i32_0 = arith.constant 0 : i32
    %c0_i32_1 = arith.constant 0 : i32
    return %c0_i32, %c0_i32_0 : i32, i32
  }
  func.func @transform_12(%arg0: i32) -> (i32, i32) {
    %c0_i32 = arith.constant 0 : i32
    %c0_i32_0 = arith.constant 0 : i32
    %c0_i32_1 = arith.constant 0 : i32
    return %c0_i32, %c0_i32_0 : i32, i32
  }
  func.func @transform_13(%arg0: i32) -> (i32, i32) {
    %c0_i32 = arith.constant 0 : i32
    %c0_i32_0 = arith.constant 0 : i32
    %c0_i32_1 = arith.constant 0 : i32
    return %c0_i32, %c0_i32_0 : i32, i32
  }
  func.func @transform_14(%arg0: i32) -> (i32, i32) {
    %c0_i32 = arith.constant 0 : i32
    %c0_i32_0 = arith.constant 0 : i32
    %c0_i32_1 = arith.constant 0 : i32
    return %c0_i32, %c0_i32_0 : i32, i32
  }
  func.func @transform_15(%arg0: i32) -> (i32, i32) {
    %c0_i32 = arith.constant 0 : i32
    %c0_i32_0 = arith.constant 0 : i32
    %c0_i32_1 = arith.constant 0 : i32
    return %c0_i32, %c0_i32_0 : i32, i32
  }
  func.func @transform_16(%arg0: i32) -> (i32, i32) {
    %c0_i32 = arith.constant 0 : i32
    %c0_i32_0 = arith.constant 0 : i32
    %c0_i32_1 = arith.constant 0 : i32
    return %c0_i32, %c0_i32_0 : i32, i32
  }
  func.func @transform_17(%arg0: i32) -> (i32, i32) {
    %c0_i32 = arith.constant 0 : i32
    %c0_i32_0 = arith.constant 0 : i32
    %c0_i32_1 = arith.constant 0 : i32
    return %c0_i32, %c0_i32_0 : i32, i32
  }
  func.func @transform_18(%arg0: i32) -> (i32, i32) {
    %c0_i32 = arith.constant 0 : i32
    %c0_i32_0 = arith.constant 0 : i32
    %c0_i32_1 = arith.constant 0 : i32
    return %c0_i32, %c0_i32_0 : i32, i32
  }
  func.func @transform_19(%arg0: i32) -> (i32, i32) {
    %c0_i32 = arith.constant 0 : i32
    %c0_i32_0 = arith.constant 0 : i32
    %c0_i32_1 = arith.constant 0 : i32
    return %c0_i32, %c0_i32_0 : i32, i32
  }
}

</mosaic_0001>

<sc_bundles>
// kernel: kernel.12.cloned.1.call-start
scs
__scs_entry_jumppad:
0x0: {  	(pc) =	sbr.rel $0x88, $3  }
0x1: {  	(tag) =	ssettag $0x0;
	lr =	simm.s32 $0x1  }
0x2: {  	[smem:$0x3F8B] =	sst lr;
	_ =	strace $0xD0000000  }
0x3: {  	_ = 	snop  }
0x4: {  	_ = 	snop  }
0x5: {  	_ = 	snop  }
0x6: {  	_ = 	snop  }
0x7: {  	_ = 	snop  }
__scs_overlays_trampoline_lowered:
0x8: {  	[smem:$0x3F9A] =	sst s0  }
0x9: {  	[smem:$0x3F9B] =	sst s1  }
0xa: {  	[smem:$0x3F9C] =	sst s2  }
0xb: {  	[smem:$0x3F9D] =	sst s3  }
0xc: {  	[smem:$0x3F9E] =	sst s4  }
0xd: {  	[smem:$0x3F9F] =	sst s5  }
0xe: {  	[smem:$0x3FA0] =	sst s6  }
0xf: {  	[smem:$0x3FA1] =	sst s7  }
0x10: {  	[smem:$0x3FA2] =	sst s8  }
0x11: {  	[smem:$0x3FA3] =	sst s9;
	s0 =	simm.s32 @!p0 $0x0  }
0x12: {  	s1 =	sld [smem:$0x3F89];
	s0 =	simm.s32 @p0 $0x1  }
0x13: {  	[smem:$0x3FA4] =	sst s0;
	s0 =	simm.s32 @!p1 $0x0  }
0x14: {  	s2 =	sld [smem:$0x3F88];
	s0 =	simm.s32 @p1 $0x1  }
0x15: {  	[smem:$0x3FA5] =	sst s0;
	s0 =	simm.s32 @!p2 $0x0  }
0x16: {  	s3 =	sld [smem:$0x3FDB];
	s0 =	simm.s32 @p2 $0x1  }
0x17: {  	s4 =	simm.s32 $0x1BF5;
	[smem:$0x3FA7] =	sst s0  }
0x18: {  	s0 =	sld [smem:$0x3F8A];
	_ =	swait.ge [sflag:s4], $0x0  }
0x19: {  	s7 =	sld [smem:$0x3F8B]  }
0x1a: {  	s8 =	sadd.s32 $0xFFFFE003, lr  }
0x1b: {  	s9 =	sadd.s32 $0xFFFFFEF7, lr;
	s5 =	simm.s32 $0xFFFFFFFF;
	p2 =	slt.u32 s8, $0xFFFFF086  }
0x1c: {  	p1 =	slt.u32 s9, $0xF7A;
	s5 =	simm.s32 @!p2 $0x0  }
0x1d: {  	s5 =	simm.s32 @p1 $0x1;
	p0 =	seq.s32 s7, s2  }
0x1e: {  	s7 =	smul.u32 @!p0 $0xF7A, s2;
	p2 =	seq.s32 @!p0 s5, $0x0  }
0x1f: {  	s9 =	smul.u32 $0xF7A, s1;
	s8 =	simm.s32 @!p0 $0x1BF5;
	p2 =	por !p2, p0  }
0x20: {  	[sflag:s8] =	ssyncset.s32 @!p0 $0xFFFFF086;
	s6 =	sadd.s32 @!p0 s3, s7;
	s7 =	simm.s32 @!p0 $0x108  }
0x21: {  	s3 =	sadd.s32 s3, s9;
	s6 =	sadd.s32 @!p0 $0x88, s6;
	s7 =	simm.s32 @p2 $0x1082  }
0x22: {  	[simem:s7], [sflag:s8] =	dma.local @!p0 [hbm:s6], $0xF7A  }
0x23: {  	s9 =	sor.u32 $0xD0000000, s2;
	s6 =	simm.s32 $0x108;
	_ =	swait.ge @!p0 [sflag:s8], $0x0  }
0x24: {  	s3 =	sadd.s32 $0x88, s3;
	s6 =	simm.s32 @!p1 $0x1082;
	[sflag:s4] =	ssyncset.s32 $0xFFFFF086  }
0x25: {  	[simem:s6], [sflag:s4] =	dma.local [hbm:s3], $0xF7A  }
0x26: {  	[smem:$0x3F8B] =	sst s1;
	(tag) =	ssettag s2;
	_ =	strace s9  }
0x27: {  	s1 =	sld [smem:$0x3F9B]  }
0x28: {  	s2 =	sld [smem:$0x3F9C]  }
0x29: {  	s4 =	sld [smem:$0x3F9E]  }
0x2a: {  	p0 =	seq.s32 s5, $0x0;
	s5 =	sld [smem:$0x3F9F]  }
0x2b: {  	s6 =	sld [smem:$0x3FA0]  }
0x2c: {  	s7 =	sld [smem:$0x3FA1]  }
0x2d: {  	s3 =	simm.s32 $0x108;
	s8 =	sld [smem:$0x3FA2]  }
0x2e: {  	s3 =	simm.s32 @!p0 $0x1082;
	s9 =	sld [smem:$0x3FA3]  }
0x2f: {  	lr =	sadd.s32 s0, s3;
	s0 =	sld [smem:$0x3F9A]  }
0x30: {  	s3 =	sld [smem:$0x3F9D]  }
0x31: {  	[smem:$0x3FA6] =	sst s10  }
0x32: {  	s10 =	sld [smem:$0x3FA4];
	_ =	sdelay $0x3  }
0x33: {  	p0 =	seq.s32 s10, $0x1;
	s10 =	sld [smem:$0x3FA6];
	_ =	sdelay $0x3  }
0x34: {  	[smem:$0x3FA6] =	sst s10  }
0x35: {  	s10 =	sld [smem:$0x3FA5];
	_ =	sdelay $0x3  }
0x36: {  	p1 =	seq.s32 s10, $0x1;
	s10 =	sld [smem:$0x3FA6];
	_ =	sdelay $0x3  }
0x37: {  	[smem:$0x3FA6] =	sst s10  }
0x38: {  	s10 =	sld [smem:$0x3FA7]  }
0x39: {  	_ = 	snop;
	(pc) =	sbr.ind lr, $3  }
0x3a: {  	_ = 	snop  }
0x3b: {  	_ = 	snop  }
0x3c: {  	p2 =	seq.s32 s10, $0x1;
	s10 =	sld [smem:$0x3FA6]  }
0x3d: {  	_ =	shalt  }
0x3e: {  	_ =	shalt  }
0x3f: {  	_ =	shalt  }
0x40: {  	_ =	shalt  }
0x41: {  	_ =	shalt  }
0x42: {  	_ =	shalt  }
0x43: {  	_ =	shalt  }
0x44: {  	_ =	shalt  }
0x45: {  	_ =	shalt  }
0x46: {  	_ =	shalt  }
0x47: {  	_ =	shalt  }
0x48: {  	_ =	shalt  }
0x49: {  	_ =	shalt  }
0x4a: {  	_ =	shalt  }
0x4b: {  	_ =	shalt  }
0x4c: {  	_ =	shalt  }
0x4d: {  	_ =	shalt  }
0x4e: {  	_ =	shalt  }
0x4f: {  	_ =	shalt  }
0x50: {  	_ =	shalt  }
0x51: {  	_ =	shalt  }
0x52: {  	_ =	shalt  }
0x53: {  	_ =	shalt  }
0x54: {  	_ =	shalt  }
0x55: {  	_ =	shalt  }
0x56: {  	_ =	shalt  }
0x57: {  	_ =	shalt  }
0x58: {  	_ =	shalt  }
0x59: {  	_ =	shalt  }
0x5a: {  	_ =	shalt  }
0x5b: {  	_ =	shalt  }
0x5c: {  	_ =	shalt  }
0x5d: {  	_ =	shalt  }
0x5e: {  	_ =	shalt  }
0x5f: {  	_ =	shalt  }
0x60: {  	_ =	shalt  }
0x61: {  	_ =	shalt  }
0x62: {  	_ =	shalt  }
0x63: {  	_ =	shalt  }
0x64: {  	_ =	shalt  }
0x65: {  	_ =	shalt  }
0x66: {  	_ =	shalt  }
0x67: {  	_ =	shalt  }
0x68: {  	_ =	shalt  }
0x69: {  	_ =	shalt  }
0x6a: {  	_ =	shalt  }
0x6b: {  	_ =	shalt  }
0x6c: {  	_ =	shalt  }
0x6d: {  	_ =	shalt  }
0x6e: {  	_ =	shalt  }
0x6f: {  	_ =	shalt  }
0x70: {  	_ =	shalt  }
0x71: {  	_ =	shalt  }
0x72: {  	_ =	shalt  }
0x73: {  	_ =	shalt  }
0x74: {  	_ =	shalt  }
0x75: {  	_ =	shalt  }
0x76: {  	_ =	shalt  }
0x77: {  	_ =	shalt  }
0x78: {  	_ =	shalt  }
0x79: {  	_ =	shalt  }
0x7a: {  	_ =	shalt  }
0x7b: {  	_ =	shalt  }
0x7c: {  	_ =	shalt  }
0x7d: {  	_ =	shalt  }
0x7e: {  	_ =	shalt  }
0x7f: {  	_ =	shalt  }
0x80: {  	_ =	shalt  }
0x81: {  	_ =	shalt  }
0x82: {  	_ =	shalt  }
0x83: {  	_ =	shalt  }
0x84: {  	_ =	shalt  }
0x85: {  	_ =	shalt  }
0x86: {  	_ =	shalt  }
0x87: {  	_ =	shalt  }
.Lfunc_end0:
.L_simem_size_0:
called_computation.1_lowered:
.L_overlay_start_0:
0x88: {  	s2 =	sld [smem:$0x3FD9]  }
0x89: {  	s3 =	sld [smem:$0x3FFE];
	_ =	sdelay $0x1  }
0x8a: {  	s1 =	srdreg.scid  }
0x8b: {  	s0 =	sand.u32 $0x1, s1  }
0x8c: {  	s17 =	sshll.u32 s0, $0xA;
	s2 =	sadd.s32 s3, s2  }
0x8d: {  	s2 =	sadd.s32 s2, s17  }
0x8e: {  	[smem:$0x3FB2] =	sst s2  }
0x8f: {  	_ = 	snop  }
0x90: {  	s18 =	sld [smem:$0x3FC9];
	(tm) =	ssettm $0x1  }
0x91: {  	s19 =	sld [smem:$0x3FFB];
	_ =	sdelay $0x3  }
0x92: {  	_ =	strace s19  }
0x93: {  	s2 =	sld [smem:$0x3FFC];
	_ =	sdelay $0x3  }
0x94: {  	_ =	strace s2  }
0x95: {  	s2 =	sld [smem:$0x3FFD];
	_ =	sdelay $0x3  }
0x96: {  	_ =	strace s2  }
0x97: {  	_ =	strace $0x8FFFFFFF  }
0x98: {  	s20 =	sld [smem:$0x3FDB];
	_ =	sdelay $0x1  }
0x99: {  	s4 =	simm.s32 $_scs_section_size  }
0x9a: {  	s5 =	simm.s32 $_size__tile_overlayer_lowered;
	s6 =	simm.s32 $_tile_overlayer_lowered  }
0x9b: {  	s7 =	simm.s32 $0x1BFF;
	s21 =	sshll.u32 s6, $0x1;
	s4 =	sadd.s32 s4, s20  }
0x9c: {  	s22 =	simm.s32 $0x0;
	s5 =	sshll.u32 s5, $0x1;
	s6 =	sadd.s32 s21, s4  }
0x9d: {  	[timem:s22], [sflag:s7] =	dma.local [hbm:s6], s5  }
0x9e: {  	_ =	swait.ge [sflag:s7], s5  }
0x9f: {  	s5 =	ssub.s32 $0x0, s5;
	[sflag:s7] =	ssyncset.done $0x0  }
0xa0: {  	[sflag:s7] =	ssyncadd.s32 s5;
	_ =	sdelay $0x1  }
0xa1: {  	s23 =	simm.s32 $0x1B8B  }
0xa2: {  	_ =	swait.ge [sflag:s23], $0x1  }
0xa3: {  	[sflag:s23] =	ssyncset.done $0x0  }
0xa4: {  	[sflag:s23] =	ssyncadd.s32 $0xFFFFFFFF  }
0xa5: {  	s5 =	sld [smem:$0x0]  }
0xa6: {  	s6 =	sand.u32 $0xFFFFFFFE, s1  }
0xa7: {  	p0 =	sne.s32 s1, s6  }
0xa8: {  	s6 =	sshll.u32 @p0 s6, $0xE  }
0xa9: {  	s6 =	sadd.s32 @p0 $0x11B8D, s6;
	s7 =	sshll.u32 @p0 s5, $0x11  }
0xaa: {  	s6 =	sor.u32 @p0 s7, s6  }
0xab: {  	[sflag:s6] =	ssyncadd.remote.s32 @p0 $0x1;
	_ =	sdelay $0x1  }
0xac: {  	s6 =	simm.s32 @p0 $0x1B8D  }
0xad: {  	_ =	swait.eq @p0 [sflag:s6], $0x1  }
0xae: {  	[sflag:s6] =	ssyncadd.s32 @p0 $0xFFFFFFFF  }
0xaf: {  	s7 =	sshll.u32 @!p0 s1, $0xE  }
0xb0: {  	s7 =	sor.u32 @!p0 $0x4000, s7;
	s6 =	simm.s32 @!p0 $0x1B8D  }
0xb1: {  	s5 =	sshll.u32 @!p0 s5, $0x11;
	s7 =	sadd.s32 @!p0 $0x11B8D, s7;
	_ =	swait.eq @!p0 [sflag:s6], $0x1  }
0xb2: {  	s5 =	sor.u32 @!p0 s5, s7;
	[sflag:s6] =	ssyncadd.s32 @!p0 $0xFFFFFFFF  }
0xb3: {  	s25 =	simm.s32 $0x1B8E;
	s24 =	sld [smem:$0x3FFE];
	[sflag:s5] =	ssyncadd.remote.s32 @!p0 $0x1  }
0xb4: {  	s26 =	simm.s32 $execute0_lowered;
	[smem:$0x3FD2] =	sst s25  }
0xb5: {  	s6 =	sshll.u32 s26, $0x1;
	_ =	strace $0x80000049;
	[dreg:$0x1] =	wrdreg $0xFFFFFFFF  }
0xb6: {  	s28 =	simm.s32 $_size_execute0_lowered;
	s4 =	sadd.s32 s4, s6;
	[dreg:$0x0] =	wrdreg $0x0  }
0xb7: {  	s6 =	sshll.u32 s28, $0x1;
	[dreg:$0x2] =	wrdreg s4  }
0xb8: {  	[dreg:$0x3] =	wrdreg s6  }
0xb9: {  	[dreg:$0x4] =	wrdreg $0xC0  }
0xba: {  	_ =	task [dreg:s22], $0x5FFFF  }
0xbb: {  	[dreg:$0x1] =	wrdreg $0xFFFFFFFF  }
0xbc: {  	[dreg:$0x0] =	wrdreg $0x60  }
0xbd: {  	[dreg:$0x2] =	wrdreg s18  }
0xbe: {  	[dreg:$0x3] =	wrdreg s24  }
0xbf: {  	[dreg:$0x4] =	wrdreg $0xA  }
0xc0: {  	_ =	task.clear_ibuf [dreg:s22], $0x5FFFF;
	_ =	strace $0x90000049  }
0xc1: {  	s29 =	simm.s32 $0xA;
	_ =	strace $0x8000004B  }
0xc2: {  	_ =	swait.ge [sflag:s29], $0x1  }
0xc3: {  	[sflag:s29] =	ssyncadd.s32 $0xFFFFFFFF  }
0xc4: {  	_ =	strace $0x9000004B  }
0xc5: {  	_ =	sfence  }
0xc6: {  	s30 =	sld [smem:$0x0];
	_ =	sdelay $0x2  }
0xc7: {  	s31 =	sshll.u32 s1, $0xD;
	s1 =	sshrl.u32 s1, $0x2  }
0xc8: {  	s4 =	sand.u32 $0x4000, s31;
	s1 =	sadd.s32 s1, s30  }
0xc9: {  	s0 =	sor.u32 s4, s0;
	s1 =	sshll.u32 s1, $0x11  }
0xca: {  	s0 =	sor.u32 s1, s0  }
0xcb: {  	s0 =	sadd.s32 $0x8F2B, s0  }
0xcc: {  	[sflag:s0] =	ssyncadd.remote.s32 $0x1  }
0xcd: {  	_ =	sfence.sel $0xFFFF  }
0xce: {  	[dreg:$0x0] =	wrdreg $0xFFFFFFFF;
	(pc) =	sbr.abs _section_cstart, $3  }
0xcf: {  	[dreg:$0x1] =	wrdreg $0xFFFFFFFF  }
0xd0: {  	_ =	task.clear_ibuf [dreg:s22], $0x2FFFF;
	_ =	strace $0x9FFFFFFF  }
0xd1: {  	(tm) =	ssettm $0x7FFFFFFF  }
tec
execute0_lowered:
.L_overlay_start_1:
0x0: {  	(tag) =	ssettag $0x1  }
0x1: {  	s2 =	rddreg [dreg:$0x0];
	s0 =	srdreg.scid  }
0x2: {  	s10 =	stileid.u32;
	s1 =	rddreg [dreg:$0x1]  }
0x3: {  	s3 =	simm.s32 $0x0;
	s28 =	simm.s32 $0x1;
	s22 =	smul.u32 $0x50, s10  }
0x4: {  	s0 =	sand.u32 $0x1, s0;
	s4 =	sshll.u32 s10, $0x1;
	s10 =	smul.u32 $0x28000, s10  }
0x5: {  	s29 =	simm.s32 $0x3;
	s30 =	simm.s32 $0x5;
	s25 =	smul.u32 $0x28, s0  }
0x6: {  	s6 =	sor.u32 s0, s4;
	s8 =	ssub.s32 $0x2, s0;
	s0 =	smul.u32 $0x14000, s0  }
0x7: {  	[smem:$0x7FF] =	sst s3;
	s5 =	sadd.s32 $0x7A4600, s1;
	s4 =	smul.u32 $0x280, s6  }
0x8: {  	s31 =	simm.s32 $0x7;
	_ =	strace $0x8000004A;
	s6 =	smul.u32 $0x14000, s6  }
0x9: {  	s19 =	sshrl.u32 s8, $0x1;
	s0 =	sadd.s32 s0, s10;
	s7 =	sadd.s32 s4, s1  }
0xa: {  	s4 =	sadd.s32 $0x524600, s1;
	s1 =	ssub.s32 s8, s19;
	s23 =	sadd.s32 s5, s6  }
0xb: {  	s24 =	sor.u32 $0x800, s6;
	s26 =	sadd.s32 $0x13000, s6;
	s18 =	sor.u32 $0x1000, s0  }
0xc: {  	s19 =	simm.s32 $0x1400;
	s20 =	sadd.s32 $0x51F600, s7;
	[dreg:$0x7] =	wrdreg s23  }
0xd: {  	s0 =	simm.s32 $0x6;
	s7 =	sadd.s32 $0x51A600, s7;
	[dreg:$0x3] =	wrdreg s20  }
0xe: {  	s1 =	smax.u32 s1, $0x1;
	s21 =	sadd.s32 s4, s6;
	[dreg:$0x4] =	wrdreg s7  }
0xf: {  	s9 =	sadd.s32 s4, s24;
	s13 =	sadd.s32 s4, s26;
	[dreg:$0x5] =	wrdreg s1  }
0x10: {  	s14 =	sadd.s32 s5, s26;
	s6 =	sadd.s32 $0x13800, s6;
	[dreg:$0x6] =	wrdreg s21  }
0x11: {  	s23 =	simm.s32 $0xA800;
	s26 =	simm.s32 $0xE800;
	[dreg:$0x8] =	wrdreg s9  }
0x12: {  	s7 =	sadd.s32 s5, s24;
	s1 =	sadd.s32 s25, s22;
	s15 =	sadd.s32 s4, s6  }
0x13: {  	s16 =	sadd.s32 s5, s6;
	s20 =	simm.s32 $0x9;
	s21 =	simm.s32 $0x80  }
0x14: {  	s22 =	simm.s32 $0x2800;
	s25 =	simm.s32 $0x6800;
	s24 =	simm.s32 $0x2  }
0x15: {  	s6 =	simm.s32 $0x8;
	[dreg:$0x9] =	wrdreg s7;
	s1 =	sshll.u32 s1, $0xB  }
0x16: {  	s7 =	simm.s32 $0x0;
	s17 =	sor.u32 $0x1800, s1;
	s1 =	simm.s32 $0x4  }
.LBB2_1:
0x17: {  	s8 =	rddreg [dreg:$0x3]  }
0x18: {  	[tilespmem:s19], [sflag:$0x9] =	stream.linear.gather [hbm4b:s8+s3], $0x1400, $0x38;
	[tilespmem:$0x12800] =	vst v63  }
0x19: {  	_ =	swait.ge [sflag:s20], $0x1400  }
0x1a: {  	[sflag:s20] =	ssyncset.done $0x0  }
0x1b: {  	s10 =	rddreg [dreg:$0x4];
	[sflag:s20] =	ssyncadd.s32 $0xFFFFEC00  }
0x1c: {  	[tilespmem:s3], [sflag:$0x9] =	stream.linear.gather [hbm4b:s10+s3], $0x1400, $0x38;
	[tilespmem:$0x12800] =	vst v63  }
0x1d: {  	_ =	swait.ge [sflag:s20], $0x1400  }
0x1e: {  	[sflag:s20] =	ssyncset.done $0x0  }
0x1f: {  	[sflag:s20] =	ssyncadd.s32 $0xFFFFEC00  }
0x20: {  	[tilespmem:s22], [sflag:$0x1] =	stream.indirect.gather [hbm4b:s2+s21], $0x80, s19, s21, $0xb8;
	[tilespmem:$0x12800] =	vst v63  }
0x21: {  	_ = 	snop  }
0x22: {  	[tilespmem:s23], [sflag:$0x3] =	stream.indirect.gather [hbm4b:s2+s21], $0x80, s3, s21, $0xb8;
	[tilespmem:$0x12800] =	vst v63  }
0x23: {  	s11 =	simm.s32 $0x1480  }
0x24: {  	[tilespmem:s25], [sflag:$0x2] =	stream.indirect.gather [hbm4b:s2+s21], $0x80, s11, s21, $0xb8;
	[tilespmem:$0x12800] =	vst v63  }
0x25: {  	_ = 	snop  }
0x26: {  	[tilespmem:s26], [sflag:$0x4] =	stream.indirect.gather [hbm4b:s2+s21], $0x80, s21, s21, $0xb8;
	[tilespmem:$0x12800] =	vst v63  }
0x27: {  	_ =	swait.ge [sflag:s28], $0x4000  }
0x28: {  	[sflag:s28] =	ssyncset.done $0x0  }
0x29: {  	[sflag:s28] =	ssyncadd.s32 $0xFFFFC000  }
0x2a: {  	_ =	swait.ge [sflag:s29], $0x4000  }
0x2b: {  	[sflag:s29] =	ssyncset.done $0x0  }
0x2c: {  	s12 =	rddreg [dreg:$0x6];
	[sflag:s29] =	ssyncadd.s32 $0xFFFFC000  }
0x2d: {  	[hbm4b:s12+s3] =	stream.linear.scatter [tilespmem:s22], [sflag:$0x5], $0x4000, $0x38;
	[tilespmem:$0x12800] =	vst v63  }
0x2e: {  	s9 =	rddreg [dreg:$0x7]  }
0x2f: {  	[hbm4b:s9+s3] =	stream.linear.scatter [tilespmem:s23], [sflag:$0x7], $0x4000, $0x38;
	[tilespmem:$0x12800] =	vst v63  }
0x30: {  	_ =	swait.ge [sflag:s30], $0x4000  }
0x31: {  	[sflag:s30] =	ssyncset.done $0x0  }
0x32: {  	[sflag:s30] =	ssyncadd.s32 $0xFFFFC000  }
0x33: {  	_ =	swait.ge [sflag:s31], $0x4000  }
0x34: {  	[sflag:s31] =	ssyncset.done $0x0  }
0x35: {  	s10 =	simm.s32 $0x1500;
	[sflag:s31] =	ssyncadd.s32 $0xFFFFC000  }
0x36: {  	[tilespmem:s22], [sflag:$0x1] =	stream.indirect.gather [hbm4b:s2+s21], $0x80, s10, s21, $0xb8;
	[tilespmem:$0x12800] =	vst v63  }
0x37: {  	s11 =	simm.s32 $0x100  }
0x38: {  	[tilespmem:s23], [sflag:$0x3] =	stream.indirect.gather [hbm4b:s2+s21], $0x80, s11, s21, $0xb8;
	[tilespmem:$0x12800] =	vst v63  }
0x39: {  	_ =	swait.ge [sflag:s24], $0x4000  }
0x3a: {  	[sflag:s24] =	ssyncset.done $0x0  }
0x3b: {  	[sflag:s24] =	ssyncadd.s32 $0xFFFFC000  }
0x3c: {  	_ =	swait.ge [sflag:s1], $0x4000  }
0x3d: {  	[sflag:s1] =	ssyncset.done $0x0  }
0x3e: {  	s12 =	rddreg [dreg:$0x8];
	[sflag:s1] =	ssyncadd.s32 $0xFFFFC000  }
0x3f: {  	[hbm4b:s12+s3] =	stream.linear.scatter [tilespmem:s25], [sflag:$0x6], $0x4000, $0x38;
	[tilespmem:$0x12800] =	vst v63  }
0x40: {  	s9 =	rddreg [dreg:$0x9]  }
0x41: {  	[hbm4b:s9+s3] =	stream.linear.scatter [tilespmem:s26], [sflag:$0x8], $0x4000, $0x38;
	[tilespmem:$0x12800] =	vst v63  }
0x42: {  	_ =	swait.ge [sflag:s0], $0x4000  }
0x43: {  	[sflag:s0] =	ssyncset.done $0x0  }
0x44: {  	[sflag:s0] =	ssyncadd.s32 $0xFFFFC000  }
0x45: {  	_ =	swait.ge [sflag:s6], $0x4000  }
0x46: {  	[sflag:s6] =	ssyncset.done $0x0  }
0x47: {  	s10 =	simm.s32 $0x1580;
	[sflag:s6] =	ssyncadd.s32 $0xFFFFC000  }
0x48: {  	[tilespmem:s25], [sflag:$0x2] =	stream.indirect.gather [hbm4b:s2+s21], $0x80, s10, s21, $0xb8;
	[tilespmem:$0x12800] =	vst v63  }
0x49: {  	s11 =	simm.s32 $0x180  }
0x4a: {  	[tilespmem:s26], [sflag:$0x4] =	stream.indirect.gather [hbm4b:s2+s21], $0x80, s11, s21, $0xb8;
	[tilespmem:$0x12800] =	vst v63  }
0x4b: {  	_ =	swait.ge [sflag:s28], $0x4000  }
0x4c: {  	[sflag:s28] =	ssyncset.done $0x0  }
0x4d: {  	[sflag:s28] =	ssyncadd.s32 $0xFFFFC000  }
0x4e: {  	_ =	swait.ge [sflag:s29], $0x4000  }
0x4f: {  	[sflag:s29] =	ssyncset.done $0x0  }
0x50: {  	s12 =	sadd.s32 s18, s4;
	[sflag:s29] =	ssyncadd.s32 $0xFFFFC000  }
0x51: {  	[hbm4b:s12+s3] =	stream.linear.scatter [tilespmem:s22], [sflag:$0x5], $0x4000, $0x38;
	[tilespmem:$0x12800] =	vst v63  }
0x52: {  	s9 =	sadd.s32 s18, s5  }
0x53: {  	[hbm4b:s9+s3] =	stream.linear.scatter [tilespmem:s23], [sflag:$0x7], $0x4000, $0x38;
	[tilespmem:$0x12800] =	vst v63  }
0x54: {  	_ =	swait.ge [sflag:s30], $0x4000  }
0x55: {  	[sflag:s30] =	ssyncset.done $0x0  }
0x56: {  	[sflag:s30] =	ssyncadd.s32 $0xFFFFC000  }
0x57: {  	_ =	swait.ge [sflag:s31], $0x4000  }
0x58: {  	[sflag:s31] =	ssyncset.done $0x0  }
0x59: {  	s10 =	simm.s32 $0x1600;
	[sflag:s31] =	ssyncadd.s32 $0xFFFFC000  }
0x5a: {  	[tilespmem:s22], [sflag:$0x1] =	stream.indirect.gather [hbm4b:s2+s21], $0x80, s10, s21, $0xb8;
	[tilespmem:$0x12800] =	vst v63  }
0x5b: {  	s11 =	simm.s32 $0x200  }
0x5c: {  	[tilespmem:s23], [sflag:$0x3] =	stream.indirect.gather [hbm4b:s2+s21], $0x80, s11, s21, $0xb8;
	[tilespmem:$0x12800] =	vst v63  }
0x5d: {  	_ =	swait.ge [sflag:s24], $0x4000  }
0x5e: {  	[sflag:s24] =	ssyncset.done $0x0  }
0x5f: {  	[sflag:s24] =	ssyncadd.s32 $0xFFFFC000  }
0x60: {  	s8 =	simm.s32 $0x400;
	_ =	swait.ge [sflag:s1], $0x4000  }
0x61: {  	s12 =	sadd.s32 s17, s4;
	s9 =	sadd.s32 $0x1000, s17;
	[sflag:s1] =	ssyncset.done $0x0  }
0x62: {  	s10 =	sadd.s32 $0x1000, s18;
	s11 =	sadd.s32 s17, s5;
	[sflag:s1] =	ssyncadd.s32 $0xFFFFC000  }
0x63: {  	[hbm4b:s12+s3] =	stream.linear.scatter [tilespmem:s25], [sflag:$0x6], $0x4000, $0x38;
	[tilespmem:$0x12800] =	vst v63  }
.LBB2_2:
0x64: {  	[hbm4b:s11+s3] =	stream.linear.scatter [tilespmem:s26], [sflag:$0x8], $0x4000, $0x38;
	[tilespmem:$0x12800] =	vst v63  }
0x65: {  	s11 =	smov.u32 s8  }
0x66: {  	p0 =	sne.s32 s8, $0x4400;
	s8 =	sadd.s32 $0x400, s8;
	_ =	swait.ge [sflag:s0], $0x4000  }
0x67: {  	[sflag:s0] =	ssyncset.done $0x0  }
0x68: {  	[sflag:s0] =	ssyncadd.s32 $0xFFFFC000  }
0x69: {  	_ =	swait.ge [sflag:s6], $0x4000  }
0x6a: {  	s11 =	sshra.s32 s11, $0x2;
	[sflag:s6] =	ssyncset.done $0x0  }
0x6b: {  	s12 =	sadd.s32 $0x1580, s11;
	[sflag:s6] =	ssyncadd.s32 $0xFFFFC000  }
0x6c: {  	[tilespmem:s25], [sflag:$0x2] =	stream.indirect.gather [hbm4b:s2+s21], $0x80, s12, s21, $0xb8;
	[tilespmem:$0x12800] =	vst v63  }
0x6d: {  	s12 =	sadd.s32 $0x180, s11  }
0x6e: {  	[tilespmem:s26], [sflag:$0x4] =	stream.indirect.gather [hbm4b:s2+s21], $0x80, s12, s21, $0xb8;
	[tilespmem:$0x12800] =	vst v63  }
0x6f: {  	_ =	swait.ge [sflag:s28], $0x4000  }
0x70: {  	[sflag:s28] =	ssyncset.done $0x0  }
0x71: {  	[sflag:s28] =	ssyncadd.s32 $0xFFFFC000  }
0x72: {  	_ =	swait.ge [sflag:s29], $0x4000  }
0x73: {  	[sflag:s29] =	ssyncset.done $0x0  }
0x74: {  	s12 =	sadd.s32 s10, s4;
	[sflag:s29] =	ssyncadd.s32 $0xFFFFC000  }
0x75: {  	[hbm4b:s12+s3] =	stream.linear.scatter [tilespmem:s22], [sflag:$0x5], $0x4000, $0x38;
	[tilespmem:$0x12800] =	vst v63  }
0x76: {  	s12 =	sadd.s32 s10, s5  }
0x77: {  	[hbm4b:s12+s3] =	stream.linear.scatter [tilespmem:s23], [sflag:$0x7], $0x4000, $0x38;
	[tilespmem:$0x12800] =	vst v63  }
0x78: {  	_ =	swait.ge [sflag:s30], $0x4000  }
0x79: {  	[sflag:s30] =	ssyncset.done $0x0  }
0x7a: {  	[sflag:s30] =	ssyncadd.s32 $0xFFFFC000  }
0x7b: {  	_ =	swait.ge [sflag:s31], $0x4000  }
0x7c: {  	[sflag:s31] =	ssyncset.done $0x0  }
0x7d: {  	s12 =	sadd.s32 $0x1600, s11;
	[sflag:s31] =	ssyncadd.s32 $0xFFFFC000  }
0x7e: {  	[tilespmem:s22], [sflag:$0x1] =	stream.indirect.gather [hbm4b:s2+s21], $0x80, s12, s21, $0xb8;
	[tilespmem:$0x12800] =	vst v63  }
0x7f: {  	s11 =	sadd.s32 $0x200, s11  }
0x80: {  	[tilespmem:s23], [sflag:$0x3] =	stream.indirect.gather [hbm4b:s2+s21], $0x80, s11, s21, $0xb8;
	[tilespmem:$0x12800] =	vst v63  }
0x81: {  	_ =	swait.ge [sflag:s24], $0x4000  }
0x82: {  	[sflag:s24] =	ssyncset.done $0x0  }
0x83: {  	[sflag:s24] =	ssyncadd.s32 $0xFFFFC000  }
.Ltmp0:
0x84: {  	_ =	swait.ge [sflag:s1], $0x4000;
	(pc) =	sbr.rel @p0 .LBB2_2-.Ltmp0, $4  }
0x85: {  	[sflag:s1] =	ssyncset.done $0x0  }
0x86: {  	s11 =	sadd.s32 s9, s4;
	[sflag:s1] =	ssyncadd.s32 $0xFFFFC000  }
0x87: {  	[hbm4b:s11+s3] =	stream.linear.scatter [tilespmem:s25], [sflag:$0x6], $0x4000, $0x38;
	[tilespmem:$0x12800] =	vst v63  }
0x88: {  	s10 =	sadd.s32 $0x1000, s10;
	s11 =	sadd.s32 s9, s5;
	s9 =	sadd.s32 $0x1000, s9  }
0x89: {  	[hbm4b:s11+s3] =	stream.linear.scatter [tilespmem:s26], [sflag:$0x8], $0x4000, $0x38;
	[tilespmem:$0x12800] =	vst v63  }
0x8a: {  	_ =	swait.ge [sflag:s0], $0x4000  }
0x8b: {  	[sflag:s0] =	ssyncset.done $0x0  }
0x8c: {  	[sflag:s0] =	ssyncadd.s32 $0xFFFFC000  }
0x8d: {  	_ =	swait.ge [sflag:s6], $0x4000  }
0x8e: {  	[sflag:s6] =	ssyncset.done $0x0  }
0x8f: {  	s8 =	simm.s32 $0x2780;
	[sflag:s6] =	ssyncadd.s32 $0xFFFFC000  }
0x90: {  	[tilespmem:s25], [sflag:$0x2] =	stream.indirect.gather [hbm4b:s2+s21], $0x80, s8, s21, $0xb8;
	[tilespmem:$0x12800] =	vst v63  }
0x91: {  	s11 =	simm.s32 $0x1380  }
0x92: {  	[tilespmem:s26], [sflag:$0x4] =	stream.indirect.gather [hbm4b:s2+s21], $0x80, s11, s21, $0xb8;
	[tilespmem:$0x12800] =	vst v63  }
0x93: {  	_ =	swait.ge [sflag:s28], $0x4000  }
0x94: {  	[sflag:s28] =	ssyncset.done $0x0  }
0x95: {  	[sflag:s28] =	ssyncadd.s32 $0xFFFFC000  }
0x96: {  	_ =	swait.ge [sflag:s29], $0x4000  }
0x97: {  	[sflag:s29] =	ssyncset.done $0x0  }
0x98: {  	[sflag:s29] =	ssyncadd.s32 $0xFFFFC000  }
0x99: {  	[hbm4b:s13+s3] =	stream.linear.scatter [tilespmem:s22], [sflag:$0x5], $0x4000, $0x38;
	[tilespmem:$0x12800] =	vst v63  }
0x9a: {  	_ = 	snop  }
0x9b: {  	[hbm4b:s14+s3] =	stream.linear.scatter [tilespmem:s23], [sflag:$0x7], $0x4000, $0x38;
	[tilespmem:$0x12800] =	vst v63  }
0x9c: {  	_ =	swait.ge [sflag:s24], $0x4000  }
0x9d: {  	[sflag:s24] =	ssyncset.done $0x0  }
0x9e: {  	[sflag:s24] =	ssyncadd.s32 $0xFFFFC000  }
0x9f: {  	_ =	swait.ge [sflag:s1], $0x4000  }
0xa0: {  	[sflag:s1] =	ssyncset.done $0x0  }
0xa1: {  	[sflag:s1] =	ssyncadd.s32 $0xFFFFC000  }
0xa2: {  	[hbm4b:s15+s3] =	stream.linear.scatter [tilespmem:s25], [sflag:$0x6], $0x4000, $0x38;
	[tilespmem:$0x12800] =	vst v63  }
0xa3: {  	_ = 	snop  }
0xa4: {  	[hbm4b:s16+s3] =	stream.linear.scatter [tilespmem:s26], [sflag:$0x8], $0x4000, $0x38;
	[tilespmem:$0x12800] =	vst v63  }
0xa5: {  	_ =	swait.ge [sflag:s30], $0x4000  }
0xa6: {  	[sflag:s30] =	ssyncset.done $0x0  }
0xa7: {  	[sflag:s30] =	ssyncadd.s32 $0xFFFFC000  }
0xa8: {  	_ =	swait.ge [sflag:s31], $0x4000  }
0xa9: {  	[sflag:s31] =	ssyncset.done $0x0  }
0xaa: {  	[sflag:s31] =	ssyncadd.s32 $0xFFFFC000  }
0xab: {  	_ =	swait.ge [sflag:s0], $0x4000  }
0xac: {  	[sflag:s0] =	ssyncset.done $0x0  }
0xad: {  	[sflag:s0] =	ssyncadd.s32 $0xFFFFC000  }
0xae: {  	_ =	swait.ge [sflag:s6], $0x4000  }
0xaf: {  	s7 =	sadd.s32 $0x1, s7;
	s12 =	rddreg [dreg:$0x5]  }
0xb0: {  	p0 =	sne.s32 s7, s12  }
.Ltmp1:
0xb1: {  	_ = 	snop;
	(pc) =	sbr.rel @p0 .LBB2_1-.Ltmp1, $3  }
0xb2: {  	_ =	sdelay $0x1  }
0xb3: {  	[sflag:s6] =	ssyncset.done $0x0  }
0xb4: {  	[sflag:s6] =	ssyncadd.s32 $0xFFFFC000  }
0xb5: {  	_ =	sfence.sel $0x180000  }
0xb6: {  	[bflag:$0x0] =	sbarrier.arrive $0xFFFF  }
0xb7: {  	_ =	strace $0x9000004A  }
0xb8: {  	s0 =	stileid.u32;
	[bflag:$0x2] =	sbarrier.arrive $0xFFFF  }
0xb9: {  	p0 =	sne.s32 s0, $0x0;
	s0 =	rddreg [dreg:$0x2]  }
0xba: {  	s0 =	sadd.s32 @!p0 $0x100000, s0  }
0xbb: {  	[sflag:s0] =	ssyncadd.tile.s32 @!p0 $0x1;
	_ =	shalt  }
.Lfunc_end2:
_tile_overlayer_lowered:
.L_overlay_start_2:
0xbc: {  	(tag) =	ssettag $0x2  }
0xbd: {  	s0 =	rddreg [dreg:$0x0];
	s2 =	stileid.u32  }
0xbe: {  	s1 =	rddreg [dreg:$0x1];
	p0 =	sne.s32 s2, $0x0  }
0xbf: {  	s3 =	rddreg [dreg:$0x2];
	[bflag:$0x3] =	sbarrier.arrive $0xFFFF;
	s2 =	simm.s32 @!p0 $0x1C09  }
0xc0: {  	[timem:s3], [sflag:s2] =	dma.local @!p0 [hbm:s0], s1  }
0xc1: {  	s0 =	simm.s32 @!p0 $0x9  }
0xc2: {  	_ =	swait.ge @!p0 [sflag:s0], s1  }
0xc3: {  	s1 =	ssub.s32 @!p0 $0x0, s1;
	[sflag:s0] =	ssyncset.done @!p0 $0x0  }
0xc4: {  	[sflag:s0] =	ssyncadd.s32 @!p0 s1  }
0xc5: {  	[bflag:$0x3] =	sbarrier.arrive $0xFFFF  }
0xc6: {  	_ =	shalt  }

// kernel: kernel.15.cloned.1.call-start
scs
__scs_entry_jumppad:
0x0: {  	(pc) =	sbr.rel $0x88, $3  }
0x1: {  	(tag) =	ssettag $0x0;
	lr =	simm.s32 $0x1  }
0x2: {  	[smem:$0x3F8B] =	sst lr;
	_ =	strace $0xD0000000  }
0x3: {  	_ = 	snop  }
0x4: {  	_ = 	snop  }
0x5: {  	_ = 	snop  }
0x6: {  	_ = 	snop  }
0x7: {  	_ = 	snop  }
__scs_overlays_trampoline_lowered:
0x8: {  	[smem:$0x3F9A] =	sst s0  }
0x9: {  	[smem:$0x3F9B] =	sst s1  }
0xa: {  	[smem:$0x3F9C] =	sst s2  }
0xb: {  	[smem:$0x3F9D] =	sst s3  }
0xc: {  	[smem:$0x3F9E] =	sst s4  }
0xd: {  	[smem:$0x3F9F] =	sst s5  }
0xe: {  	[smem:$0x3FA0] =	sst s6  }
0xf: {  	[smem:$0x3FA1] =	sst s7  }
0x10: {  	[smem:$0x3FA2] =	sst s8  }
0x11: {  	[smem:$0x3FA3] =	sst s9;
	s0 =	simm.s32 @!p0 $0x0  }
0x12: {  	s1 =	sld [smem:$0x3F89];
	s0 =	simm.s32 @p0 $0x1  }
0x13: {  	[smem:$0x3FA4] =	sst s0;
	s0 =	simm.s32 @!p1 $0x0  }
0x14: {  	s2 =	sld [smem:$0x3F88];
	s0 =	simm.s32 @p1 $0x1  }
0x15: {  	[smem:$0x3FA5] =	sst s0;
	s0 =	simm.s32 @!p2 $0x0  }
0x16: {  	s3 =	sld [smem:$0x3FDB];
	s0 =	simm.s32 @p2 $0x1  }
0x17: {  	s4 =	simm.s32 $0x1BF5;
	[smem:$0x3FA7] =	sst s0  }
0x18: {  	s0 =	sld [smem:$0x3F8A];
	_ =	swait.ge [sflag:s4], $0x0  }
0x19: {  	s7 =	sld [smem:$0x3F8B]  }
0x1a: {  	s8 =	sadd.s32 $0xFFFFE003, lr  }
0x1b: {  	s9 =	sadd.s32 $0xFFFFFEF7, lr;
	s5 =	simm.s32 $0xFFFFFFFF;
	p2 =	slt.u32 s8, $0xFFFFF086  }
0x1c: {  	p1 =	slt.u32 s9, $0xF7A;
	s5 =	simm.s32 @!p2 $0x0  }
0x1d: {  	s5 =	simm.s32 @p1 $0x1;
	p0 =	seq.s32 s7, s2  }
0x1e: {  	s7 =	smul.u32 @!p0 $0xF7A, s2;
	p2 =	seq.s32 @!p0 s5, $0x0  }
0x1f: {  	s9 =	smul.u32 $0xF7A, s1;
	s8 =	simm.s32 @!p0 $0x1BF5;
	p2 =	por !p2, p0  }
0x20: {  	[sflag:s8] =	ssyncset.s32 @!p0 $0xFFFFF086;
	s6 =	sadd.s32 @!p0 s3, s7;
	s7 =	simm.s32 @!p0 $0x108  }
0x21: {  	s3 =	sadd.s32 s3, s9;
	s6 =	sadd.s32 @!p0 $0x88, s6;
	s7 =	simm.s32 @p2 $0x1082  }
0x22: {  	[simem:s7], [sflag:s8] =	dma.local @!p0 [hbm:s6], $0xF7A  }
0x23: {  	s9 =	sor.u32 $0xD0000000, s2;
	s6 =	simm.s32 $0x108;
	_ =	swait.ge @!p0 [sflag:s8], $0x0  }
0x24: {  	s3 =	sadd.s32 $0x88, s3;
	s6 =	simm.s32 @!p1 $0x1082;
	[sflag:s4] =	ssyncset.s32 $0xFFFFF086  }
0x25: {  	[simem:s6], [sflag:s4] =	dma.local [hbm:s3], $0xF7A  }
0x26: {  	[smem:$0x3F8B] =	sst s1;
	(tag) =	ssettag s2;
	_ =	strace s9  }
0x27: {  	s1 =	sld [smem:$0x3F9B]  }
0x28: {  	s2 =	sld [smem:$0x3F9C]  }
0x29: {  	s4 =	sld [smem:$0x3F9E]  }
0x2a: {  	p0 =	seq.s32 s5, $0x0;
	s5 =	sld [smem:$0x3F9F]  }
0x2b: {  	s6 =	sld [smem:$0x3FA0]  }
0x2c: {  	s7 =	sld [smem:$0x3FA1]  }
0x2d: {  	s3 =	simm.s32 $0x108;
	s8 =	sld [smem:$0x3FA2]  }
0x2e: {  	s3 =	simm.s32 @!p0 $0x1082;
	s9 =	sld [smem:$0x3FA3]  }
0x2f: {  	lr =	sadd.s32 s0, s3;
	s0 =	sld [smem:$0x3F9A]  }
0x30: {  	s3 =	sld [smem:$0x3F9D]  }
0x31: {  	[smem:$0x3FA6] =	sst s10  }
0x32: {  	s10 =	sld [smem:$0x3FA4];
	_ =	sdelay $0x3  }
0x33: {  	p0 =	seq.s32 s10, $0x1;
	s10 =	sld [smem:$0x3FA6];
	_ =	sdelay $0x3  }
0x34: {  	[smem:$0x3FA6] =	sst s10  }
0x35: {  	s10 =	sld [smem:$0x3FA5];
	_ =	sdelay $0x3  }
0x36: {  	p1 =	seq.s32 s10, $0x1;
	s10 =	sld [smem:$0x3FA6];
	_ =	sdelay $0x3  }
0x37: {  	[smem:$0x3FA6] =	sst s10  }
0x38: {  	s10 =	sld [smem:$0x3FA7]  }
0x39: {  	_ = 	snop;
	(pc) =	sbr.ind lr, $3  }
0x3a: {  	_ = 	snop  }
0x3b: {  	_ = 	snop  }
0x3c: {  	p2 =	seq.s32 s10, $0x1;
	s10 =	sld [smem:$0x3FA6]  }
0x3d: {  	_ =	shalt  }
0x3e: {  	_ =	shalt  }
0x3f: {  	_ =	shalt  }
0x40: {  	_ =	shalt  }
0x41: {  	_ =	shalt  }
0x42: {  	_ =	shalt  }
0x43: {  	_ =	shalt  }
0x44: {  	_ =	shalt  }
0x45: {  	_ =	shalt  }
0x46: {  	_ =	shalt  }
0x47: {  	_ =	shalt  }
0x48: {  	_ =	shalt  }
0x49: {  	_ =	shalt  }
0x4a: {  	_ =	shalt  }
0x4b: {  	_ =	shalt  }
0x4c: {  	_ =	shalt  }
0x4d: {  	_ =	shalt  }
0x4e: {  	_ =	shalt  }
0x4f: {  	_ =	shalt  }
0x50: {  	_ =	shalt  }
0x51: {  	_ =	shalt  }
0x52: {  	_ =	shalt  }
0x53: {  	_ =	shalt  }
0x54: {  	_ =	shalt  }
0x55: {  	_ =	shalt  }
0x56: {  	_ =	shalt  }
0x57: {  	_ =	shalt  }
0x58: {  	_ =	shalt  }
0x59: {  	_ =	shalt  }
0x5a: {  	_ =	shalt  }
0x5b: {  	_ =	shalt  }
0x5c: {  	_ =	shalt  }
0x5d: {  	_ =	shalt  }
0x5e: {  	_ =	shalt  }
0x5f: {  	_ =	shalt  }
0x60: {  	_ =	shalt  }
0x61: {  	_ =	shalt  }
0x62: {  	_ =	shalt  }
0x63: {  	_ =	shalt  }
0x64: {  	_ =	shalt  }
0x65: {  	_ =	shalt  }
0x66: {  	_ =	shalt  }
0x67: {  	_ =	shalt  }
0x68: {  	_ =	shalt  }
0x69: {  	_ =	shalt  }
0x6a: {  	_ =	shalt  }
0x6b: {  	_ =	shalt  }
0x6c: {  	_ =	shalt  }
0x6d: {  	_ =	shalt  }
0x6e: {  	_ =	shalt  }
0x6f: {  	_ =	shalt  }
0x70: {  	_ =	shalt  }
0x71: {  	_ =	shalt  }
0x72: {  	_ =	shalt  }
0x73: {  	_ =	shalt  }
0x74: {  	_ =	shalt  }
0x75: {  	_ =	shalt  }
0x76: {  	_ =	shalt  }
0x77: {  	_ =	shalt  }
0x78: {  	_ =	shalt  }
0x79: {  	_ =	shalt  }
0x7a: {  	_ =	shalt  }
0x7b: {  	_ =	shalt  }
0x7c: {  	_ =	shalt  }
0x7d: {  	_ =	shalt  }
0x7e: {  	_ =	shalt  }
0x7f: {  	_ =	shalt  }
0x80: {  	_ =	shalt  }
0x81: {  	_ =	shalt  }
0x82: {  	_ =	shalt  }
0x83: {  	_ =	shalt  }
0x84: {  	_ =	shalt  }
0x85: {  	_ =	shalt  }
0x86: {  	_ =	shalt  }
0x87: {  	_ =	shalt  }
.Lfunc_end0:
.L_simem_size_0:
called_computation.2_lowered:
.L_overlay_start_0:
0x88: {  	s2 =	sld [smem:$0x3FD9]  }
0x89: {  	s3 =	sld [smem:$0x3FFE];
	_ =	sdelay $0x1  }
0x8a: {  	s1 =	srdreg.scid  }
0x8b: {  	s0 =	sand.u32 $0x1, s1  }
0x8c: {  	s16 =	sshll.u32 s0, $0xA;
	s2 =	sadd.s32 s3, s2  }
0x8d: {  	s2 =	sadd.s32 s2, s16  }
0x8e: {  	[smem:$0x3FB2] =	sst s2  }
0x8f: {  	_ = 	snop  }
0x90: {  	(tm) =	ssettm $0x1  }
0x91: {  	s17 =	sld [smem:$0x3FFB];
	_ =	sdelay $0x3  }
0x92: {  	_ =	strace s17  }
0x93: {  	s2 =	sld [smem:$0x3FFC];
	_ =	sdelay $0x3  }
0x94: {  	_ =	strace s2  }
0x95: {  	s2 =	sld [smem:$0x3FFD];
	_ =	sdelay $0x3  }
0x96: {  	_ =	strace s2  }
0x97: {  	_ =	strace $0x8FFFFFFF  }
0x98: {  	s18 =	sld [smem:$0x3FDB];
	_ =	sdelay $0x1  }
0x99: {  	s19 =	simm.s32 $_scs_section_size  }
0x9a: {  	s4 =	simm.s32 $_size__tile_overlayer_lowered;
	s5 =	simm.s32 $_tile_overlayer_lowered  }
0x9b: {  	s22 =	simm.s32 $0x1BFF;
	s21 =	sshll.u32 s5, $0x1;
	s2 =	sadd.s32 s19, s18  }
0x9c: {  	s6 =	simm.s32 $0x0;
	s20 =	sshll.u32 s4, $0x1;
	s4 =	sadd.s32 s21, s2  }
0x9d: {  	[timem:s6], [sflag:s22] =	dma.local [hbm:s4], s20  }
0x9e: {  	_ =	swait.ge [sflag:s22], s20  }
0x9f: {  	s3 =	ssub.s32 $0x0, s20;
	[sflag:s22] =	ssyncset.done $0x0  }
0xa0: {  	[sflag:s22] =	ssyncadd.s32 s3;
	_ =	sdelay $0x1  }
0xa1: {  	s23 =	simm.s32 $0x1B8B  }
0xa2: {  	_ =	swait.ge [sflag:s23], $0x1  }
0xa3: {  	[sflag:s23] =	ssyncset.done $0x0  }
0xa4: {  	s25 =	simm.s32 $0x1B8E;
	s24 =	sld [smem:$0x3FFE];
	[sflag:s23] =	ssyncadd.s32 $0xFFFFFFFF  }
0xa5: {  	s26 =	simm.s32 $execute0_lowered;
	[smem:$0x3FD2] =	sst s25  }
0xa6: {  	s4 =	sshll.u32 s26, $0x1;
	_ =	strace $0x8000004C;
	[dreg:$0x1] =	wrdreg $0xFFFFFFFF  }
0xa7: {  	s28 =	simm.s32 $_size_execute0_lowered;
	s2 =	sadd.s32 s2, s4;
	[dreg:$0x0] =	wrdreg $0x0  }
0xa8: {  	s4 =	sshll.u32 s28, $0x1;
	[dreg:$0x2] =	wrdreg s2  }
0xa9: {  	[dreg:$0x3] =	wrdreg s4  }
0xaa: {  	[dreg:$0x4] =	wrdreg $0xC0  }
0xab: {  	_ =	task [dreg:s6], $0x5FFFF  }
0xac: {  	[dreg:$0x1] =	wrdreg $0xFFFFFFFF  }
0xad: {  	[dreg:$0x0] =	wrdreg $0x60  }
0xae: {  	[dreg:$0x2] =	wrdreg s24  }
0xaf: {  	[dreg:$0x3] =	wrdreg $0x44000  }
0xb0: {  	[dreg:$0x4] =	wrdreg $0x9  }
0xb1: {  	_ =	task.clear_ibuf [dreg:s6], $0x5FFFF;
	_ =	strace $0x9000004C  }
0xb2: {  	s29 =	simm.s32 $0x9;
	_ =	strace $0x8000004E  }
0xb3: {  	_ =	swait.ge [sflag:s29], $0x1  }
0xb4: {  	[sflag:s29] =	ssyncadd.s32 $0xFFFFFFFF  }
0xb5: {  	_ =	strace $0x9000004E  }
0xb6: {  	_ =	sfence  }
0xb7: {  	s30 =	sld [smem:$0x0];
	_ =	sdelay $0x2  }
0xb8: {  	s31 =	sshll.u32 s1, $0xD;
	s1 =	sshrl.u32 s1, $0x2  }
0xb9: {  	s3 =	sand.u32 $0x4000, s31;
	s1 =	sadd.s32 s1, s30  }
0xba: {  	s0 =	sor.u32 s3, s0;
	s1 =	sshll.u32 s1, $0x11  }
0xbb: {  	s0 =	sor.u32 s1, s0  }
0xbc: {  	s0 =	sadd.s32 $0x8F2B, s0  }
0xbd: {  	[sflag:s0] =	ssyncadd.remote.s32 $0x1  }
0xbe: {  	_ =	sfence.sel $0xFFFF  }
0xbf: {  	[dreg:$0x0] =	wrdreg $0xFFFFFFFF;
	(pc) =	sbr.abs _section_cstart, $3  }
0xc0: {  	[dreg:$0x1] =	wrdreg $0xFFFFFFFF  }
0xc1: {  	_ =	task.clear_ibuf [dreg:s6], $0x2FFFF;
	_ =	strace $0x9FFFFFFF  }
0xc2: {  	(tm) =	ssettm $0x7FFFFFFF  }
0xc3: {  	_ =	shalt  }
tec
execute0_lowered:
.L_overlay_start_1:
0x0: {  	(tag) =	ssettag $0x1  }
0x1: {  	s7 =	rddreg [dreg:$0x0]  }
0x2: {  	s2 =	rddreg [dreg:$0x1]  }
0x3: {  	s0 =	rddreg [dreg:$0x2];
	s1 =	stileid.u32  }
0x4: {  	s3 =	simm.s32 $0x0;
	s5 =	srdreg.scid;
	s13 =	simm.s32 $0x38600  }
0x5: {  	s16 =	simm.s32 $0x200;
	s17 =	simm.s32 $0x280;
	s4 =	smul.u32 $0x28000, s1  }
0x6: {  	s18 =	simm.s32 $0x300;
	s19 =	simm.s32 $0x380;
	s6 =	smul.u32 $0x500, s1  }
0x7: {  	s20 =	simm.s32 $0x0;
	[smem:$0x7FF] =	sst s3;
	s9 =	smul.u32 $0x50000, s1  }
0x8: {  	s8 =	sand.u32 $0x1, s5;
	s28 =	sshll.u32 s1, $0x6;
	s29 =	smul.u32 $0x2800, s1  }
0x9: {  	_ =	strace $0x8000004D;
	s5 =	ssub.s32 $0x2, s8;
	s14 =	smul.u32 $0x14000, s8  }
0xa: {  	p0 =	seq.s32 s8, $0x1;
	s15 =	smul.u32 $0x280, s8;
	s10 =	sadd.s32 s4, s7  }
0xb: {  	s11 =	sadd.s32 s6, s7;
	s25 =	sshrl.u32 s5, $0x1;
	s4 =	sadd.s32 $0x6600, s7  }
0xc: {  	s26 =	sshrl.u32 s9, $0x2;
	s13 =	simm.s32 @!p0 $0x10600;
	s6 =	ssub.s32 s5, s25  }
0xd: {  	s12 =	sadd.s32 s26, s2;
	s5 =	sor.u32 $0x1C01, s28;
	s7 =	sadd.s32 s13, s7  }
0xe: {  	s30 =	sadd.s32 s14, s10;
	s31 =	sadd.s32 s15, s11;
	s11 =	simm.s32 $0x1  }
0xf: {  	s13 =	simm.s32 $0x80;
	s14 =	simm.s32 $0x100;
	s15 =	simm.s32 $0x180  }
0x10: {  	s6 =	smax.u32 s6, $0x1;
	s7 =	sadd.s32 s7, s29;
	s8 =	sadd.s32 $0xA24600, s30  }
0x11: {  	s9 =	sadd.s32 $0xB600, s31;
	s10 =	sshrl.u32 s12, $0x3;
	s12 =	simm.s32 $0x400  }
.LBB2_1:
0x12: {  	[spmem:s10], [sflag:s5] =	dma.local [hbm:s4], $0x2800  }
0x13: {  	_ =	swait.ge [sflag:s11], $0x2800  }
0x14: {  	[sflag:s11] =	ssyncset.done $0x0  }
0x15: {  	[sflag:s11] =	ssyncadd.s32 $0xFFFFD800  }
0x16: {  	[bflag:$0x0] =	sbarrier.arrive $0xFFFF  }
0x17: {  	[tilespmem:s3], [sflag:$0x1] =	stream.linear.gather [hbm4b:s9+s3], $0x400, $0x38;
	[tilespmem:$0x18400] =	vst v63  }
0x18: {  	_ =	swait.ge [sflag:s11], $0x400  }
0x19: {  	[sflag:s11] =	ssyncset.done $0x0  }
0x1a: {  	s21 =	sadd.s32 $0x0, s8;
	[sflag:s11] =	ssyncadd.s32 $0xFFFFFC00  }
0x1b: {  	[tilespmem:s12], [sflag:$0x1] =	stream.linear.gather [hbm4b:s21+s3], $0x4000, $0x38;
	[tilespmem:$0x18400] =	vst v63  }
0x1c: {  	_ =	swait.ge [sflag:s11], $0x4000  }
0x1d: {  	[sflag:s11] =	ssyncset.done $0x0  }
0x1e: {  	[sflag:s11] =	ssyncadd.s32 $0xFFFFC000  }
0x1f: {  	[spmem:s2] =	stream.indirect.scatter.add.f32 [tilespmem:s12], [sflag:$0x1], $0x80, s3, s13, $0xb8;
	[tilespmem:$0x18400] =	vst v63  }
0x20: {  	_ =	swait.ge [sflag:s11], $0x4000  }
0x21: {  	[sflag:s11] =	ssyncset.done $0x0  }
0x22: {  	s22 =	sadd.s32 $0x800, s21;
	[sflag:s11] =	ssyncadd.s32 $0xFFFFC000  }
0x23: {  	[tilespmem:s12], [sflag:$0x1] =	stream.linear.gather [hbm4b:s22+s3], $0x4000, $0x38;
	[tilespmem:$0x18400] =	vst v63  }
0x24: {  	_ =	swait.ge [sflag:s11], $0x4000  }
0x25: {  	[sflag:s11] =	ssyncset.done $0x0  }
0x26: {  	[sflag:s11] =	ssyncadd.s32 $0xFFFFC000  }
0x27: {  	[spmem:s2] =	stream.indirect.scatter.add.f32 [tilespmem:s12], [sflag:$0x1], $0x80, s13, s13, $0xb8;
	[tilespmem:$0x18400] =	vst v63  }
0x28: {  	_ =	swait.ge [sflag:s11], $0x4000  }
0x29: {  	[sflag:s11] =	ssyncset.done $0x0  }
0x2a: {  	s26 =	sadd.s32 $0x1000, s21;
	[sflag:s11] =	ssyncadd.s32 $0xFFFFC000  }
0x2b: {  	[tilespmem:s12], [sflag:$0x1] =	stream.linear.gather [hbm4b:s26+s3], $0x4000, $0x38;
	[tilespmem:$0x18400] =	vst v63  }
0x2c: {  	_ =	swait.ge [sflag:s11], $0x4000  }
0x2d: {  	[sflag:s11] =	ssyncset.done $0x0  }
0x2e: {  	[sflag:s11] =	ssyncadd.s32 $0xFFFFC000  }
0x2f: {  	[spmem:s2] =	stream.indirect.scatter.add.f32 [tilespmem:s12], [sflag:$0x1], $0x80, s14, s13, $0xb8;
	[tilespmem:$0x18400] =	vst v63  }
0x30: {  	_ =	swait.ge [sflag:s11], $0x4000  }
0x31: {  	[sflag:s11] =	ssyncset.done $0x0  }
0x32: {  	s28 =	sadd.s32 $0x1800, s21;
	[sflag:s11] =	ssyncadd.s32 $0xFFFFC000  }
0x33: {  	[tilespmem:s12], [sflag:$0x1] =	stream.linear.gather [hbm4b:s28+s3], $0x4000, $0x38;
	[tilespmem:$0x18400] =	vst v63  }
0x34: {  	_ =	swait.ge [sflag:s11], $0x4000  }
0x35: {  	[sflag:s11] =	ssyncset.done $0x0  }
0x36: {  	[sflag:s11] =	ssyncadd.s32 $0xFFFFC000  }
0x37: {  	[spmem:s2] =	stream.indirect.scatter.add.f32 [tilespmem:s12], [sflag:$0x1], $0x80, s15, s13, $0xb8;
	[tilespmem:$0x18400] =	vst v63  }
0x38: {  	_ =	swait.ge [sflag:s11], $0x4000  }
0x39: {  	[sflag:s11] =	ssyncset.done $0x0  }
0x3a: {  	s29 =	sadd.s32 $0x2000, s21;
	[sflag:s11] =	ssyncadd.s32 $0xFFFFC000  }
0x3b: {  	[tilespmem:s12], [sflag:$0x1] =	stream.linear.gather [hbm4b:s29+s3], $0x4000, $0x38;
	[tilespmem:$0x18400] =	vst v63  }
0x3c: {  	_ =	swait.ge [sflag:s11], $0x4000  }
0x3d: {  	[sflag:s11] =	ssyncset.done $0x0  }
0x3e: {  	[sflag:s11] =	ssyncadd.s32 $0xFFFFC000  }
0x3f: {  	[spmem:s2] =	stream.indirect.scatter.add.f32 [tilespmem:s12], [sflag:$0x1], $0x80, s16, s13, $0xb8;
	[tilespmem:$0x18400] =	vst v63  }
0x40: {  	_ =	swait.ge [sflag:s11], $0x4000  }
0x41: {  	[sflag:s11] =	ssyncset.done $0x0  }
0x42: {  	s30 =	sadd.s32 $0x2800, s21;
	[sflag:s11] =	ssyncadd.s32 $0xFFFFC000  }
0x43: {  	[tilespmem:s12], [sflag:$0x1] =	stream.linear.gather [hbm4b:s30+s3], $0x4000, $0x38;
	[tilespmem:$0x18400] =	vst v63  }
0x44: {  	_ =	swait.ge [sflag:s11], $0x4000  }
0x45: {  	[sflag:s11] =	ssyncset.done $0x0  }
0x46: {  	[sflag:s11] =	ssyncadd.s32 $0xFFFFC000  }
0x47: {  	[spmem:s2] =	stream.indirect.scatter.add.f32 [tilespmem:s12], [sflag:$0x1], $0x80, s17, s13, $0xb8;
	[tilespmem:$0x18400] =	vst v63  }
0x48: {  	_ =	swait.ge [sflag:s11], $0x4000  }
0x49: {  	[sflag:s11] =	ssyncset.done $0x0  }
0x4a: {  	s31 =	sadd.s32 $0x3000, s21;
	[sflag:s11] =	ssyncadd.s32 $0xFFFFC000  }
0x4b: {  	[tilespmem:s12], [sflag:$0x1] =	stream.linear.gather [hbm4b:s31+s3], $0x4000, $0x38;
	[tilespmem:$0x18400] =	vst v63  }
0x4c: {  	_ =	swait.ge [sflag:s11], $0x4000  }
0x4d: {  	[sflag:s11] =	ssyncset.done $0x0  }
0x4e: {  	[sflag:s11] =	ssyncadd.s32 $0xFFFFC000  }
0x4f: {  	[spmem:s2] =	stream.indirect.scatter.add.f32 [tilespmem:s12], [sflag:$0x1], $0x80, s18, s13, $0xb8;
	[tilespmem:$0x18400] =	vst v63  }
0x50: {  	_ =	swait.ge [sflag:s11], $0x4000  }
0x51: {  	[sflag:s11] =	ssyncset.done $0x0  }
0x52: {  	s21 =	sadd.s32 $0x3800, s21;
	[sflag:s11] =	ssyncadd.s32 $0xFFFFC000  }
0x53: {  	[tilespmem:s12], [sflag:$0x1] =	stream.linear.gather [hbm4b:s21+s3], $0x4000, $0x38;
	[tilespmem:$0x18400] =	vst v63  }
0x54: {  	_ =	swait.ge [sflag:s11], $0x4000  }
0x55: {  	[sflag:s11] =	ssyncset.done $0x0  }
0x56: {  	[sflag:s11] =	ssyncadd.s32 $0xFFFFC000  }
0x57: {  	[spmem:s2] =	stream.indirect.scatter.add.f32 [tilespmem:s12], [sflag:$0x1], $0x80, s19, s13, $0xb8;
	[tilespmem:$0x18400] =	vst v63  }
0x58: {  	_ =	swait.ge [sflag:s11], $0x4000  }
0x59: {  	s22 =	smov.u32 s9;
	s21 =	simm.s32 $0x4000;
	[sflag:s11] =	ssyncset.done $0x0  }
.LBB2_2:
0x5a: {  	p0 =	sne.s32 s21, $0x10000;
	[sflag:s11] =	ssyncadd.s32 $0xFFFFC000;
	s22 =	sadd.s32 $0x80, s22  }
0x5b: {  	[tilespmem:s3], [sflag:$0x1] =	stream.linear.gather [hbm4b:s22+s3], $0x400, $0x38;
	[tilespmem:$0x18400] =	vst v63  }
0x5c: {  	s23 =	smov.u32 s21;
	s21 =	sadd.s32 $0x4000, s21;
	_ =	swait.ge [sflag:s11], $0x400  }
0x5d: {  	[sflag:s11] =	ssyncset.done $0x0  }
0x5e: {  	s23 =	sadd.s32 s23, s8;
	[sflag:s11] =	ssyncadd.s32 $0xFFFFFC00  }
0x5f: {  	[tilespmem:s12], [sflag:$0x1] =	stream.linear.gather [hbm4b:s23+s3], $0x4000, $0x38;
	[tilespmem:$0x18400] =	vst v63  }
0x60: {  	_ =	swait.ge [sflag:s11], $0x4000  }
0x61: {  	[sflag:s11] =	ssyncset.done $0x0  }
0x62: {  	[sflag:s11] =	ssyncadd.s32 $0xFFFFC000  }
0x63: {  	[spmem:s2] =	stream.indirect.scatter.add.f32 [tilespmem:s12], [sflag:$0x1], $0x80, s3, s13, $0xb8;
	[tilespmem:$0x18400] =	vst v63  }
0x64: {  	_ =	swait.ge [sflag:s11], $0x4000  }
0x65: {  	[sflag:s11] =	ssyncset.done $0x0  }
0x66: {  	s24 =	sadd.s32 $0x800, s23;
	[sflag:s11] =	ssyncadd.s32 $0xFFFFC000  }
0x67: {  	[tilespmem:s12], [sflag:$0x1] =	stream.linear.gather [hbm4b:s24+s3], $0x4000, $0x38;
	[tilespmem:$0x18400] =	vst v63  }
0x68: {  	_ =	swait.ge [sflag:s11], $0x4000  }
0x69: {  	[sflag:s11] =	ssyncset.done $0x0  }
0x6a: {  	[sflag:s11] =	ssyncadd.s32 $0xFFFFC000  }
0x6b: {  	[spmem:s2] =	stream.indirect.scatter.add.f32 [tilespmem:s12], [sflag:$0x1], $0x80, s13, s13, $0xb8;
	[tilespmem:$0x18400] =	vst v63  }
0x6c: {  	_ =	swait.ge [sflag:s11], $0x4000  }
0x6d: {  	[sflag:s11] =	ssyncset.done $0x0  }
0x6e: {  	s24 =	sadd.s32 $0x1000, s23;
	[sflag:s11] =	ssyncadd.s32 $0xFFFFC000  }
0x6f: {  	[tilespmem:s12], [sflag:$0x1] =	stream.linear.gather [hbm4b:s24+s3], $0x4000, $0x38;
	[tilespmem:$0x18400] =	vst v63  }
0x70: {  	_ =	swait.ge [sflag:s11], $0x4000  }
0x71: {  	[sflag:s11] =	ssyncset.done $0x0  }
0x72: {  	[sflag:s11] =	ssyncadd.s32 $0xFFFFC000  }
0x73: {  	[spmem:s2] =	stream.indirect.scatter.add.f32 [tilespmem:s12], [sflag:$0x1], $0x80, s14, s13, $0xb8;
	[tilespmem:$0x18400] =	vst v63  }
0x74: {  	_ =	swait.ge [sflag:s11], $0x4000  }
0x75: {  	[sflag:s11] =	ssyncset.done $0x0  }
0x76: {  	s24 =	sadd.s32 $0x1800, s23;
	[sflag:s11] =	ssyncadd.s32 $0xFFFFC000  }
0x77: {  	[tilespmem:s12], [sflag:$0x1] =	stream.linear.gather [hbm4b:s24+s3], $0x4000, $0x38;
	[tilespmem:$0x18400] =	vst v63  }
0x78: {  	_ =	swait.ge [sflag:s11], $0x4000  }
0x79: {  	[sflag:s11] =	ssyncset.done $0x0  }
0x7a: {  	[sflag:s11] =	ssyncadd.s32 $0xFFFFC000  }
0x7b: {  	[spmem:s2] =	stream.indirect.scatter.add.f32 [tilespmem:s12], [sflag:$0x1], $0x80, s15, s13, $0xb8;
	[tilespmem:$0x18400] =	vst v63  }
0x7c: {  	_ =	swait.ge [sflag:s11], $0x4000  }
0x7d: {  	[sflag:s11] =	ssyncset.done $0x0  }
0x7e: {  	s24 =	sadd.s32 $0x2000, s23;
	[sflag:s11] =	ssyncadd.s32 $0xFFFFC000  }
0x7f: {  	[tilespmem:s12], [sflag:$0x1] =	stream.linear.gather [hbm4b:s24+s3], $0x4000, $0x38;
	[tilespmem:$0x18400] =	vst v63  }
0x80: {  	_ =	swait.ge [sflag:s11], $0x4000  }
0x81: {  	[sflag:s11] =	ssyncset.done $0x0  }
0x82: {  	[sflag:s11] =	ssyncadd.s32 $0xFFFFC000  }
0x83: {  	[spmem:s2] =	stream.indirect.scatter.add.f32 [tilespmem:s12], [sflag:$0x1], $0x80, s16, s13, $0xb8;
	[tilespmem:$0x18400] =	vst v63  }
0x84: {  	_ =	swait.ge [sflag:s11], $0x4000  }
0x85: {  	[sflag:s11] =	ssyncset.done $0x0  }
0x86: {  	s24 =	sadd.s32 $0x2800, s23;
	[sflag:s11] =	ssyncadd.s32 $0xFFFFC000  }
0x87: {  	[tilespmem:s12], [sflag:$0x1] =	stream.linear.gather [hbm4b:s24+s3], $0x4000, $0x38;
	[tilespmem:$0x18400] =	vst v63  }
0x88: {  	_ =	swait.ge [sflag:s11], $0x4000  }
0x89: {  	[sflag:s11] =	ssyncset.done $0x0  }
0x8a: {  	[sflag:s11] =	ssyncadd.s32 $0xFFFFC000  }
0x8b: {  	[spmem:s2] =	stream.indirect.scatter.add.f32 [tilespmem:s12], [sflag:$0x1], $0x80, s17, s13, $0xb8;
	[tilespmem:$0x18400] =	vst v63  }
0x8c: {  	_ =	swait.ge [sflag:s11], $0x4000  }
0x8d: {  	[sflag:s11] =	ssyncset.done $0x0  }
0x8e: {  	s24 =	sadd.s32 $0x3000, s23;
	[sflag:s11] =	ssyncadd.s32 $0xFFFFC000  }
0x8f: {  	[tilespmem:s12], [sflag:$0x1] =	stream.linear.gather [hbm4b:s24+s3], $0x4000, $0x38;
	[tilespmem:$0x18400] =	vst v63  }
0x90: {  	_ =	swait.ge [sflag:s11], $0x4000  }
0x91: {  	[sflag:s11] =	ssyncset.done $0x0  }
0x92: {  	[sflag:s11] =	ssyncadd.s32 $0xFFFFC000  }
0x93: {  	[spmem:s2] =	stream.indirect.scatter.add.f32 [tilespmem:s12], [sflag:$0x1], $0x80, s18, s13, $0xb8;
	[tilespmem:$0x18400] =	vst v63  }
0x94: {  	_ =	swait.ge [sflag:s11], $0x4000  }
0x95: {  	[sflag:s11] =	ssyncset.done $0x0  }
0x96: {  	s23 =	sadd.s32 $0x3800, s23;
	[sflag:s11] =	ssyncadd.s32 $0xFFFFC000  }
0x97: {  	[tilespmem:s12], [sflag:$0x1] =	stream.linear.gather [hbm4b:s23+s3], $0x4000, $0x38;
	[tilespmem:$0x18400] =	vst v63  }
0x98: {  	_ =	swait.ge [sflag:s11], $0x4000  }
.Ltmp0:
0x99: {  	[sflag:s11] =	ssyncset.done $0x0;
	(pc) =	sbr.rel @p0 .LBB2_2-.Ltmp0, $4  }
0x9a: {  	[sflag:s11] =	ssyncadd.s32 $0xFFFFC000  }
0x9b: {  	[spmem:s2] =	stream.indirect.scatter.add.f32 [tilespmem:s12], [sflag:$0x1], $0x80, s19, s13, $0xb8;
	[tilespmem:$0x18400] =	vst v63  }
0x9c: {  	_ =	swait.ge [sflag:s11], $0x4000  }
0x9d: {  	[sflag:s11] =	ssyncset.done $0x0  }
0x9e: {  	s20 =	sadd.s32 $0x1, s20  }
0x9f: {  	[sflag:s11] =	ssyncadd.s32 $0xFFFFC000;
	p0 =	sne.s32 s20, s6  }
.Ltmp1:
0xa0: {  	[bflag:$0x0] =	sbarrier.arrive $0xFFFF;
	(pc) =	sbr.rel @p0 .LBB2_1-.Ltmp1, $4  }
0xa1: {  	[hbm:s7], [sflag:s5] =	dma.local [spmem:s10], $0x2800  }
0xa2: {  	_ =	swait.ge [sflag:s11], $0x2800  }
0xa3: {  	[sflag:s11] =	ssyncset.done $0x0  }
0xa4: {  	[sflag:s11] =	ssyncadd.s32 $0xFFFFD800  }
0xa5: {  	_ =	sfence.sel $0x180000  }
0xa6: {  	[bflag:$0x0] =	sbarrier.arrive $0xFFFF  }
0xa7: {  	p0 =	sne.s32 s1, $0x0;
	_ =	strace $0x9000004D  }
0xa8: {  	s0 =	sadd.s32 @!p0 $0x100000, s0;
	[bflag:$0x2] =	sbarrier.arrive $0xFFFF  }
0xa9: {  	[sflag:s0] =	ssyncadd.tile.s32 @!p0 $0x1;
	_ =	shalt  }
.Lfunc_end2:
_tile_overlayer_lowered:
.L_overlay_start_2:
0xaa: {  	(tag) =	ssettag $0x2  }
0xab: {  	s0 =	rddreg [dreg:$0x0];
	s2 =	stileid.u32  }
0xac: {  	s1 =	rddreg [dreg:$0x1];
	p0 =	sne.s32 s2, $0x0  }
0xad: {  	s3 =	rddreg [dreg:$0x2];
	[bflag:$0x3] =	sbarrier.arrive $0xFFFF;
	s2 =	simm.s32 @!p0 $0x1C01  }
0xae: {  	[timem:s3], [sflag:s2] =	dma.local @!p0 [hbm:s0], s1  }
0xaf: {  	s0 =	simm.s32 @!p0 $0x1  }
0xb0: {  	_ =	swait.ge @!p0 [sflag:s0], s1  }
0xb1: {  	s1 =	ssub.s32 @!p0 $0x0, s1;
	[sflag:s0] =	ssyncset.done @!p0 $0x0  }
0xb2: {  	[sflag:s0] =	ssyncadd.s32 @!p0 s1  }
0xb3: {  	[bflag:$0x3] =	sbarrier.arrive $0xFFFF  }
0xb4: {  	_ =	shalt  }

// kernel: kernel.18.cloned.1.call-start
scs
__scs_entry_jumppad:
0x0: {  	(pc) =	sbr.rel $0x88, $3  }
0x1: {  	(tag) =	ssettag $0x0;
	lr =	simm.s32 $0x1  }
0x2: {  	[smem:$0x3F8B] =	sst lr;
	_ =	strace $0xD0000000  }
0x3: {  	_ = 	snop  }
0x4: {  	_ = 	snop  }
0x5: {  	_ = 	snop  }
0x6: {  	_ = 	snop  }
0x7: {  	_ = 	snop  }
__scs_overlays_trampoline_lowered:
0x8: {  	[smem:$0x3F9A] =	sst s0  }
0x9: {  	[smem:$0x3F9B] =	sst s1  }
0xa: {  	[smem:$0x3F9C] =	sst s2  }
0xb: {  	[smem:$0x3F9D] =	sst s3  }
0xc: {  	[smem:$0x3F9E] =	sst s4  }
0xd: {  	[smem:$0x3F9F] =	sst s5  }
0xe: {  	[smem:$0x3FA0] =	sst s6  }
0xf: {  	[smem:$0x3FA1] =	sst s7  }
0x10: {  	[smem:$0x3FA2] =	sst s8  }
0x11: {  	[smem:$0x3FA3] =	sst s9;
	s0 =	simm.s32 @!p0 $0x0  }
0x12: {  	s1 =	sld [smem:$0x3F89];
	s0 =	simm.s32 @p0 $0x1  }
0x13: {  	[smem:$0x3FA4] =	sst s0;
	s0 =	simm.s32 @!p1 $0x0  }
0x14: {  	s2 =	sld [smem:$0x3F88];
	s0 =	simm.s32 @p1 $0x1  }
0x15: {  	[smem:$0x3FA5] =	sst s0;
	s0 =	simm.s32 @!p2 $0x0  }
0x16: {  	s3 =	sld [smem:$0x3FDB];
	s0 =	simm.s32 @p2 $0x1  }
0x17: {  	s4 =	simm.s32 $0x1BF5;
	[smem:$0x3FA7] =	sst s0  }
0x18: {  	s0 =	sld [smem:$0x3F8A];
	_ =	swait.ge [sflag:s4], $0x0  }
0x19: {  	s7 =	sld [smem:$0x3F8B]  }
0x1a: {  	s8 =	sadd.s32 $0xFFFFE003, lr  }
0x1b: {  	s9 =	sadd.s32 $0xFFFFFEF7, lr;
	s5 =	simm.s32 $0xFFFFFFFF;
	p2 =	slt.u32 s8, $0xFFFFF086  }
0x1c: {  	p1 =	slt.u32 s9, $0xF7A;
	s5 =	simm.s32 @!p2 $0x0  }
0x1d: {  	s5 =	simm.s32 @p1 $0x1;
	p0 =	seq.s32 s7, s2  }
0x1e: {  	s7 =	smul.u32 @!p0 $0xF7A, s2;
	p2 =	seq.s32 @!p0 s5, $0x0  }
0x1f: {  	s9 =	smul.u32 $0xF7A, s1;
	s8 =	simm.s32 @!p0 $0x1BF5;
	p2 =	por !p2, p0  }
0x20: {  	[sflag:s8] =	ssyncset.s32 @!p0 $0xFFFFF086;
	s6 =	sadd.s32 @!p0 s3, s7;
	s7 =	simm.s32 @!p0 $0x108  }
0x21: {  	s3 =	sadd.s32 s3, s9;
	s6 =	sadd.s32 @!p0 $0x88, s6;
	s7 =	simm.s32 @p2 $0x1082  }
0x22: {  	[simem:s7], [sflag:s8] =	dma.local @!p0 [hbm:s6], $0xF7A  }
0x23: {  	s9 =	sor.u32 $0xD0000000, s2;
	s6 =	simm.s32 $0x108;
	_ =	swait.ge @!p0 [sflag:s8], $0x0  }
0x24: {  	s3 =	sadd.s32 $0x88, s3;
	s6 =	simm.s32 @!p1 $0x1082;
	[sflag:s4] =	ssyncset.s32 $0xFFFFF086  }
0x25: {  	[simem:s6], [sflag:s4] =	dma.local [hbm:s3], $0xF7A  }
0x26: {  	[smem:$0x3F8B] =	sst s1;
	(tag) =	ssettag s2;
	_ =	strace s9  }
0x27: {  	s1 =	sld [smem:$0x3F9B]  }
0x28: {  	s2 =	sld [smem:$0x3F9C]  }
0x29: {  	s4 =	sld [smem:$0x3F9E]  }
0x2a: {  	p0 =	seq.s32 s5, $0x0;
	s5 =	sld [smem:$0x3F9F]  }
0x2b: {  	s6 =	sld [smem:$0x3FA0]  }
0x2c: {  	s7 =	sld [smem:$0x3FA1]  }
0x2d: {  	s3 =	simm.s32 $0x108;
	s8 =	sld [smem:$0x3FA2]  }
0x2e: {  	s3 =	simm.s32 @!p0 $0x1082;
	s9 =	sld [smem:$0x3FA3]  }
0x2f: {  	lr =	sadd.s32 s0, s3;
	s0 =	sld [smem:$0x3F9A]  }
0x30: {  	s3 =	sld [smem:$0x3F9D]  }
0x31: {  	[smem:$0x3FA6] =	sst s10  }
0x32: {  	s10 =	sld [smem:$0x3FA4];
	_ =	sdelay $0x3  }
0x33: {  	p0 =	seq.s32 s10, $0x1;
	s10 =	sld [smem:$0x3FA6];
	_ =	sdelay $0x3  }
0x34: {  	[smem:$0x3FA6] =	sst s10  }
0x35: {  	s10 =	sld [smem:$0x3FA5];
	_ =	sdelay $0x3  }
0x36: {  	p1 =	seq.s32 s10, $0x1;
	s10 =	sld [smem:$0x3FA6];
	_ =	sdelay $0x3  }
0x37: {  	[smem:$0x3FA6] =	sst s10  }
0x38: {  	s10 =	sld [smem:$0x3FA7]  }
0x39: {  	_ = 	snop;
	(pc) =	sbr.ind lr, $3  }
0x3a: {  	_ = 	snop  }
0x3b: {  	_ = 	snop  }
0x3c: {  	p2 =	seq.s32 s10, $0x1;
	s10 =	sld [smem:$0x3FA6]  }
0x3d: {  	_ =	shalt  }
0x3e: {  	_ =	shalt  }
0x3f: {  	_ =	shalt  }
0x40: {  	_ =	shalt  }
0x41: {  	_ =	shalt  }
0x42: {  	_ =	shalt  }
0x43: {  	_ =	shalt  }
0x44: {  	_ =	shalt  }
0x45: {  	_ =	shalt  }
0x46: {  	_ =	shalt  }
0x47: {  	_ =	shalt  }
0x48: {  	_ =	shalt  }
0x49: {  	_ =	shalt  }
0x4a: {  	_ =	shalt  }
0x4b: {  	_ =	shalt  }
0x4c: {  	_ =	shalt  }
0x4d: {  	_ =	shalt  }
0x4e: {  	_ =	shalt  }
0x4f: {  	_ =	shalt  }
0x50: {  	_ =	shalt  }
0x51: {  	_ =	shalt  }
0x52: {  	_ =	shalt  }
0x53: {  	_ =	shalt  }
0x54: {  	_ =	shalt  }
0x55: {  	_ =	shalt  }
0x56: {  	_ =	shalt  }
0x57: {  	_ =	shalt  }
0x58: {  	_ =	shalt  }
0x59: {  	_ =	shalt  }
0x5a: {  	_ =	shalt  }
0x5b: {  	_ =	shalt  }
0x5c: {  	_ =	shalt  }
0x5d: {  	_ =	shalt  }
0x5e: {  	_ =	shalt  }
0x5f: {  	_ =	shalt  }
0x60: {  	_ =	shalt  }
0x61: {  	_ =	shalt  }
0x62: {  	_ =	shalt  }
0x63: {  	_ =	shalt  }
0x64: {  	_ =	shalt  }
0x65: {  	_ =	shalt  }
0x66: {  	_ =	shalt  }
0x67: {  	_ =	shalt  }
0x68: {  	_ =	shalt  }
0x69: {  	_ =	shalt  }
0x6a: {  	_ =	shalt  }
0x6b: {  	_ =	shalt  }
0x6c: {  	_ =	shalt  }
0x6d: {  	_ =	shalt  }
0x6e: {  	_ =	shalt  }
0x6f: {  	_ =	shalt  }
0x70: {  	_ =	shalt  }
0x71: {  	_ =	shalt  }
0x72: {  	_ =	shalt  }
0x73: {  	_ =	shalt  }
0x74: {  	_ =	shalt  }
0x75: {  	_ =	shalt  }
0x76: {  	_ =	shalt  }
0x77: {  	_ =	shalt  }
0x78: {  	_ =	shalt  }
0x79: {  	_ =	shalt  }
0x7a: {  	_ =	shalt  }
0x7b: {  	_ =	shalt  }
0x7c: {  	_ =	shalt  }
0x7d: {  	_ =	shalt  }
0x7e: {  	_ =	shalt  }
0x7f: {  	_ =	shalt  }
0x80: {  	_ =	shalt  }
0x81: {  	_ =	shalt  }
0x82: {  	_ =	shalt  }
0x83: {  	_ =	shalt  }
0x84: {  	_ =	shalt  }
0x85: {  	_ =	shalt  }
0x86: {  	_ =	shalt  }
0x87: {  	_ =	shalt  }
.Lfunc_end0:
.L_simem_size_0:
called_computation.3_lowered:
.L_overlay_start_0:
0x88: {  	s2 =	sld [smem:$0x3FD9]  }
0x89: {  	s3 =	sld [smem:$0x3FFE];
	_ =	sdelay $0x1  }
0x8a: {  	s1 =	srdreg.scid  }
0x8b: {  	s0 =	sand.u32 $0x1, s1  }
0x8c: {  	s17 =	sshll.u32 s0, $0xA;
	s2 =	sadd.s32 s3, s2  }
0x8d: {  	s2 =	sadd.s32 s2, s17  }
0x8e: {  	[smem:$0x3FB2] =	sst s2  }
0x8f: {  	_ = 	snop  }
0x90: {  	(tm) =	ssettm $0x1  }
0x91: {  	s18 =	sld [smem:$0x3FFB];
	_ =	sdelay $0x3  }
0x92: {  	_ =	strace s18  }
0x93: {  	s2 =	sld [smem:$0x3FFC];
	_ =	sdelay $0x3  }
0x94: {  	_ =	strace s2  }
0x95: {  	s2 =	sld [smem:$0x3FFD];
	_ =	sdelay $0x3  }
0x96: {  	_ =	strace s2  }
0x97: {  	_ =	strace $0x8FFFFFFF  }
0x98: {  	s19 =	sld [smem:$0x3FDB];
	_ =	sdelay $0x1  }
0x99: {  	s20 =	simm.s32 $_scs_section_size  }
0x9a: {  	s4 =	simm.s32 $_size__tile_overlayer_lowered;
	s5 =	simm.s32 $_tile_overlayer_lowered  }
0x9b: {  	s6 =	simm.s32 $0x1BFF;
	s21 =	sshll.u32 s5, $0x1;
	s3 =	sadd.s32 s20, s19  }
0x9c: {  	s22 =	simm.s32 $0x0;
	s4 =	sshll.u32 s4, $0x1;
	s5 =	sadd.s32 s21, s3  }
0x9d: {  	[timem:s22], [sflag:s6] =	dma.local [hbm:s5], s4  }
0x9e: {  	_ =	swait.ge [sflag:s6], s4  }
0x9f: {  	s4 =	ssub.s32 $0x0, s4;
	[sflag:s6] =	ssyncset.done $0x0  }
0xa0: {  	[sflag:s6] =	ssyncadd.s32 s4;
	_ =	sdelay $0x1  }
0xa1: {  	s23 =	simm.s32 $0x1B8B  }
0xa2: {  	_ =	swait.ge [sflag:s23], $0x1  }
0xa3: {  	[sflag:s23] =	ssyncset.done $0x0  }
0xa4: {  	[sflag:s23] =	ssyncadd.s32 $0xFFFFFFFF  }
0xa5: {  	s4 =	sld [smem:$0x0]  }
0xa6: {  	s5 =	sand.u32 $0xFFFFFFFE, s1  }
0xa7: {  	p0 =	sne.s32 s1, s5  }
0xa8: {  	s5 =	sshll.u32 @p0 s5, $0xE  }
0xa9: {  	s5 =	sadd.s32 @p0 $0x11B8D, s5;
	s6 =	sshll.u32 @p0 s4, $0x11  }
0xaa: {  	s5 =	sor.u32 @p0 s6, s5  }
0xab: {  	[sflag:s5] =	ssyncadd.remote.s32 @p0 $0x1;
	_ =	sdelay $0x1  }
0xac: {  	s5 =	simm.s32 @p0 $0x1B8D  }
0xad: {  	_ =	swait.eq @p0 [sflag:s5], $0x1  }
0xae: {  	[sflag:s5] =	ssyncadd.s32 @p0 $0xFFFFFFFF  }
0xaf: {  	s6 =	sshll.u32 @!p0 s1, $0xE  }
0xb0: {  	s6 =	sor.u32 @!p0 $0x4000, s6;
	s5 =	simm.s32 @!p0 $0x1B8D  }
0xb1: {  	s4 =	sshll.u32 @!p0 s4, $0x11;
	s6 =	sadd.s32 @!p0 $0x11B8D, s6;
	_ =	swait.eq @!p0 [sflag:s5], $0x1  }
0xb2: {  	s4 =	sor.u32 @!p0 s4, s6;
	[sflag:s5] =	ssyncadd.s32 @!p0 $0xFFFFFFFF  }
0xb3: {  	s25 =	simm.s32 $0x1B8E;
	s24 =	sld [smem:$0x3FFE];
	[sflag:s4] =	ssyncadd.remote.s32 @!p0 $0x1  }
0xb4: {  	s26 =	simm.s32 $execute0_lowered;
	[smem:$0x3FD2] =	sst s25  }
0xb5: {  	s5 =	sshll.u32 s26, $0x1;
	_ =	strace $0x8000004F;
	[dreg:$0x1] =	wrdreg $0xFFFFFFFF  }
0xb6: {  	s28 =	simm.s32 $_size_execute0_lowered;
	s3 =	sadd.s32 s3, s5;
	[dreg:$0x0] =	wrdreg $0x0  }
0xb7: {  	s5 =	sshll.u32 s28, $0x1;
	[dreg:$0x2] =	wrdreg s3  }
0xb8: {  	[dreg:$0x3] =	wrdreg s5  }
0xb9: {  	[dreg:$0x4] =	wrdreg $0xC0  }
0xba: {  	_ =	task [dreg:s22], $0x5FFFF  }
0xbb: {  	[dreg:$0x1] =	wrdreg $0xFFFFFFFF  }
0xbc: {  	[dreg:$0x0] =	wrdreg $0x60  }
0xbd: {  	[dreg:$0x2] =	wrdreg s24  }
0xbe: {  	[dreg:$0x3] =	wrdreg $0x44000  }
0xbf: {  	[dreg:$0x4] =	wrdreg $0xA  }
0xc0: {  	_ =	task.clear_ibuf [dreg:s22], $0x5FFFF;
	_ =	strace $0x9000004F  }
0xc1: {  	s29 =	simm.s32 $0xA;
	_ =	strace $0x80000051  }
0xc2: {  	_ =	swait.ge [sflag:s29], $0x1  }
0xc3: {  	[sflag:s29] =	ssyncadd.s32 $0xFFFFFFFF  }
0xc4: {  	_ =	strace $0x90000051  }
0xc5: {  	_ =	sfence  }
0xc6: {  	s30 =	sld [smem:$0x0];
	_ =	sdelay $0x2  }
0xc7: {  	s31 =	sshll.u32 s1, $0xD;
	s1 =	sshrl.u32 s1, $0x2  }
0xc8: {  	s4 =	sand.u32 $0x4000, s31;
	s1 =	sadd.s32 s1, s30  }
0xc9: {  	s0 =	sor.u32 s4, s0;
	s1 =	sshll.u32 s1, $0x11  }
0xca: {  	s0 =	sor.u32 s1, s0  }
0xcb: {  	s0 =	sadd.s32 $0x8F2B, s0  }
0xcc: {  	[sflag:s0] =	ssyncadd.remote.s32 $0x1  }
0xcd: {  	_ =	sfence.sel $0xFFFF  }
0xce: {  	[dreg:$0x0] =	wrdreg $0xFFFFFFFF;
	(pc) =	sbr.abs _section_cstart, $3  }
0xcf: {  	[dreg:$0x1] =	wrdreg $0xFFFFFFFF  }
0xd0: {  	_ =	task.clear_ibuf [dreg:s22], $0x2FFFF;
	_ =	strace $0x9FFFFFFF  }
0xd1: {  	(tm) =	ssettm $0x7FFFFFFF  }
tec
execute0_lowered:
.L_overlay_start_1:
0x0: {  	(tag) =	ssettag $0x1  }
0x1: {  	s7 =	rddreg [dreg:$0x0]  }
0x2: {  	s2 =	rddreg [dreg:$0x1]  }
0x3: {  	s0 =	rddreg [dreg:$0x2];
	s1 =	stileid.u32  }
0x4: {  	s3 =	simm.s32 $0x0;
	s5 =	srdreg.scid;
	s13 =	simm.s32 $0x88600  }
0x5: {  	s16 =	simm.s32 $0x200;
	s17 =	simm.s32 $0x280;
	s4 =	smul.u32 $0x28000, s1  }
0x6: {  	s18 =	simm.s32 $0x300;
	s19 =	simm.s32 $0x380;
	s6 =	smul.u32 $0x500, s1  }
0x7: {  	s20 =	simm.s32 $0x0;
	[smem:$0x7FF] =	sst s3;
	s9 =	smul.u32 $0x50000, s1  }
0x8: {  	s8 =	sand.u32 $0x1, s5;
	s28 =	sshll.u32 s1, $0x6;
	s29 =	smul.u32 $0x2800, s1  }
0x9: {  	_ =	strace $0x80000050;
	s5 =	ssub.s32 $0x2, s8;
	s14 =	smul.u32 $0x14000, s8  }
0xa: {  	p0 =	seq.s32 s8, $0x1;
	s15 =	smul.u32 $0x280, s8;
	s10 =	sadd.s32 s4, s7  }
0xb: {  	s11 =	sadd.s32 s6, s7;
	s25 =	sshrl.u32 s5, $0x1;
	s4 =	sadd.s32 $0x6600, s7  }
0xc: {  	s26 =	sshrl.u32 s9, $0x2;
	s13 =	simm.s32 @!p0 $0x60600;
	s6 =	ssub.s32 s5, s25  }
0xd: {  	s12 =	sadd.s32 s26, s2;
	s5 =	sor.u32 $0x1C01, s28;
	s7 =	sadd.s32 s13, s7  }
0xe: {  	s30 =	sadd.s32 s14, s10;
	s31 =	sadd.s32 s15, s11;
	s11 =	simm.s32 $0x1  }
0xf: {  	s13 =	simm.s32 $0x80;
	s14 =	simm.s32 $0x100;
	s15 =	simm.s32 $0x180  }
0x10: {  	s6 =	smax.u32 s6, $0x1;
	s7 =	sadd.s32 s7, s29;
	s8 =	sadd.s32 $0xCA4600, s30  }
0x11: {  	s9 =	sadd.s32 $0x510600, s31;
	s10 =	sshrl.u32 s12, $0x3;
	s12 =	simm.s32 $0x400  }
.LBB2_1:
0x12: {  	[spmem:s10], [sflag:s5] =	dma.local [hbm:s4], $0x2800  }
0x13: {  	_ =	swait.ge [sflag:s11], $0x2800  }
0x14: {  	[sflag:s11] =	ssyncset.done $0x0  }
0x15: {  	[sflag:s11] =	ssyncadd.s32 $0xFFFFD800  }
0x16: {  	[bflag:$0x0] =	sbarrier.arrive $0xFFFF  }
0x17: {  	[tilespmem:s3], [sflag:$0x1] =	stream.linear.gather [hbm4b:s9+s3], $0x400, $0x38;
	[tilespmem:$0x18400] =	vst v63  }
0x18: {  	_ =	swait.ge [sflag:s11], $0x400  }
0x19: {  	[sflag:s11] =	ssyncset.done $0x0  }
0x1a: {  	s21 =	sadd.s32 $0x0, s8;
	[sflag:s11] =	ssyncadd.s32 $0xFFFFFC00  }
0x1b: {  	[tilespmem:s12], [sflag:$0x1] =	stream.linear.gather [hbm4b:s21+s3], $0x4000, $0x38;
	[tilespmem:$0x18400] =	vst v63  }
0x1c: {  	_ =	swait.ge [sflag:s11], $0x4000  }
0x1d: {  	[sflag:s11] =	ssyncset.done $0x0  }
0x1e: {  	[sflag:s11] =	ssyncadd.s32 $0xFFFFC000  }
0x1f: {  	[spmem:s2] =	stream.indirect.scatter.add.f32 [tilespmem:s12], [sflag:$0x1], $0x80, s3, s13, $0xb8;
	[tilespmem:$0x18400] =	vst v63  }
0x20: {  	_ =	swait.ge [sflag:s11], $0x4000  }
0x21: {  	[sflag:s11] =	ssyncset.done $0x0  }
0x22: {  	s22 =	sadd.s32 $0x800, s21;
	[sflag:s11] =	ssyncadd.s32 $0xFFFFC000  }
0x23: {  	[tilespmem:s12], [sflag:$0x1] =	stream.linear.gather [hbm4b:s22+s3], $0x4000, $0x38;
	[tilespmem:$0x18400] =	vst v63  }
0x24: {  	_ =	swait.ge [sflag:s11], $0x4000  }
0x25: {  	[sflag:s11] =	ssyncset.done $0x0  }
0x26: {  	[sflag:s11] =	ssyncadd.s32 $0xFFFFC000  }
0x27: {  	[spmem:s2] =	stream.indirect.scatter.add.f32 [tilespmem:s12], [sflag:$0x1], $0x80, s13, s13, $0xb8;
	[tilespmem:$0x18400] =	vst v63  }
0x28: {  	_ =	swait.ge [sflag:s11], $0x4000  }
0x29: {  	[sflag:s11] =	ssyncset.done $0x0  }
0x2a: {  	s26 =	sadd.s32 $0x1000, s21;
	[sflag:s11] =	ssyncadd.s32 $0xFFFFC000  }
0x2b: {  	[tilespmem:s12], [sflag:$0x1] =	stream.linear.gather [hbm4b:s26+s3], $0x4000, $0x38;
	[tilespmem:$0x18400] =	vst v63  }
0x2c: {  	_ =	swait.ge [sflag:s11], $0x4000  }
0x2d: {  	[sflag:s11] =	ssyncset.done $0x0  }
0x2e: {  	[sflag:s11] =	ssyncadd.s32 $0xFFFFC000  }
0x2f: {  	[spmem:s2] =	stream.indirect.scatter.add.f32 [tilespmem:s12], [sflag:$0x1], $0x80, s14, s13, $0xb8;
	[tilespmem:$0x18400] =	vst v63  }
0x30: {  	_ =	swait.ge [sflag:s11], $0x4000  }
0x31: {  	[sflag:s11] =	ssyncset.done $0x0  }
0x32: {  	s28 =	sadd.s32 $0x1800, s21;
	[sflag:s11] =	ssyncadd.s32 $0xFFFFC000  }
0x33: {  	[tilespmem:s12], [sflag:$0x1] =	stream.linear.gather [hbm4b:s28+s3], $0x4000, $0x38;
	[tilespmem:$0x18400] =	vst v63  }
0x34: {  	_ =	swait.ge [sflag:s11], $0x4000  }
0x35: {  	[sflag:s11] =	ssyncset.done $0x0  }
0x36: {  	[sflag:s11] =	ssyncadd.s32 $0xFFFFC000  }
0x37: {  	[spmem:s2] =	stream.indirect.scatter.add.f32 [tilespmem:s12], [sflag:$0x1], $0x80, s15, s13, $0xb8;
	[tilespmem:$0x18400] =	vst v63  }
0x38: {  	_ =	swait.ge [sflag:s11], $0x4000  }
0x39: {  	[sflag:s11] =	ssyncset.done $0x0  }
0x3a: {  	s29 =	sadd.s32 $0x2000, s21;
	[sflag:s11] =	ssyncadd.s32 $0xFFFFC000  }
0x3b: {  	[tilespmem:s12], [sflag:$0x1] =	stream.linear.gather [hbm4b:s29+s3], $0x4000, $0x38;
	[tilespmem:$0x18400] =	vst v63  }
0x3c: {  	_ =	swait.ge [sflag:s11], $0x4000  }
0x3d: {  	[sflag:s11] =	ssyncset.done $0x0  }
0x3e: {  	[sflag:s11] =	ssyncadd.s32 $0xFFFFC000  }
0x3f: {  	[spmem:s2] =	stream.indirect.scatter.add.f32 [tilespmem:s12], [sflag:$0x1], $0x80, s16, s13, $0xb8;
	[tilespmem:$0x18400] =	vst v63  }
0x40: {  	_ =	swait.ge [sflag:s11], $0x4000  }
0x41: {  	[sflag:s11] =	ssyncset.done $0x0  }
0x42: {  	s30 =	sadd.s32 $0x2800, s21;
	[sflag:s11] =	ssyncadd.s32 $0xFFFFC000  }
0x43: {  	[tilespmem:s12], [sflag:$0x1] =	stream.linear.gather [hbm4b:s30+s3], $0x4000, $0x38;
	[tilespmem:$0x18400] =	vst v63  }
0x44: {  	_ =	swait.ge [sflag:s11], $0x4000  }
0x45: {  	[sflag:s11] =	ssyncset.done $0x0  }
0x46: {  	[sflag:s11] =	ssyncadd.s32 $0xFFFFC000  }
0x47: {  	[spmem:s2] =	stream.indirect.scatter.add.f32 [tilespmem:s12], [sflag:$0x1], $0x80, s17, s13, $0xb8;
	[tilespmem:$0x18400] =	vst v63  }
0x48: {  	_ =	swait.ge [sflag:s11], $0x4000  }
0x49: {  	[sflag:s11] =	ssyncset.done $0x0  }
0x4a: {  	s31 =	sadd.s32 $0x3000, s21;
	[sflag:s11] =	ssyncadd.s32 $0xFFFFC000  }
0x4b: {  	[tilespmem:s12], [sflag:$0x1] =	stream.linear.gather [hbm4b:s31+s3], $0x4000, $0x38;
	[tilespmem:$0x18400] =	vst v63  }
0x4c: {  	_ =	swait.ge [sflag:s11], $0x4000  }
0x4d: {  	[sflag:s11] =	ssyncset.done $0x0  }
0x4e: {  	[sflag:s11] =	ssyncadd.s32 $0xFFFFC000  }
0x4f: {  	[spmem:s2] =	stream.indirect.scatter.add.f32 [tilespmem:s12], [sflag:$0x1], $0x80, s18, s13, $0xb8;
	[tilespmem:$0x18400] =	vst v63  }
0x50: {  	_ =	swait.ge [sflag:s11], $0x4000  }
0x51: {  	[sflag:s11] =	ssyncset.done $0x0  }
0x52: {  	s21 =	sadd.s32 $0x3800, s21;
	[sflag:s11] =	ssyncadd.s32 $0xFFFFC000  }
0x53: {  	[tilespmem:s12], [sflag:$0x1] =	stream.linear.gather [hbm4b:s21+s3], $0x4000, $0x38;
	[tilespmem:$0x18400] =	vst v63  }
0x54: {  	_ =	swait.ge [sflag:s11], $0x4000  }
0x55: {  	[sflag:s11] =	ssyncset.done $0x0  }
0x56: {  	[sflag:s11] =	ssyncadd.s32 $0xFFFFC000  }
0x57: {  	[spmem:s2] =	stream.indirect.scatter.add.f32 [tilespmem:s12], [sflag:$0x1], $0x80, s19, s13, $0xb8;
	[tilespmem:$0x18400] =	vst v63  }
0x58: {  	_ =	swait.ge [sflag:s11], $0x4000  }
0x59: {  	s22 =	smov.u32 s9;
	s21 =	simm.s32 $0x4000;
	[sflag:s11] =	ssyncset.done $0x0  }
.LBB2_2:
0x5a: {  	p0 =	sne.s32 s21, $0x10000;
	[sflag:s11] =	ssyncadd.s32 $0xFFFFC000;
	s22 =	sadd.s32 $0x80, s22  }
0x5b: {  	[tilespmem:s3], [sflag:$0x1] =	stream.linear.gather [hbm4b:s22+s3], $0x400, $0x38;
	[tilespmem:$0x18400] =	vst v63  }
0x5c: {  	s23 =	smov.u32 s21;
	s21 =	sadd.s32 $0x4000, s21;
	_ =	swait.ge [sflag:s11], $0x400  }
0x5d: {  	[sflag:s11] =	ssyncset.done $0x0  }
0x5e: {  	s23 =	sadd.s32 s23, s8;
	[sflag:s11] =	ssyncadd.s32 $0xFFFFFC00  }
0x5f: {  	[tilespmem:s12], [sflag:$0x1] =	stream.linear.gather [hbm4b:s23+s3], $0x4000, $0x38;
	[tilespmem:$0x18400] =	vst v63  }
0x60: {  	_ =	swait.ge [sflag:s11], $0x4000  }
0x61: {  	[sflag:s11] =	ssyncset.done $0x0  }
0x62: {  	[sflag:s11] =	ssyncadd.s32 $0xFFFFC000  }
0x63: {  	[spmem:s2] =	stream.indirect.scatter.add.f32 [tilespmem:s12], [sflag:$0x1], $0x80, s3, s13, $0xb8;
	[tilespmem:$0x18400] =	vst v63  }
0x64: {  	_ =	swait.ge [sflag:s11], $0x4000  }
0x65: {  	[sflag:s11] =	ssyncset.done $0x0  }
0x66: {  	s24 =	sadd.s32 $0x800, s23;
	[sflag:s11] =	ssyncadd.s32 $0xFFFFC000  }
0x67: {  	[tilespmem:s12], [sflag:$0x1] =	stream.linear.gather [hbm4b:s24+s3], $0x4000, $0x38;
	[tilespmem:$0x18400] =	vst v63  }
0x68: {  	_ =	swait.ge [sflag:s11], $0x4000  }
0x69: {  	[sflag:s11] =	ssyncset.done $0x0  }
0x6a: {  	[sflag:s11] =	ssyncadd.s32 $0xFFFFC000  }
0x6b: {  	[spmem:s2] =	stream.indirect.scatter.add.f32 [tilespmem:s12], [sflag:$0x1], $0x80, s13, s13, $0xb8;
	[tilespmem:$0x18400] =	vst v63  }
0x6c: {  	_ =	swait.ge [sflag:s11], $0x4000  }
0x6d: {  	[sflag:s11] =	ssyncset.done $0x0  }
0x6e: {  	s24 =	sadd.s32 $0x1000, s23;
	[sflag:s11] =	ssyncadd.s32 $0xFFFFC000  }
0x6f: {  	[tilespmem:s12], [sflag:$0x1] =	stream.linear.gather [hbm4b:s24+s3], $0x4000, $0x38;
	[tilespmem:$0x18400] =	vst v63  }
0x70: {  	_ =	swait.ge [sflag:s11], $0x4000  }
0x71: {  	[sflag:s11] =	ssyncset.done $0x0  }
0x72: {  	[sflag:s11] =	ssyncadd.s32 $0xFFFFC000  }
0x73: {  	[spmem:s2] =	stream.indirect.scatter.add.f32 [tilespmem:s12], [sflag:$0x1], $0x80, s14, s13, $0xb8;
	[tilespmem:$0x18400] =	vst v63  }
0x74: {  	_ =	swait.ge [sflag:s11], $0x4000  }
0x75: {  	[sflag:s11] =	ssyncset.done $0x0  }
0x76: {  	s24 =	sadd.s32 $0x1800, s23;
	[sflag:s11] =	ssyncadd.s32 $0xFFFFC000  }
0x77: {  	[tilespmem:s12], [sflag:$0x1] =	stream.linear.gather [hbm4b:s24+s3], $0x4000, $0x38;
	[tilespmem:$0x18400] =	vst v63  }
0x78: {  	_ =	swait.ge [sflag:s11], $0x4000  }
0x79: {  	[sflag:s11] =	ssyncset.done $0x0  }
0x7a: {  	[sflag:s11] =	ssyncadd.s32 $0xFFFFC000  }
0x7b: {  	[spmem:s2] =	stream.indirect.scatter.add.f32 [tilespmem:s12], [sflag:$0x1], $0x80, s15, s13, $0xb8;
	[tilespmem:$0x18400] =	vst v63  }
0x7c: {  	_ =	swait.ge [sflag:s11], $0x4000  }
0x7d: {  	[sflag:s11] =	ssyncset.done $0x0  }
0x7e: {  	s24 =	sadd.s32 $0x2000, s23;
	[sflag:s11] =	ssyncadd.s32 $0xFFFFC000  }
0x7f: {  	[tilespmem:s12], [sflag:$0x1] =	stream.linear.gather [hbm4b:s24+s3], $0x4000, $0x38;
	[tilespmem:$0x18400] =	vst v63  }
0x80: {  	_ =	swait.ge [sflag:s11], $0x4000  }
0x81: {  	[sflag:s11] =	ssyncset.done $0x0  }
0x82: {  	[sflag:s11] =	ssyncadd.s32 $0xFFFFC000  }
0x83: {  	[spmem:s2] =	stream.indirect.scatter.add.f32 [tilespmem:s12], [sflag:$0x1], $0x80, s16, s13, $0xb8;
	[tilespmem:$0x18400] =	vst v63  }
0x84: {  	_ =	swait.ge [sflag:s11], $0x4000  }
0x85: {  	[sflag:s11] =	ssyncset.done $0x0  }
0x86: {  	s24 =	sadd.s32 $0x2800, s23;
	[sflag:s11] =	ssyncadd.s32 $0xFFFFC000  }
0x87: {  	[tilespmem:s12], [sflag:$0x1] =	stream.linear.gather [hbm4b:s24+s3], $0x4000, $0x38;
	[tilespmem:$0x18400] =	vst v63  }
0x88: {  	_ =	swait.ge [sflag:s11], $0x4000  }
0x89: {  	[sflag:s11] =	ssyncset.done $0x0  }
0x8a: {  	[sflag:s11] =	ssyncadd.s32 $0xFFFFC000  }
0x8b: {  	[spmem:s2] =	stream.indirect.scatter.add.f32 [tilespmem:s12], [sflag:$0x1], $0x80, s17, s13, $0xb8;
	[tilespmem:$0x18400] =	vst v63  }
0x8c: {  	_ =	swait.ge [sflag:s11], $0x4000  }
0x8d: {  	[sflag:s11] =	ssyncset.done $0x0  }
0x8e: {  	s24 =	sadd.s32 $0x3000, s23;
	[sflag:s11] =	ssyncadd.s32 $0xFFFFC000  }
0x8f: {  	[tilespmem:s12], [sflag:$0x1] =	stream.linear.gather [hbm4b:s24+s3], $0x4000, $0x38;
	[tilespmem:$0x18400] =	vst v63  }
0x90: {  	_ =	swait.ge [sflag:s11], $0x4000  }
0x91: {  	[sflag:s11] =	ssyncset.done $0x0  }
0x92: {  	[sflag:s11] =	ssyncadd.s32 $0xFFFFC000  }
0x93: {  	[spmem:s2] =	stream.indirect.scatter.add.f32 [tilespmem:s12], [sflag:$0x1], $0x80, s18, s13, $0xb8;
	[tilespmem:$0x18400] =	vst v63  }
0x94: {  	_ =	swait.ge [sflag:s11], $0x4000  }
0x95: {  	[sflag:s11] =	ssyncset.done $0x0  }
0x96: {  	s23 =	sadd.s32 $0x3800, s23;
	[sflag:s11] =	ssyncadd.s32 $0xFFFFC000  }
0x97: {  	[tilespmem:s12], [sflag:$0x1] =	stream.linear.gather [hbm4b:s23+s3], $0x4000, $0x38;
	[tilespmem:$0x18400] =	vst v63  }
0x98: {  	_ =	swait.ge [sflag:s11], $0x4000  }
.Ltmp0:
0x99: {  	[sflag:s11] =	ssyncset.done $0x0;
	(pc) =	sbr.rel @p0 .LBB2_2-.Ltmp0, $4  }
0x9a: {  	[sflag:s11] =	ssyncadd.s32 $0xFFFFC000  }
0x9b: {  	[spmem:s2] =	stream.indirect.scatter.add.f32 [tilespmem:s12], [sflag:$0x1], $0x80, s19, s13, $0xb8;
	[tilespmem:$0x18400] =	vst v63  }
0x9c: {  	_ =	swait.ge [sflag:s11], $0x4000  }
0x9d: {  	[sflag:s11] =	ssyncset.done $0x0  }
0x9e: {  	s20 =	sadd.s32 $0x1, s20  }
0x9f: {  	[sflag:s11] =	ssyncadd.s32 $0xFFFFC000;
	p0 =	sne.s32 s20, s6  }
.Ltmp1:
0xa0: {  	[bflag:$0x0] =	sbarrier.arrive $0xFFFF;
	(pc) =	sbr.rel @p0 .LBB2_1-.Ltmp1, $4  }
0xa1: {  	[hbm:s7], [sflag:s5] =	dma.local [spmem:s10], $0x2800  }
0xa2: {  	_ =	swait.ge [sflag:s11], $0x2800  }
0xa3: {  	[sflag:s11] =	ssyncset.done $0x0  }
0xa4: {  	[sflag:s11] =	ssyncadd.s32 $0xFFFFD800  }
0xa5: {  	_ =	sfence.sel $0x180000  }
0xa6: {  	[bflag:$0x0] =	sbarrier.arrive $0xFFFF  }
0xa7: {  	p0 =	sne.s32 s1, $0x0;
	_ =	strace $0x90000050  }
0xa8: {  	s0 =	sadd.s32 @!p0 $0x100000, s0;
	[bflag:$0x2] =	sbarrier.arrive $0xFFFF  }
0xa9: {  	[sflag:s0] =	ssyncadd.tile.s32 @!p0 $0x1;
	_ =	shalt  }
.Lfunc_end2:
_tile_overlayer_lowered:
.L_overlay_start_2:
0xaa: {  	(tag) =	ssettag $0x2  }
0xab: {  	s0 =	rddreg [dreg:$0x0];
	s2 =	stileid.u32  }
0xac: {  	s1 =	rddreg [dreg:$0x1];
	p0 =	sne.s32 s2, $0x0  }
0xad: {  	s3 =	rddreg [dreg:$0x2];
	[bflag:$0x3] =	sbarrier.arrive $0xFFFF;
	s2 =	simm.s32 @!p0 $0x1C01  }
0xae: {  	[timem:s3], [sflag:s2] =	dma.local @!p0 [hbm:s0], s1  }
0xaf: {  	s0 =	simm.s32 @!p0 $0x1  }
0xb0: {  	_ =	swait.ge @!p0 [sflag:s0], s1  }
0xb1: {  	s1 =	ssub.s32 @!p0 $0x0, s1;
	[sflag:s0] =	ssyncset.done @!p0 $0x0  }
0xb2: {  	[sflag:s0] =	ssyncadd.s32 @!p0 s1  }
0xb3: {  	[bflag:$0x3] =	sbarrier.arrive $0xFFFF  }
0xb4: {  	_ =	shalt  }

// kernel: kernel.9.cloned.1.call-start
scs
__scs_entry_jumppad:
0x0: {  	(pc) =	sbr.rel $0x88, $3  }
0x1: {  	(tag) =	ssettag $0x0;
	lr =	simm.s32 $0x1  }
0x2: {  	[smem:$0x3F8B] =	sst lr;
	_ =	strace $0xD0000000  }
0x3: {  	_ = 	snop  }
0x4: {  	_ = 	snop  }
0x5: {  	_ = 	snop  }
0x6: {  	_ = 	snop  }
0x7: {  	_ = 	snop  }
__scs_overlays_trampoline_lowered:
0x8: {  	[smem:$0x3F9A] =	sst s0  }
0x9: {  	[smem:$0x3F9B] =	sst s1  }
0xa: {  	[smem:$0x3F9C] =	sst s2  }
0xb: {  	[smem:$0x3F9D] =	sst s3  }
0xc: {  	[smem:$0x3F9E] =	sst s4  }
0xd: {  	[smem:$0x3F9F] =	sst s5  }
0xe: {  	[smem:$0x3FA0] =	sst s6  }
0xf: {  	[smem:$0x3FA1] =	sst s7  }
0x10: {  	[smem:$0x3FA2] =	sst s8  }
0x11: {  	[smem:$0x3FA3] =	sst s9;
	s0 =	simm.s32 @!p0 $0x0  }
0x12: {  	s1 =	sld [smem:$0x3F89];
	s0 =	simm.s32 @p0 $0x1  }
0x13: {  	[smem:$0x3FA4] =	sst s0;
	s0 =	simm.s32 @!p1 $0x0  }
0x14: {  	s2 =	sld [smem:$0x3F88];
	s0 =	simm.s32 @p1 $0x1  }
0x15: {  	[smem:$0x3FA5] =	sst s0;
	s0 =	simm.s32 @!p2 $0x0  }
0x16: {  	s3 =	sld [smem:$0x3FDB];
	s0 =	simm.s32 @p2 $0x1  }
0x17: {  	s4 =	simm.s32 $0x1BF5;
	[smem:$0x3FA7] =	sst s0  }
0x18: {  	s0 =	sld [smem:$0x3F8A];
	_ =	swait.ge [sflag:s4], $0x0  }
0x19: {  	s7 =	sld [smem:$0x3F8B]  }
0x1a: {  	s8 =	sadd.s32 $0xFFFFE003, lr  }
0x1b: {  	s9 =	sadd.s32 $0xFFFFFEF7, lr;
	s5 =	simm.s32 $0xFFFFFFFF;
	p2 =	slt.u32 s8, $0xFFFFF086  }
0x1c: {  	p1 =	slt.u32 s9, $0xF7A;
	s5 =	simm.s32 @!p2 $0x0  }
0x1d: {  	s5 =	simm.s32 @p1 $0x1;
	p0 =	seq.s32 s7, s2  }
0x1e: {  	s7 =	smul.u32 @!p0 $0xF7A, s2;
	p2 =	seq.s32 @!p0 s5, $0x0  }
0x1f: {  	s9 =	smul.u32 $0xF7A, s1;
	s8 =	simm.s32 @!p0 $0x1BF5;
	p2 =	por !p2, p0  }
0x20: {  	[sflag:s8] =	ssyncset.s32 @!p0 $0xFFFFF086;
	s6 =	sadd.s32 @!p0 s3, s7;
	s7 =	simm.s32 @!p0 $0x108  }
0x21: {  	s3 =	sadd.s32 s3, s9;
	s6 =	sadd.s32 @!p0 $0x88, s6;
	s7 =	simm.s32 @p2 $0x1082  }
0x22: {  	[simem:s7], [sflag:s8] =	dma.local @!p0 [hbm:s6], $0xF7A  }
0x23: {  	s9 =	sor.u32 $0xD0000000, s2;
	s6 =	simm.s32 $0x108;
	_ =	swait.ge @!p0 [sflag:s8], $0x0  }
0x24: {  	s3 =	sadd.s32 $0x88, s3;
	s6 =	simm.s32 @!p1 $0x1082;
	[sflag:s4] =	ssyncset.s32 $0xFFFFF086  }
0x25: {  	[simem:s6], [sflag:s4] =	dma.local [hbm:s3], $0xF7A  }
0x26: {  	[smem:$0x3F8B] =	sst s1;
	(tag) =	ssettag s2;
	_ =	strace s9  }
0x27: {  	s1 =	sld [smem:$0x3F9B]  }
0x28: {  	s2 =	sld [smem:$0x3F9C]  }
0x29: {  	s4 =	sld [smem:$0x3F9E]  }
0x2a: {  	p0 =	seq.s32 s5, $0x0;
	s5 =	sld [smem:$0x3F9F]  }
0x2b: {  	s6 =	sld [smem:$0x3FA0]  }
0x2c: {  	s7 =	sld [smem:$0x3FA1]  }
0x2d: {  	s3 =	simm.s32 $0x108;
	s8 =	sld [smem:$0x3FA2]  }
0x2e: {  	s3 =	simm.s32 @!p0 $0x1082;
	s9 =	sld [smem:$0x3FA3]  }
0x2f: {  	lr =	sadd.s32 s0, s3;
	s0 =	sld [smem:$0x3F9A]  }
0x30: {  	s3 =	sld [smem:$0x3F9D]  }
0x31: {  	[smem:$0x3FA6] =	sst s10  }
0x32: {  	s10 =	sld [smem:$0x3FA4];
	_ =	sdelay $0x3  }
0x33: {  	p0 =	seq.s32 s10, $0x1;
	s10 =	sld [smem:$0x3FA6];
	_ =	sdelay $0x3  }
0x34: {  	[smem:$0x3FA6] =	sst s10  }
0x35: {  	s10 =	sld [smem:$0x3FA5];
	_ =	sdelay $0x3  }
0x36: {  	p1 =	seq.s32 s10, $0x1;
	s10 =	sld [smem:$0x3FA6];
	_ =	sdelay $0x3  }
0x37: {  	[smem:$0x3FA6] =	sst s10  }
0x38: {  	s10 =	sld [smem:$0x3FA7]  }
0x39: {  	_ = 	snop;
	(pc) =	sbr.ind lr, $3  }
0x3a: {  	_ = 	snop  }
0x3b: {  	_ = 	snop  }
0x3c: {  	p2 =	seq.s32 s10, $0x1;
	s10 =	sld [smem:$0x3FA6]  }
0x3d: {  	_ =	shalt  }
0x3e: {  	_ =	shalt  }
0x3f: {  	_ =	shalt  }
0x40: {  	_ =	shalt  }
0x41: {  	_ =	shalt  }
0x42: {  	_ =	shalt  }
0x43: {  	_ =	shalt  }
0x44: {  	_ =	shalt  }
0x45: {  	_ =	shalt  }
0x46: {  	_ =	shalt  }
0x47: {  	_ =	shalt  }
0x48: {  	_ =	shalt  }
0x49: {  	_ =	shalt  }
0x4a: {  	_ =	shalt  }
0x4b: {  	_ =	shalt  }
0x4c: {  	_ =	shalt  }
0x4d: {  	_ =	shalt  }
0x4e: {  	_ =	shalt  }
0x4f: {  	_ =	shalt  }
0x50: {  	_ =	shalt  }
0x51: {  	_ =	shalt  }
0x52: {  	_ =	shalt  }
0x53: {  	_ =	shalt  }
0x54: {  	_ =	shalt  }
0x55: {  	_ =	shalt  }
0x56: {  	_ =	shalt  }
0x57: {  	_ =	shalt  }
0x58: {  	_ =	shalt  }
0x59: {  	_ =	shalt  }
0x5a: {  	_ =	shalt  }
0x5b: {  	_ =	shalt  }
0x5c: {  	_ =	shalt  }
0x5d: {  	_ =	shalt  }
0x5e: {  	_ =	shalt  }
0x5f: {  	_ =	shalt  }
0x60: {  	_ =	shalt  }
0x61: {  	_ =	shalt  }
0x62: {  	_ =	shalt  }
0x63: {  	_ =	shalt  }
0x64: {  	_ =	shalt  }
0x65: {  	_ =	shalt  }
0x66: {  	_ =	shalt  }
0x67: {  	_ =	shalt  }
0x68: {  	_ =	shalt  }
0x69: {  	_ =	shalt  }
0x6a: {  	_ =	shalt  }
0x6b: {  	_ =	shalt  }
0x6c: {  	_ =	shalt  }
0x6d: {  	_ =	shalt  }
0x6e: {  	_ =	shalt  }
0x6f: {  	_ =	shalt  }
0x70: {  	_ =	shalt  }
0x71: {  	_ =	shalt  }
0x72: {  	_ =	shalt  }
0x73: {  	_ =	shalt  }
0x74: {  	_ =	shalt  }
0x75: {  	_ =	shalt  }
0x76: {  	_ =	shalt  }
0x77: {  	_ =	shalt  }
0x78: {  	_ =	shalt  }
0x79: {  	_ =	shalt  }
0x7a: {  	_ =	shalt  }
0x7b: {  	_ =	shalt  }
0x7c: {  	_ =	shalt  }
0x7d: {  	_ =	shalt  }
0x7e: {  	_ =	shalt  }
0x7f: {  	_ =	shalt  }
0x80: {  	_ =	shalt  }
0x81: {  	_ =	shalt  }
0x82: {  	_ =	shalt  }
0x83: {  	_ =	shalt  }
0x84: {  	_ =	shalt  }
0x85: {  	_ =	shalt  }
0x86: {  	_ =	shalt  }
0x87: {  	_ =	shalt  }
.Lfunc_end0:
.L_simem_size_0:
called_computation_lowered:
.L_overlay_start_0:
0x88: {  	s2 =	sld [smem:$0x3FD9]  }
0x89: {  	s3 =	sld [smem:$0x3FFE];
	_ =	sdelay $0x1  }
0x8a: {  	s1 =	srdreg.scid  }
0x8b: {  	s0 =	sand.u32 $0x1, s1  }
0x8c: {  	s17 =	sshll.u32 s0, $0xA;
	s2 =	sadd.s32 s3, s2  }
0x8d: {  	s2 =	sadd.s32 s2, s17  }
0x8e: {  	[smem:$0x3FB2] =	sst s2  }
0x8f: {  	_ = 	snop  }
0x90: {  	s2 =	sld [smem:$0x3FC9];
	(tm) =	ssettm $0x1  }
0x91: {  	s18 =	sld [smem:$0x3FFB];
	_ =	sdelay $0x3  }
0x92: {  	_ =	strace s18  }
0x93: {  	s3 =	sld [smem:$0x3FFC];
	_ =	sdelay $0x3  }
0x94: {  	_ =	strace s3  }
0x95: {  	s3 =	sld [smem:$0x3FFD];
	_ =	sdelay $0x3  }
0x96: {  	_ =	strace s3  }
0x97: {  	_ =	strace $0x8FFFFFFF  }
0x98: {  	s19 =	sld [smem:$0x3FDB];
	_ =	sdelay $0x1  }
0x99: {  	s4 =	simm.s32 $_scs_section_size  }
0x9a: {  	s5 =	simm.s32 $_size__tile_overlayer_lowered;
	s6 =	simm.s32 $_tile_overlayer_lowered  }
0x9b: {  	s22 =	simm.s32 $0x1BFF;
	s21 =	sshll.u32 s6, $0x1;
	s3 =	sadd.s32 s4, s19  }
0x9c: {  	s7 =	simm.s32 $0x0;
	s20 =	sshll.u32 s5, $0x1;
	s5 =	sadd.s32 s21, s3  }
0x9d: {  	[timem:s7], [sflag:s22] =	dma.local [hbm:s5], s20  }
0x9e: {  	_ =	swait.ge [sflag:s22], s20  }
0x9f: {  	s4 =	ssub.s32 $0x0, s20;
	[sflag:s22] =	ssyncset.done $0x0  }
0xa0: {  	[sflag:s22] =	ssyncadd.s32 s4;
	_ =	sdelay $0x1  }
0xa1: {  	s23 =	simm.s32 $0x1B8B  }
0xa2: {  	_ =	swait.ge [sflag:s23], $0x1  }
0xa3: {  	[sflag:s23] =	ssyncset.done $0x0  }
0xa4: {  	s25 =	simm.s32 $0x1B8E;
	s24 =	sld [smem:$0x3FFE];
	[sflag:s23] =	ssyncadd.s32 $0xFFFFFFFF  }
0xa5: {  	s26 =	simm.s32 $execute0_lowered;
	[smem:$0x3FD2] =	sst s25  }
0xa6: {  	s5 =	sshll.u32 s26, $0x1;
	_ =	strace $0x80000046;
	[dreg:$0x1] =	wrdreg $0xFFFFFFFF  }
0xa7: {  	s28 =	simm.s32 $_size_execute0_lowered;
	s3 =	sadd.s32 s3, s5;
	[dreg:$0x0] =	wrdreg $0x0  }
0xa8: {  	s5 =	sshll.u32 s28, $0x1;
	[dreg:$0x2] =	wrdreg s3  }
0xa9: {  	[dreg:$0x3] =	wrdreg s5  }
0xaa: {  	[dreg:$0x4] =	wrdreg $0xC0  }
0xab: {  	_ =	task [dreg:s7], $0x5FFFF  }
0xac: {  	[dreg:$0x1] =	wrdreg $0xFFFFFFFF  }
0xad: {  	[dreg:$0x0] =	wrdreg $0x60  }
0xae: {  	[dreg:$0x2] =	wrdreg s2  }
0xaf: {  	[dreg:$0x3] =	wrdreg s24  }
0xb0: {  	[dreg:$0x4] =	wrdreg $0x9  }
0xb1: {  	_ =	task.clear_ibuf [dreg:s7], $0x5FFFF;
	_ =	strace $0x90000046  }
0xb2: {  	s29 =	simm.s32 $0x9;
	_ =	strace $0x80000048  }
0xb3: {  	_ =	swait.ge [sflag:s29], $0x1  }
0xb4: {  	[sflag:s29] =	ssyncadd.s32 $0xFFFFFFFF  }
0xb5: {  	_ =	strace $0x90000048  }
0xb6: {  	_ =	sfence  }
0xb7: {  	s30 =	sld [smem:$0x0];
	_ =	sdelay $0x2  }
0xb8: {  	s31 =	sshll.u32 s1, $0xD;
	s1 =	sshrl.u32 s1, $0x2  }
0xb9: {  	s3 =	sand.u32 $0x4000, s31;
	s1 =	sadd.s32 s1, s30  }
0xba: {  	s0 =	sor.u32 s3, s0;
	s1 =	sshll.u32 s1, $0x11  }
0xbb: {  	s0 =	sor.u32 s1, s0  }
0xbc: {  	s0 =	sadd.s32 $0x8F2B, s0  }
0xbd: {  	[sflag:s0] =	ssyncadd.remote.s32 $0x1  }
0xbe: {  	_ =	sfence.sel $0xFFFF  }
0xbf: {  	[dreg:$0x0] =	wrdreg $0xFFFFFFFF;
	(pc) =	sbr.abs _section_cstart, $3  }
0xc0: {  	[dreg:$0x1] =	wrdreg $0xFFFFFFFF  }
0xc1: {  	_ =	task.clear_ibuf [dreg:s7], $0x2FFFF;
	_ =	strace $0x9FFFFFFF  }
0xc2: {  	(tm) =	ssettm $0x7FFFFFFF  }
0xc3: {  	_ =	shalt  }
tec
execute0_lowered:
.L_overlay_start_1:
0x0: {  	(tag) =	ssettag $0x1  }
0x1: {  	s2 =	rddreg [dreg:$0x0];
	s0 =	srdreg.scid  }
0x2: {  	s10 =	stileid.u32;
	s1 =	rddreg [dreg:$0x1]  }
0x3: {  	s3 =	simm.s32 $0x0;
	s28 =	simm.s32 $0x1;
	s22 =	smul.u32 $0x50, s10  }
0x4: {  	s0 =	sand.u32 $0x1, s0;
	s4 =	sshll.u32 s10, $0x1;
	s10 =	smul.u32 $0x28000, s10  }
0x5: {  	s29 =	simm.s32 $0x3;
	s30 =	simm.s32 $0x5;
	s25 =	smul.u32 $0x28, s0  }
0x6: {  	s6 =	sor.u32 s0, s4;
	s8 =	ssub.s32 $0x2, s0;
	s0 =	smul.u32 $0x14000, s0  }
0x7: {  	s31 =	simm.s32 $0x7;
	[smem:$0x7FF] =	sst s3;
	s4 =	smul.u32 $0x280, s6  }
0x8: {  	s5 =	sadd.s32 $0x10600, s1;
	_ =	strace $0x80000047;
	s6 =	smul.u32 $0x14000, s6  }
0x9: {  	s19 =	sshrl.u32 s8, $0x1;
	s0 =	sadd.s32 s0, s10;
	s7 =	sadd.s32 s4, s1  }
0xa: {  	s4 =	sadd.s32 $0x290600, s1;
	s1 =	ssub.s32 s8, s19;
	s23 =	sadd.s32 s5, s6  }
0xb: {  	s24 =	sor.u32 $0x800, s6;
	s26 =	sadd.s32 $0x13000, s6;
	s18 =	sor.u32 $0x1000, s0  }
0xc: {  	s19 =	simm.s32 $0x1400;
	s20 =	sadd.s32 $0xB600, s7;
	[dreg:$0x7] =	wrdreg s23  }
0xd: {  	s0 =	simm.s32 $0x6;
	s7 =	sadd.s32 $0x6600, s7;
	[dreg:$0x3] =	wrdreg s20  }
0xe: {  	s1 =	smax.u32 s1, $0x1;
	s21 =	sadd.s32 s4, s6;
	[dreg:$0x4] =	wrdreg s7  }
0xf: {  	s9 =	sadd.s32 s4, s24;
	s13 =	sadd.s32 s4, s26;
	[dreg:$0x5] =	wrdreg s1  }
0x10: {  	s14 =	sadd.s32 s5, s26;
	s6 =	sadd.s32 $0x13800, s6;
	[dreg:$0x6] =	wrdreg s21  }
0x11: {  	s23 =	simm.s32 $0xA800;
	s26 =	simm.s32 $0xE800;
	[dreg:$0x8] =	wrdreg s9  }
0x12: {  	s7 =	sadd.s32 s5, s24;
	s1 =	sadd.s32 s25, s22;
	s15 =	sadd.s32 s4, s6  }
0x13: {  	s16 =	sadd.s32 s5, s6;
	s20 =	simm.s32 $0x9;
	s21 =	simm.s32 $0x80  }
0x14: {  	s22 =	simm.s32 $0x2800;
	s25 =	simm.s32 $0x6800;
	s24 =	simm.s32 $0x2  }
0x15: {  	s6 =	simm.s32 $0x8;
	[dreg:$0x9] =	wrdreg s7;
	s1 =	sshll.u32 s1, $0xB  }
0x16: {  	s7 =	simm.s32 $0x0;
	s17 =	sor.u32 $0x1800, s1;
	s1 =	simm.s32 $0x4  }
.LBB2_1:
0x17: {  	s8 =	rddreg [dreg:$0x3]  }
0x18: {  	[tilespmem:s19], [sflag:$0x9] =	stream.linear.gather [hbm4b:s8+s3], $0x1400, $0x38;
	[tilespmem:$0x12800] =	vst v63  }
0x19: {  	_ =	swait.ge [sflag:s20], $0x1400  }
0x1a: {  	[sflag:s20] =	ssyncset.done $0x0  }
0x1b: {  	s10 =	rddreg [dreg:$0x4];
	[sflag:s20] =	ssyncadd.s32 $0xFFFFEC00  }
0x1c: {  	[tilespmem:s3], [sflag:$0x9] =	stream.linear.gather [hbm4b:s10+s3], $0x1400, $0x38;
	[tilespmem:$0x12800] =	vst v63  }
0x1d: {  	_ =	swait.ge [sflag:s20], $0x1400  }
0x1e: {  	[sflag:s20] =	ssyncset.done $0x0  }
0x1f: {  	[sflag:s20] =	ssyncadd.s32 $0xFFFFEC00  }
0x20: {  	[tilespmem:s22], [sflag:$0x1] =	stream.indirect.gather [hbm4b:s2+s21], $0x80, s19, s21, $0xb8;
	[tilespmem:$0x12800] =	vst v63  }
0x21: {  	_ = 	snop  }
0x22: {  	[tilespmem:s23], [sflag:$0x3] =	stream.indirect.gather [hbm4b:s2+s21], $0x80, s3, s21, $0xb8;
	[tilespmem:$0x12800] =	vst v63  }
0x23: {  	s11 =	simm.s32 $0x1480  }
0x24: {  	[tilespmem:s25], [sflag:$0x2] =	stream.indirect.gather [hbm4b:s2+s21], $0x80, s11, s21, $0xb8;
	[tilespmem:$0x12800] =	vst v63  }
0x25: {  	_ = 	snop  }
0x26: {  	[tilespmem:s26], [sflag:$0x4] =	stream.indirect.gather [hbm4b:s2+s21], $0x80, s21, s21, $0xb8;
	[tilespmem:$0x12800] =	vst v63  }
0x27: {  	_ =	swait.ge [sflag:s28], $0x4000  }
0x28: {  	[sflag:s28] =	ssyncset.done $0x0  }
0x29: {  	[sflag:s28] =	ssyncadd.s32 $0xFFFFC000  }
0x2a: {  	_ =	swait.ge [sflag:s29], $0x4000  }
0x2b: {  	[sflag:s29] =	ssyncset.done $0x0  }
0x2c: {  	s12 =	rddreg [dreg:$0x6];
	[sflag:s29] =	ssyncadd.s32 $0xFFFFC000  }
0x2d: {  	[hbm4b:s12+s3] =	stream.linear.scatter [tilespmem:s22], [sflag:$0x5], $0x4000, $0x38;
	[tilespmem:$0x12800] =	vst v63  }
0x2e: {  	s9 =	rddreg [dreg:$0x7]  }
0x2f: {  	[hbm4b:s9+s3] =	stream.linear.scatter [tilespmem:s23], [sflag:$0x7], $0x4000, $0x38;
	[tilespmem:$0x12800] =	vst v63  }
0x30: {  	_ =	swait.ge [sflag:s30], $0x4000  }
0x31: {  	[sflag:s30] =	ssyncset.done $0x0  }
0x32: {  	[sflag:s30] =	ssyncadd.s32 $0xFFFFC000  }
0x33: {  	_ =	swait.ge [sflag:s31], $0x4000  }
0x34: {  	[sflag:s31] =	ssyncset.done $0x0  }
0x35: {  	s10 =	simm.s32 $0x1500;
	[sflag:s31] =	ssyncadd.s32 $0xFFFFC000  }
0x36: {  	[tilespmem:s22], [sflag:$0x1] =	stream.indirect.gather [hbm4b:s2+s21], $0x80, s10, s21, $0xb8;
	[tilespmem:$0x12800] =	vst v63  }
0x37: {  	s11 =	simm.s32 $0x100  }
0x38: {  	[tilespmem:s23], [sflag:$0x3] =	stream.indirect.gather [hbm4b:s2+s21], $0x80, s11, s21, $0xb8;
	[tilespmem:$0x12800] =	vst v63  }
0x39: {  	_ =	swait.ge [sflag:s24], $0x4000  }
0x3a: {  	[sflag:s24] =	ssyncset.done $0x0  }
0x3b: {  	[sflag:s24] =	ssyncadd.s32 $0xFFFFC000  }
0x3c: {  	_ =	swait.ge [sflag:s1], $0x4000  }
0x3d: {  	[sflag:s1] =	ssyncset.done $0x0  }
0x3e: {  	s12 =	rddreg [dreg:$0x8];
	[sflag:s1] =	ssyncadd.s32 $0xFFFFC000  }
0x3f: {  	[hbm4b:s12+s3] =	stream.linear.scatter [tilespmem:s25], [sflag:$0x6], $0x4000, $0x38;
	[tilespmem:$0x12800] =	vst v63  }
0x40: {  	s9 =	rddreg [dreg:$0x9]  }
0x41: {  	[hbm4b:s9+s3] =	stream.linear.scatter [tilespmem:s26], [sflag:$0x8], $0x4000, $0x38;
	[tilespmem:$0x12800] =	vst v63  }
0x42: {  	_ =	swait.ge [sflag:s0], $0x4000  }
0x43: {  	[sflag:s0] =	ssyncset.done $0x0  }
0x44: {  	[sflag:s0] =	ssyncadd.s32 $0xFFFFC000  }
0x45: {  	_ =	swait.ge [sflag:s6], $0x4000  }
0x46: {  	[sflag:s6] =	ssyncset.done $0x0  }
0x47: {  	s10 =	simm.s32 $0x1580;
	[sflag:s6] =	ssyncadd.s32 $0xFFFFC000  }
0x48: {  	[tilespmem:s25], [sflag:$0x2] =	stream.indirect.gather [hbm4b:s2+s21], $0x80, s10, s21, $0xb8;
	[tilespmem:$0x12800] =	vst v63  }
0x49: {  	s11 =	simm.s32 $0x180  }
0x4a: {  	[tilespmem:s26], [sflag:$0x4] =	stream.indirect.gather [hbm4b:s2+s21], $0x80, s11, s21, $0xb8;
	[tilespmem:$0x12800] =	vst v63  }
0x4b: {  	_ =	swait.ge [sflag:s28], $0x4000  }
0x4c: {  	[sflag:s28] =	ssyncset.done $0x0  }
0x4d: {  	[sflag:s28] =	ssyncadd.s32 $0xFFFFC000  }
0x4e: {  	_ =	swait.ge [sflag:s29], $0x4000  }
0x4f: {  	[sflag:s29] =	ssyncset.done $0x0  }
0x50: {  	s12 =	sadd.s32 s18, s4;
	[sflag:s29] =	ssyncadd.s32 $0xFFFFC000  }
0x51: {  	[hbm4b:s12+s3] =	stream.linear.scatter [tilespmem:s22], [sflag:$0x5], $0x4000, $0x38;
	[tilespmem:$0x12800] =	vst v63  }
0x52: {  	s9 =	sadd.s32 s18, s5  }
0x53: {  	[hbm4b:s9+s3] =	stream.linear.scatter [tilespmem:s23], [sflag:$0x7], $0x4000, $0x38;
	[tilespmem:$0x12800] =	vst v63  }
0x54: {  	_ =	swait.ge [sflag:s30], $0x4000  }
0x55: {  	[sflag:s30] =	ssyncset.done $0x0  }
0x56: {  	[sflag:s30] =	ssyncadd.s32 $0xFFFFC000  }
0x57: {  	_ =	swait.ge [sflag:s31], $0x4000  }
0x58: {  	[sflag:s31] =	ssyncset.done $0x0  }
0x59: {  	s10 =	simm.s32 $0x1600;
	[sflag:s31] =	ssyncadd.s32 $0xFFFFC000  }
0x5a: {  	[tilespmem:s22], [sflag:$0x1] =	stream.indirect.gather [hbm4b:s2+s21], $0x80, s10, s21, $0xb8;
	[tilespmem:$0x12800] =	vst v63  }
0x5b: {  	s11 =	simm.s32 $0x200  }
0x5c: {  	[tilespmem:s23], [sflag:$0x3] =	stream.indirect.gather [hbm4b:s2+s21], $0x80, s11, s21, $0xb8;
	[tilespmem:$0x12800] =	vst v63  }
0x5d: {  	_ =	swait.ge [sflag:s24], $0x4000  }
0x5e: {  	[sflag:s24] =	ssyncset.done $0x0  }
0x5f: {  	[sflag:s24] =	ssyncadd.s32 $0xFFFFC000  }
0x60: {  	s8 =	simm.s32 $0x400;
	_ =	swait.ge [sflag:s1], $0x4000  }
0x61: {  	s12 =	sadd.s32 s17, s4;
	s9 =	sadd.s32 $0x1000, s17;
	[sflag:s1] =	ssyncset.done $0x0  }
0x62: {  	s10 =	sadd.s32 $0x1000, s18;
	s11 =	sadd.s32 s17, s5;
	[sflag:s1] =	ssyncadd.s32 $0xFFFFC000  }
0x63: {  	[hbm4b:s12+s3] =	stream.linear.scatter [tilespmem:s25], [sflag:$0x6], $0x4000, $0x38;
	[tilespmem:$0x12800] =	vst v63  }
.LBB2_2:
0x64: {  	[hbm4b:s11+s3] =	stream.linear.scatter [tilespmem:s26], [sflag:$0x8], $0x4000, $0x38;
	[tilespmem:$0x12800] =	vst v63  }
0x65: {  	s11 =	smov.u32 s8  }
0x66: {  	p0 =	sne.s32 s8, $0x4400;
	s8 =	sadd.s32 $0x400, s8;
	_ =	swait.ge [sflag:s0], $0x4000  }
0x67: {  	[sflag:s0] =	ssyncset.done $0x0  }
0x68: {  	[sflag:s0] =	ssyncadd.s32 $0xFFFFC000  }
0x69: {  	_ =	swait.ge [sflag:s6], $0x4000  }
0x6a: {  	s11 =	sshra.s32 s11, $0x2;
	[sflag:s6] =	ssyncset.done $0x0  }
0x6b: {  	s12 =	sadd.s32 $0x1580, s11;
	[sflag:s6] =	ssyncadd.s32 $0xFFFFC000  }
0x6c: {  	[tilespmem:s25], [sflag:$0x2] =	stream.indirect.gather [hbm4b:s2+s21], $0x80, s12, s21, $0xb8;
	[tilespmem:$0x12800] =	vst v63  }
0x6d: {  	s12 =	sadd.s32 $0x180, s11  }
0x6e: {  	[tilespmem:s26], [sflag:$0x4] =	stream.indirect.gather [hbm4b:s2+s21], $0x80, s12, s21, $0xb8;
	[tilespmem:$0x12800] =	vst v63  }
0x6f: {  	_ =	swait.ge [sflag:s28], $0x4000  }
0x70: {  	[sflag:s28] =	ssyncset.done $0x0  }
0x71: {  	[sflag:s28] =	ssyncadd.s32 $0xFFFFC000  }
0x72: {  	_ =	swait.ge [sflag:s29], $0x4000  }
0x73: {  	[sflag:s29] =	ssyncset.done $0x0  }
0x74: {  	s12 =	sadd.s32 s10, s4;
	[sflag:s29] =	ssyncadd.s32 $0xFFFFC000  }
0x75: {  	[hbm4b:s12+s3] =	stream.linear.scatter [tilespmem:s22], [sflag:$0x5], $0x4000, $0x38;
	[tilespmem:$0x12800] =	vst v63  }
0x76: {  	s12 =	sadd.s32 s10, s5  }
0x77: {  	[hbm4b:s12+s3] =	stream.linear.scatter [tilespmem:s23], [sflag:$0x7], $0x4000, $0x38;
	[tilespmem:$0x12800] =	vst v63  }
0x78: {  	_ =	swait.ge [sflag:s30], $0x4000  }
0x79: {  	[sflag:s30] =	ssyncset.done $0x0  }
0x7a: {  	[sflag:s30] =	ssyncadd.s32 $0xFFFFC000  }
0x7b: {  	_ =	swait.ge [sflag:s31], $0x4000  }
0x7c: {  	[sflag:s31] =	ssyncset.done $0x0  }
0x7d: {  	s12 =	sadd.s32 $0x1600, s11;
	[sflag:s31] =	ssyncadd.s32 $0xFFFFC000  }
0x7e: {  	[tilespmem:s22], [sflag:$0x1] =	stream.indirect.gather [hbm4b:s2+s21], $0x80, s12, s21, $0xb8;
	[tilespmem:$0x12800] =	vst v63  }
0x7f: {  	s11 =	sadd.s32 $0x200, s11  }
0x80: {  	[tilespmem:s23], [sflag:$0x3] =	stream.indirect.gather [hbm4b:s2+s21], $0x80, s11, s21, $0xb8;
	[tilespmem:$0x12800] =	vst v63  }
0x81: {  	_ =	swait.ge [sflag:s24], $0x4000  }
0x82: {  	[sflag:s24] =	ssyncset.done $0x0  }
0x83: {  	[sflag:s24] =	ssyncadd.s32 $0xFFFFC000  }
.Ltmp0:
0x84: {  	_ =	swait.ge [sflag:s1], $0x4000;
	(pc) =	sbr.rel @p0 .LBB2_2-.Ltmp0, $4  }
0x85: {  	[sflag:s1] =	ssyncset.done $0x0  }
0x86: {  	s11 =	sadd.s32 s9, s4;
	[sflag:s1] =	ssyncadd.s32 $0xFFFFC000  }
0x87: {  	[hbm4b:s11+s3] =	stream.linear.scatter [tilespmem:s25], [sflag:$0x6], $0x4000, $0x38;
	[tilespmem:$0x12800] =	vst v63  }
0x88: {  	s10 =	sadd.s32 $0x1000, s10;
	s11 =	sadd.s32 s9, s5;
	s9 =	sadd.s32 $0x1000, s9  }
0x89: {  	[hbm4b:s11+s3] =	stream.linear.scatter [tilespmem:s26], [sflag:$0x8], $0x4000, $0x38;
	[tilespmem:$0x12800] =	vst v63  }
0x8a: {  	_ =	swait.ge [sflag:s0], $0x4000  }
0x8b: {  	[sflag:s0] =	ssyncset.done $0x0  }
0x8c: {  	[sflag:s0] =	ssyncadd.s32 $0xFFFFC000  }
0x8d: {  	_ =	swait.ge [sflag:s6], $0x4000  }
0x8e: {  	[sflag:s6] =	ssyncset.done $0x0  }
0x8f: {  	s8 =	simm.s32 $0x2780;
	[sflag:s6] =	ssyncadd.s32 $0xFFFFC000  }
0x90: {  	[tilespmem:s25], [sflag:$0x2] =	stream.indirect.gather [hbm4b:s2+s21], $0x80, s8, s21, $0xb8;
	[tilespmem:$0x12800] =	vst v63  }
0x91: {  	s11 =	simm.s32 $0x1380  }
0x92: {  	[tilespmem:s26], [sflag:$0x4] =	stream.indirect.gather [hbm4b:s2+s21], $0x80, s11, s21, $0xb8;
	[tilespmem:$0x12800] =	vst v63  }
0x93: {  	_ =	swait.ge [sflag:s28], $0x4000  }
0x94: {  	[sflag:s28] =	ssyncset.done $0x0  }
0x95: {  	[sflag:s28] =	ssyncadd.s32 $0xFFFFC000  }
0x96: {  	_ =	swait.ge [sflag:s29], $0x4000  }
0x97: {  	[sflag:s29] =	ssyncset.done $0x0  }
0x98: {  	[sflag:s29] =	ssyncadd.s32 $0xFFFFC000  }
0x99: {  	[hbm4b:s13+s3] =	stream.linear.scatter [tilespmem:s22], [sflag:$0x5], $0x4000, $0x38;
	[tilespmem:$0x12800] =	vst v63  }
0x9a: {  	_ = 	snop  }
0x9b: {  	[hbm4b:s14+s3] =	stream.linear.scatter [tilespmem:s23], [sflag:$0x7], $0x4000, $0x38;
	[tilespmem:$0x12800] =	vst v63  }
0x9c: {  	_ =	swait.ge [sflag:s24], $0x4000  }
0x9d: {  	[sflag:s24] =	ssyncset.done $0x0  }
0x9e: {  	[sflag:s24] =	ssyncadd.s32 $0xFFFFC000  }
0x9f: {  	_ =	swait.ge [sflag:s1], $0x4000  }
0xa0: {  	[sflag:s1] =	ssyncset.done $0x0  }
0xa1: {  	[sflag:s1] =	ssyncadd.s32 $0xFFFFC000  }
0xa2: {  	[hbm4b:s15+s3] =	stream.linear.scatter [tilespmem:s25], [sflag:$0x6], $0x4000, $0x38;
	[tilespmem:$0x12800] =	vst v63  }
0xa3: {  	_ = 	snop  }
0xa4: {  	[hbm4b:s16+s3] =	stream.linear.scatter [tilespmem:s26], [sflag:$0x8], $0x4000, $0x38;
	[tilespmem:$0x12800] =	vst v63  }
0xa5: {  	_ =	swait.ge [sflag:s30], $0x4000  }
0xa6: {  	[sflag:s30] =	ssyncset.done $0x0  }
0xa7: {  	[sflag:s30] =	ssyncadd.s32 $0xFFFFC000  }
0xa8: {  	_ =	swait.ge [sflag:s31], $0x4000  }
0xa9: {  	[sflag:s31] =	ssyncset.done $0x0  }
0xaa: {  	[sflag:s31] =	ssyncadd.s32 $0xFFFFC000  }
0xab: {  	_ =	swait.ge [sflag:s0], $0x4000  }
0xac: {  	[sflag:s0] =	ssyncset.done $0x0  }
0xad: {  	[sflag:s0] =	ssyncadd.s32 $0xFFFFC000  }
0xae: {  	_ =	swait.ge [sflag:s6], $0x4000  }
0xaf: {  	s7 =	sadd.s32 $0x1, s7;
	s12 =	rddreg [dreg:$0x5]  }
0xb0: {  	p0 =	sne.s32 s7, s12  }
.Ltmp1:
0xb1: {  	_ = 	snop;
	(pc) =	sbr.rel @p0 .LBB2_1-.Ltmp1, $3  }
0xb2: {  	_ =	sdelay $0x1  }
0xb3: {  	[sflag:s6] =	ssyncset.done $0x0  }
0xb4: {  	[sflag:s6] =	ssyncadd.s32 $0xFFFFC000  }
0xb5: {  	_ =	sfence.sel $0x180000  }
0xb6: {  	[bflag:$0x0] =	sbarrier.arrive $0xFFFF  }
0xb7: {  	_ =	strace $0x90000047  }
0xb8: {  	s0 =	stileid.u32;
	[bflag:$0x2] =	sbarrier.arrive $0xFFFF  }
0xb9: {  	p0 =	sne.s32 s0, $0x0;
	s0 =	rddreg [dreg:$0x2]  }
0xba: {  	s0 =	sadd.s32 @!p0 $0x100000, s0  }
0xbb: {  	[sflag:s0] =	ssyncadd.tile.s32 @!p0 $0x1;
	_ =	shalt  }
.Lfunc_end2:
_tile_overlayer_lowered:
.L_overlay_start_2:
0xbc: {  	(tag) =	ssettag $0x2  }
0xbd: {  	s0 =	rddreg [dreg:$0x0];
	s2 =	stileid.u32  }
0xbe: {  	s1 =	rddreg [dreg:$0x1];
	p0 =	sne.s32 s2, $0x0  }
0xbf: {  	s3 =	rddreg [dreg:$0x2];
	[bflag:$0x3] =	sbarrier.arrive $0xFFFF;
	s2 =	simm.s32 @!p0 $0x1C09  }
0xc0: {  	[timem:s3], [sflag:s2] =	dma.local @!p0 [hbm:s0], s1  }
0xc1: {  	s0 =	simm.s32 @!p0 $0x9  }
0xc2: {  	_ =	swait.ge @!p0 [sflag:s0], s1  }
0xc3: {  	s1 =	ssub.s32 @!p0 $0x0, s1;
	[sflag:s0] =	ssyncset.done @!p0 $0x0  }
0xc4: {  	[sflag:s0] =	ssyncadd.s32 @!p0 s1  }
0xc5: {  	[bflag:$0x3] =	sbarrier.arrive $0xFFFF  }
0xc6: {  	_ =	shalt  }

</sc_bundles>
